<compile_context>
chip_gen: v7x
topology: tpu7x:2x2x1
jax: 0.10.2.dev20260603
libtpu: 0.0.44.dev20260713+nightly
codegen_flags: <defaults>
</compile_context>

<pallas_src>
import functools
import math

import jax
import jax.numpy as jnp
from jax import lax
from jax.experimental import pallas as pl
from jax.experimental.pallas import tpu as pltpu
from jax.experimental.pallas import tpu_sc as plsc

TOP_K = 2
CAPACITY_FACTOR = 1.0
MIN_CAPACITY = 1
EPS = 1e-6


def _pack_bf16(x):
    r, d = x.shape
    lo = lax.bitcast_convert_type(x[:, :d // 2].astype(jnp.bfloat16),
                                  jnp.uint16).astype(jnp.uint32)
    hi = lax.bitcast_convert_type(x[:, d // 2:].astype(jnp.bfloat16),
                                  jnp.uint16).astype(jnp.uint32)
    return lax.bitcast_convert_type(lo | (hi << 16), jnp.float32)


def _unpack_bf16(p, dtype=jnp.float32):
    u = lax.bitcast_convert_type(p, jnp.uint32)
    lo = lax.bitcast_convert_type((u & 0xFFFF).astype(jnp.uint16),
                                  jnp.bfloat16).astype(dtype)
    hi = lax.bitcast_convert_type((u >> 16).astype(jnp.uint16),
                                  jnp.bfloat16).astype(dtype)
    return jnp.concatenate([lo, hi], axis=1)



def _router_body(x0_ref, ln_s_ref, ln_b_ref, wr_ref, br_ref,
                 x_ref, s0_ref, s1_ref, w0_ref, w1_ref, cnt_ref,
                 carry_ref, *, tb, e, cap, dummy):
    i = pl.program_id(0)

    @pl.when(i == 0)
    def _():
        carry_ref[...] = jnp.zeros_like(carry_ref)

    xb = x0_ref[0]
    mean = jnp.mean(xb, axis=1, keepdims=True)
    var = jnp.mean((xb - mean) * (xb - mean), axis=1, keepdims=True)
    xn = (xb - mean) * lax.rsqrt(var + EPS) * ln_s_ref[...] + ln_b_ref[...]
    x = jnp.maximum(xn, 0.0)
    x_ref[...] = _pack_bf16(x)

    logits = jnp.dot(x, wr_ref[...], preferred_element_type=jnp.float32)
    logits = logits + br_ref[...]

    lane = lax.broadcasted_iota(jnp.int32, (tb, e), 1)
    big = jnp.int32(e + 1)
    m0 = jnp.max(logits, axis=1, keepdims=True)
    i0 = jnp.min(jnp.where(logits == m0, lane, big), axis=1)
    masked = jnp.where(lane == i0[:, None], -jnp.inf, logits)
    m1 = jnp.max(masked, axis=1, keepdims=True)
    i1 = jnp.min(jnp.where(masked == m1, lane, big), axis=1)

    e1 = jnp.exp(m1[:, 0] - m0[:, 0])
    g0 = 1.0 / (1.0 + e1)
    g1 = e1 / (1.0 + e1)

    oh0 = (lane == i0[:, None]).astype(jnp.float32)
    oh1 = (lane == i1[:, None]).astype(jnp.float32)
    both = oh0 + oh1

    r = lax.broadcasted_iota(jnp.int32, (tb, tb), 0)
    c = lax.broadcasted_iota(jnp.int32, (tb, tb), 1)
    tri = (r > c).astype(jnp.float32)
    prior = jnp.dot(tri, both, preferred_element_type=jnp.float32)
    prior = prior + carry_ref[...]

    pos0 = jnp.sum(prior * oh0, axis=1).astype(jnp.int32)
    pos1 = jnp.sum(prior * oh1, axis=1).astype(jnp.int32)

    carry_new = carry_ref[...] + jnp.sum(both, axis=0, keepdims=True)
    carry_ref[...] = carry_new
    cnt_ref[...] = carry_new.astype(jnp.int32)

    keep0 = pos0 < cap
    keep1 = pos1 < cap
    s0 = jnp.where(keep0, i0 * cap + pos0, dummy)
    s1 = jnp.where(keep1, i1 * cap + pos1, dummy)
    w0 = jnp.where(keep0, g0, 0.0)
    w1 = jnp.where(keep1, g1, 0.0)

    s0_ref[...] = s0
    s1_ref[...] = s1
    w0_ref[...] = jnp.broadcast_to(w0.reshape(tb, 1), (tb, 128))
    w1_ref[...] = jnp.broadcast_to(w1.reshape(tb, 1), (tb, 128))


def _run_router(x0, ln0_scale, ln0_bias, wr, br, *, cap, dummy):
    b, s, d = x0.shape
    n = b * s
    e = wr.shape[1]
    tb = 256
    nb = n // tb
    body = functools.partial(_router_body, tb=tb, e=e, cap=cap, dummy=dummy)
    out_shapes = (
        jax.ShapeDtypeStruct((n, d // 2), jnp.float32),
        jax.ShapeDtypeStruct((n,), jnp.int32),
        jax.ShapeDtypeStruct((n,), jnp.int32),
        jax.ShapeDtypeStruct((n, 128), jnp.float32),
        jax.ShapeDtypeStruct((n, 128), jnp.float32),
        jax.ShapeDtypeStruct((1, e), jnp.int32),
    )
    grid = (nb,)
    in_specs = [
            pl.BlockSpec((1, tb, d), lambda i: (0, i, 0)),
            pl.BlockSpec((1, d), lambda i: (0, 0)),
            pl.BlockSpec((1, d), lambda i: (0, 0)),
            pl.BlockSpec((d, e), lambda i: (0, 0)),
            pl.BlockSpec((1, e), lambda i: (0, 0)),
    ]
    out_specs = [
            pl.BlockSpec((tb, d // 2), lambda i: (i, 0)),
            pl.BlockSpec((tb,), lambda i: (i,)),
            pl.BlockSpec((tb,), lambda i: (i,)),
            pl.BlockSpec((tb, 128), lambda i: (i, 0)),
            pl.BlockSpec((tb, 128), lambda i: (i, 0)),
            pl.BlockSpec((1, e), lambda i: (0, 0)),
    ]
    return pl.pallas_call(
        body,
        grid=grid,
        in_specs=in_specs,
        out_specs=out_specs,
        out_shape=out_shapes,
        scratch_shapes=[pltpu.VMEM((1, e), jnp.float32)],
        compiler_params=pltpu.CompilerParams(
            dimension_semantics=("arbitrary",)),
    )(x0, ln0_scale.reshape(1, d), ln0_bias.reshape(1, d), wr,
      br.reshape(1, e))



def _dispatch_sc(x, s0, s1, w0, w1, *, rows_out, dummy):
    n, d = x.shape
    info = plsc.get_sparse_core_info()
    nc, ns = info.num_cores, info.num_subcores
    nw = nc * ns
    tpw = n // nw
    mesh = plsc.VectorSubcoreMesh(core_axis_name="c", subcore_axis_name="s")

    @functools.partial(
        pl.kernel,
        out_type=(jax.ShapeDtypeStruct((rows_out, d), jnp.float32),
                  jax.ShapeDtypeStruct((rows_out, 128), jnp.float32),
                  jax.ShapeDtypeStruct((rows_out, 128), jnp.int32)),
        mesh=mesh,
        scratch_types=[
            pltpu.VMEM((tpw, d), jnp.float32),
            pltpu.VMEM((tpw, 128), jnp.float32),
            pltpu.VMEM((tpw, 128), jnp.float32),
            pltpu.VMEM((tpw, 128), jnp.int32),
            pltpu.VMEM((tpw,), jnp.int32),
            pltpu.VMEM((tpw,), jnp.int32),
            pltpu.SemaphoreType.DMA,
        ],
    )
    def k(x_hbm, s0_hbm, s1_hbm, w0_hbm, w1_hbm, out_hbm, wout_hbm,
          tok_hbm, xrows, w0r, w1r, tokr, s0v, s1v, sem):
        wid = lax.axis_index("s") * nc + lax.axis_index("c")
        base = wid * tpw
        pltpu.sync_copy(x_hbm.at[pl.ds(base, tpw)], xrows)
        pltpu.sync_copy(w0_hbm.at[pl.ds(base, tpw)], w0r)
        pltpu.sync_copy(w1_hbm.at[pl.ds(base, tpw)], w1r)
        pltpu.sync_copy(s0_hbm.at[pl.ds(base, tpw)], s0v)
        pltpu.sync_copy(s1_hbm.at[pl.ds(base, tpw)], s1v)
        my_dummy = jnp.full((16,), dummy, jnp.int32) + wid
        for cchunk in range(tpw // 16):
            sl = pl.ds(cchunk * 16, 16)
            v0 = s0v[sl]
            s0v[sl] = jnp.where(v0 == dummy, my_dummy, v0)
            v1 = s1v[sl]
            s1v[sl] = jnp.where(v1 == dummy, my_dummy, v1)

        def tok_body(j, _):
            row = jnp.zeros((16,), jnp.int32) + (base + j)
            for cc in range(128 // 16):
                tokr[j, pl.ds(cc * 16, 16)] = row
            return 0

        lax.fori_loop(0, tpw, tok_body, 0)
        d0 = pltpu.async_copy(xrows, out_hbm.at[s0v], sem)
        d1 = pltpu.async_copy(w0r, wout_hbm.at[s0v], sem)
        d2 = pltpu.async_copy(tokr, tok_hbm.at[s0v], sem)
        d0.wait()
        d1.wait()
        d2.wait()

        def tok_body2(j, _):
            row = jnp.zeros((16,), jnp.int32) + (base + n + j)
            for cc in range(128 // 16):
                tokr[j, pl.ds(cc * 16, 16)] = row
            return 0

        lax.fori_loop(0, tpw, tok_body2, 0)
        d3 = pltpu.async_copy(xrows, out_hbm.at[s1v], sem)
        d4 = pltpu.async_copy(w1r, wout_hbm.at[s1v], sem)
        d5 = pltpu.async_copy(tokr, tok_hbm.at[s1v], sem)
        d3.wait()
        d4.wait()
        d5.wait()

    return k(x, s0, s1, w0, w1)



def _mlp_body(cnt_ref, ei_ref, ws_ref, w1_ref, b1_ref, lns_ref, lnb_ref,
              w2_ref, b2_ref, y_ref, *, cap, hb):
    i = pl.program_id(0)
    j = pl.program_id(1)
    a = _unpack_bf16(ei_ref[...])
    h = jnp.dot(a, w1_ref[0], preferred_element_type=jnp.float32)
    h = h + b1_ref[0]
    mean = jnp.mean(h, axis=1, keepdims=True)
    var = jnp.mean((h - mean) * (h - mean), axis=1, keepdims=True)
    h = (h - mean) * lax.rsqrt(var + EPS) * lns_ref[0] + lnb_ref[0]
    h = jnp.maximum(h, 0.0)
    y = jnp.dot(h, w2_ref[0], preferred_element_type=jnp.float32)
    y = y + b2_ref[0]
    y = y * ws_ref[:, :1]
    filled = jnp.minimum(cnt_ref[i], cap)
    rows = lax.broadcasted_iota(jnp.int32, (hb, 1), 0) + j * hb
    y_ref[...] = _pack_bf16(jnp.where(rows < filled, y, 0.0))


def _run_mlp(ei_full, wslot, w1, b1, lns, lnb, w2, b2, counts, *, cap):
    e, d, h = w1.shape
    ns = 1
    hb = cap // ns
    grid_spec = pltpu.PrefetchScalarGridSpec(
        num_scalar_prefetch=1,
        grid=(e, ns),
        in_specs=[
            pl.BlockSpec((hb, d // 2), lambda i, j, cnt: (i * ns + j, 0)),
            pl.BlockSpec((hb, 128), lambda i, j, cnt: (i * ns + j, 0)),
            pl.BlockSpec((1, d, h), lambda i, j, cnt: (i, 0, 0)),
            pl.BlockSpec((1, 1, h), lambda i, j, cnt: (i, 0, 0)),
            pl.BlockSpec((1, 1, h), lambda i, j, cnt: (i, 0, 0)),
            pl.BlockSpec((1, 1, h), lambda i, j, cnt: (i, 0, 0)),
            pl.BlockSpec((1, h, d), lambda i, j, cnt: (i, 0, 0)),
            pl.BlockSpec((1, 1, d), lambda i, j, cnt: (i, 0, 0)),
        ],
        out_specs=pl.BlockSpec((hb, d // 2),
                               lambda i, j, cnt: (i * ns + j, 0)),
    )
    return pl.pallas_call(
        functools.partial(_mlp_body, cap=cap, hb=hb),
        grid_spec=grid_spec,
        out_shape=jax.ShapeDtypeStruct((e * cap, d // 2), jnp.float32),
        compiler_params=pltpu.CompilerParams(
            dimension_semantics=("arbitrary", "arbitrary")),
    )(counts, ei_full, wslot, w1, b1.reshape(e, 1, h), lns.reshape(e, 1, h),
      lnb.reshape(e, 1, h), w2, b2.reshape(e, 1, d))



def _combine_sc(y, tokslot, counts16, *, n, cap):
    ncap, d = y.shape
    info = plsc.get_sparse_core_info()
    nc, ns = info.num_cores, info.num_subcores
    nw = nc * ns
    rpw = ncap // nw
    mesh = plsc.VectorSubcoreMesh(core_axis_name="c", subcore_axis_name="s")
    wpe = cap // rpw

    @functools.partial(
        pl.kernel,
        out_type=jax.ShapeDtypeStruct((2 * n + nw, d), jnp.float32),
        mesh=mesh,
        scratch_types=[
            pltpu.VMEM((rpw, d), jnp.float32),
            pltpu.VMEM((rpw, 128), jnp.int32),
            pltpu.VMEM((rpw,), jnp.int32),
            pltpu.VMEM((16, 16), jnp.int32),
            pltpu.SemaphoreType.DMA,
        ],
    )
    def k(y_hbm, tok_hbm, cnt_hbm, yg_hbm, ybuf, tokb, dstv, cntv, sem):
        wid = lax.axis_index("s") * nc + lax.axis_index("c")
        base = wid * rpw
        eid = wid // wpe
        pltpu.sync_copy(cnt_hbm, cntv)
        pltpu.sync_copy(y_hbm.at[pl.ds(base, rpw)], ybuf)
        pltpu.sync_copy(tok_hbm.at[pl.ds(base, rpw)], tokb)
        lanes = lax.iota(jnp.int32, 16)
        filled = jnp.minimum(cntv[eid], cap)
        trash = jnp.full((16,), 2 * n, jnp.int32) + wid
        for cc in range(rpw // 16):
            codes = jnp.zeros((16,), jnp.int32)
            for i in range(16):
                codes = jnp.where(lanes == i, tokb[cc * 16 + i, pl.ds(0, 16)],
                                  codes)
            pos = (base - eid * cap + cc * 16) + lanes
            valid = pos < filled
            dstv[pl.ds(cc * 16, 16)] = jnp.where(valid, codes, trash)
        pltpu.async_copy(ybuf, yg_hbm.at[dstv], sem).wait()

    return k(y, tokslot, counts16)


def _residual_sum_body(x0_ref, y0_ref, y1_ref, w0_ref, w1_ref, out_ref):
    m0 = w0_ref[:, :1] > 0.0
    m1 = w1_ref[:, :1] > 0.0
    y0 = jnp.where(m0, _unpack_bf16(y0_ref[...]), 0.0)
    y1 = jnp.where(m1, _unpack_bf16(y1_ref[...]), 0.0)
    out_ref[0] = x0_ref[0] + y0 + y1


def _run_residual_sum(x0, yg, w0, w1):
    b, s, d = x0.shape
    n = b * s
    tb = 256
    spec3 = pl.BlockSpec((1, tb, d), lambda i: (0, i, 0))
    wspec = pl.BlockSpec((tb, 128), lambda i: (i, 0))
    nb = n // tb
    return pl.pallas_call(
        _residual_sum_body,
        grid=(nb,),
        in_specs=[
            spec3,
            pl.BlockSpec((tb, d // 2), lambda i: (i, 0)),
            pl.BlockSpec((tb, d // 2), lambda i: (i + nb, 0)),
            wspec,
            wspec,
        ],
        out_specs=spec3,
        out_shape=jax.ShapeDtypeStruct((b, s, d), jnp.float32),
        compiler_params=pltpu.CompilerParams(
            dimension_semantics=("arbitrary",)),
    )(x0, yg, yg, w0, w1)



def kernel(x0, ln0_scale, ln0_bias, Wr, br, W1, b1, ln1_scale, ln1_bias,
           W2, b2):
    B, S, D = x0.shape
    N = B * S
    E = Wr.shape[-1]
    cap = max(MIN_CAPACITY, int(math.ceil(CAPACITY_FACTOR * N * TOP_K / E)))
    ncap = E * cap
    dummy = ncap
    nw = 32
    rows_out = ncap + nw

    x, s0, s1, w0_3d, w1_3d, counts = _run_router(
        x0, ln0_scale, ln0_bias, Wr, br, cap=cap, dummy=dummy)

    ei_full, wslot, tokslot = _dispatch_sc(x, s0, s1, w0_3d, w1_3d,
                                           rows_out=rows_out, dummy=dummy)
    y = _run_mlp(ei_full, wslot, W1, b1, ln1_scale, ln1_bias, W2, b2,
                 counts.reshape(E), cap=cap)
    counts16 = jnp.concatenate(
        [counts.reshape(E), jnp.zeros(16 - E, jnp.int32)])
    counts2d = jnp.broadcast_to(counts16[:, None], (16, 16))
    yg = _combine_sc(y, tokslot, counts2d, n=N, cap=cap)
    return _run_residual_sum(x0, yg, w0_3d, w1_3d)

# --- scband reference (transcript-rebuilt; emitter-appended) ---
"""Pipeline reference for scband-mo-epre-activation-res-block-9560597201203 (READ-ONLY COPY).

The authoritative reference and input builder live on the scoring server;
editing this copy changes nothing except your own understanding.
"""

import math
import jax
import jax.numpy as jnp
import numpy as np

TOP_K = 2
CAPACITY_FACTOR = 1.0
MIN_CAPACITY = 1
ROUTER_TEMP = 1.0


def layer_norm(x, scale, bias, eps=1e-6):
    mean = jnp.mean(x, axis=-1, keepdims=True)
    var = jnp.var(x, axis=-1, keepdims=True)
    return (x - mean) / jnp.sqrt(var + eps) * scale + bias


def setup_inputs(seed: int = 0):
    key = jax.random.key(seed)
    ks = jax.random.split(key, 8)
    B, S, D, H, E = 1, 2048, 768, 768, 8
    x0 = jax.random.normal(ks[0], (B, S, D), dtype=jnp.float32)
    ln0_scale = jnp.ones((D,), jnp.float32)
    ln0_bias = jnp.zeros((D,), jnp.float32)
    Wr = jax.random.normal(ks[1], (D, E), dtype=jnp.float32) / math.sqrt(D)
    br = jnp.zeros((E,), jnp.float32)
    W1 = jax.random.normal(ks[2], (E, D, H), dtype=jnp.float32) / math.sqrt(D)
    b1 = jnp.zeros((E, H), jnp.float32)
    ln1_scale = jnp.ones((E, H), jnp.float32)
    ln1_bias = jnp.zeros((E, H), jnp.float32)
    W2 = jax.random.normal(ks[3], (E, H, D), dtype=jnp.float32) / math.sqrt(H)
    b2 = jnp.zeros((E, D), jnp.float32)
    return {"x0": x0, "ln0_scale": ln0_scale, "ln0_bias": ln0_bias, "Wr": Wr, "br": br,
            "W1": W1, "b1": b1, "ln1_scale": ln1_scale, "ln1_bias": ln1_bias, "W2": W2, "b2": b2}


def reference(x0, ln0_scale, ln0_bias, Wr, br, W1, b1, ln1_scale, ln1_bias, W2, b2):
    B, S, D = x0.shape
    N = B * S
    E = Wr.shape[-1]
    x0_flat = x0.reshape(N, D)
    # pre-activation: norm + relu
    x = layer_norm(x0_flat, ln0_scale, ln0_bias)
    x = jax.nn.relu(x)
    # router
    logits = x @ Wr + br
    scaled_logits = logits.astype(jnp.float32) / max(ROUTER_TEMP, 1e-06)
    top_vals, top_idx = jax.lax.top_k(scaled_logits, TOP_K)
    top_gates = jax.nn.softmax(top_vals, axis=-1)
    top_k = top_idx.shape[1]
    capacity = max(MIN_CAPACITY, int(math.ceil(CAPACITY_FACTOR * N * top_k / E)))
    # dispatch
    x_flat = jnp.repeat(x, top_k, axis=0) if top_k > 1 else x
    expert_idx = top_idx.reshape(-1)
    gate_flat = top_gates.reshape(-1).astype(jnp.float32)
    expert_one_hot = jax.nn.one_hot(expert_idx, E, dtype=jnp.int32)
    positions = jnp.cumsum(expert_one_hot, axis=0) - 1
    pos = jnp.sum(positions * expert_one_hot, axis=1).astype(jnp.int32)
    mask = (pos < capacity).astype(jnp.float32)
    pos_one_hot = jax.nn.one_hot(pos, capacity, dtype=jnp.float32)
    dispatch = expert_one_hot.astype(jnp.float32)[:, :, None] * pos_one_hot[:, None, :]
    dispatch = dispatch * mask[:, None, None]
    expert_inputs = jnp.einsum('bec,bd->ecd', dispatch, x_flat)
    # experts: MLP(node_size) = Dense + LayerNorm + relu, then Dense(out_dim), no final norm
    h = jnp.einsum('ecd,edh->ech', expert_inputs, W1) + b1[:, None, :]
    h = layer_norm(h, ln1_scale[:, None, :], ln1_bias[:, None, :])
    h = jax.nn.relu(h)
    y = jnp.einsum('ech,ehd->ecd', h, W2) + b2[:, None, :]
    # combine
    combine = dispatch * gate_flat[:, None, None]
    y_flat = jnp.einsum('bec,ecd->bd', combine, y)
    mixture = y_flat.reshape(N, top_k, D).sum(axis=1)
    mixture = mixture.reshape(B, S, D)
    return x0 + mixture

if __name__ == "__main__":
    import jax
    _d = setup_inputs()
    print(jax.jit(kernel)(*tuple(_d.values())))

</pallas_src>

<mosaic_0001>
#map = affine_map<(d0, d1) -> (0, 0)>
module attributes {stable_mosaic.version = 14 : i64} {
  func.func @k(%arg0: i32, %arg1: i32, %arg2: memref<4096x384xf32, #tpu.memory_space<hbm>>, %arg3: memref<4128x128xi32, #tpu.memory_space<hbm>>, %arg4: memref<16x16xi32, #tpu.memory_space<hbm>>, %arg5: memref<4128x384xf32, #tpu.memory_space<hbm>>, %arg6: memref<128x384xf32, #tpu.memory_space<vmem>>, %arg7: memref<128x128xi32, #tpu.memory_space<vmem>>, %arg8: memref<128xi32, #tpu.memory_space<vmem>>, %arg9: memref<16x16xi32, #tpu.memory_space<vmem>>, %arg10: memref<!tpu.dma_semaphore, #tpu.memory_space<semaphore_mem>>) attributes {dimension_semantics = [#tpu.dimension_semantics<core_parallel>, #tpu.dimension_semantics<subcore_parallel>], iteration_bounds = array<i64: 2, 16>, scalar_prefetch = 0 : i64, scratch_operands = 5 : i64, tpu.core_type = #tpu.core_type<sc_vector_subcore>, window_params = [{transform_indices = #map}, {transform_indices = #map}, {transform_indices = #map}, {transform_indices = #map}]} {
    %mul3A = arith.constant 2 : i32
    %mul3A_0 = arith.muli %arg1, %mul3A : i32
    %add3A = arith.addi %mul3A_0, %arg0 : i32
    %mul3A_1 = arith.constant 128 : i32
    %mul3A_2 = arith.muli %add3A, %mul3A_1 : i32
    %jit3A = arith.constant 4 : i32
    %div3A = arith.divsi %add3A, %jit3A : i32
    %sign3A = arith.constant 0 : i32
    %sign3A_3 = arith.cmpi sgt, %add3A, %sign3A : i32
    %sign3A_4 = arith.extui %sign3A_3 : i1 to i32
    %sign3A_5 = arith.constant 0 : i32
    %sign3A_6 = arith.cmpi slt, %add3A, %sign3A_5 : i32
    %sign3A_7 = arith.extui %sign3A_6 : i1 to i32
    %sign3A_8 = arith.subi %sign3A_4, %sign3A_7 : i32
    %sign3A_9 = arith.constant 0 : i32
    %sign3A_10 = arith.cmpi sgt, %jit3A, %sign3A_9 : i32
    %sign3A_11 = arith.extui %sign3A_10 : i1 to i32
    %sign3A_12 = arith.constant 0 : i32
    %sign3A_13 = arith.cmpi slt, %jit3A, %sign3A_12 : i32
    %sign3A_14 = arith.extui %sign3A_13 : i1 to i32
    %sign3A_15 = arith.subi %sign3A_11, %sign3A_14 : i32
    %ne3A = arith.cmpi ne, %sign3A_8, %sign3A_15 : i32
    %rem3A = arith.remsi %add3A, %jit3A : i32
    %ne3A_16 = arith.constant 0 : i32
    %ne3A_17 = arith.cmpi ne, %rem3A, %ne3A_16 : i32
    %and3A = arith.andi %ne3A, %ne3A_17 : i1
    %sub3A = arith.constant 1 : i32
    %sub3A_18 = arith.subi %div3A, %sub3A : i32
    %select_n3A = arith.select %and3A, %sub3A_18, %div3A : i32
    "tpu.region"() ({
      %run_scoped3A = tpu.sem_alloc : memref<!tpu.dma_semaphore, #tpu.memory_space<semaphore_mem>>
      tpu.enqueue_dma source(%arg4 : memref<16x16xi32, #tpu.memory_space<hbm>>) target(%arg9 : memref<16x16xi32, #tpu.memory_space<vmem>>) target_semaphore(%run_scoped3A : memref<!tpu.dma_semaphore, #tpu.memory_space<semaphore_mem>>)
      tpu.wait_dma2 semaphore(%run_scoped3A : memref<!tpu.dma_semaphore, #tpu.memory_space<semaphore_mem>>) src(%arg4 : memref<16x16xi32, #tpu.memory_space<hbm>>) dst(%arg9 : memref<16x16xi32, #tpu.memory_space<vmem>>)
      tpu.yield
    }) : () -> ()
    "tpu.region"() ({
      %run_scoped3A = tpu.sem_alloc : memref<!tpu.dma_semaphore, #tpu.memory_space<semaphore_mem>>
      %dma_start3A_1300 = arith.constant 0 : i32
      %dma_start3A_1301 = tpu.memref_slice %arg2[%mul3A_2, %dma_start3A_1300] : memref<4096x384xf32, #tpu.memory_space<hbm>> -> memref<128x384xf32, #tpu.memory_space<hbm>>
      %dma_start3A_1302 = arith.constant 0 : i32
      %dma_start3A_1303 = tpu.memref_slice %arg2[%mul3A_2, %dma_start3A_1302] : memref<4096x384xf32, #tpu.memory_space<hbm>> -> memref<128x384xf32, #tpu.memory_space<hbm>>
      tpu.enqueue_dma source(%dma_start3A_1303 : memref<128x384xf32, #tpu.memory_space<hbm>>) target(%arg6 : memref<128x384xf32, #tpu.memory_space<vmem>>) target_semaphore(%run_scoped3A : memref<!tpu.dma_semaphore, #tpu.memory_space<semaphore_mem>>)
      %dma_wait3A_1304 = arith.constant 0 : i32
      %dma_wait3A_1305 = tpu.memref_slice %arg2[%mul3A_2, %dma_wait3A_1304] : memref<4096x384xf32, #tpu.memory_space<hbm>> -> memref<128x384xf32, #tpu.memory_space<hbm>>
      %dma_wait3A_1306 = arith.constant 0 : i32
      %dma_wait3A_1307 = tpu.memref_slice %arg2[%mul3A_2, %dma_wait3A_1306] : memref<4096x384xf32, #tpu.memory_space<hbm>> -> memref<128x384xf32, #tpu.memory_space<hbm>>
      tpu.wait_dma2 semaphore(%run_scoped3A : memref<!tpu.dma_semaphore, #tpu.memory_space<semaphore_mem>>) src(%dma_wait3A_1307 : memref<128x384xf32, #tpu.memory_space<hbm>>) dst(%arg6 : memref<128x384xf32, #tpu.memory_space<vmem>>)
      tpu.yield
    }) : () -> ()
    "tpu.region"() ({
      %run_scoped3A = tpu.sem_alloc : memref<!tpu.dma_semaphore, #tpu.memory_space<semaphore_mem>>
      %dma_start3A_1300 = arith.constant 0 : i32
      %dma_start3A_1301 = tpu.memref_slice %arg3[%mul3A_2, %dma_start3A_1300] : memref<4128x128xi32, #tpu.memory_space<hbm>> -> memref<128x128xi32, #tpu.memory_space<hbm>>
      %dma_start3A_1302 = arith.constant 0 : i32
      %dma_start3A_1303 = tpu.memref_slice %arg3[%mul3A_2, %dma_start3A_1302] : memref<4128x128xi32, #tpu.memory_space<hbm>> -> memref<128x128xi32, #tpu.memory_space<hbm>>
      tpu.enqueue_dma source(%dma_start3A_1303 : memref<128x128xi32, #tpu.memory_space<hbm>>) target(%arg7 : memref<128x128xi32, #tpu.memory_space<vmem>>) target_semaphore(%run_scoped3A : memref<!tpu.dma_semaphore, #tpu.memory_space<semaphore_mem>>)
      %dma_wait3A_1304 = arith.constant 0 : i32
      %dma_wait3A_1305 = tpu.memref_slice %arg3[%mul3A_2, %dma_wait3A_1304] : memref<4128x128xi32, #tpu.memory_space<hbm>> -> memref<128x128xi32, #tpu.memory_space<hbm>>
      %dma_wait3A_1306 = arith.constant 0 : i32
      %dma_wait3A_1307 = tpu.memref_slice %arg3[%mul3A_2, %dma_wait3A_1306] : memref<4128x128xi32, #tpu.memory_space<hbm>> -> memref<128x128xi32, #tpu.memory_space<hbm>>
      tpu.wait_dma2 semaphore(%run_scoped3A : memref<!tpu.dma_semaphore, #tpu.memory_space<semaphore_mem>>) src(%dma_wait3A_1307 : memref<128x128xi32, #tpu.memory_space<hbm>>) dst(%arg7 : memref<128x128xi32, #tpu.memory_space<vmem>>)
      tpu.yield
    }) : () -> ()
    %iota3A = tpu.iota {dimensions = array<i32: 0>} : vector<16xi32>
    %get3A = arith.index_cast %select_n3A : i32 to index
    %get3A_19 = arith.constant 0 : index
    %get3A_20 = tpu.vector_load %arg9[%get3A, %get3A_19] {strides = array<i32>} : memref<16x16xi32, #tpu.memory_space<vmem>>, vector<1x16xi32>,
    %get3A_21 = vector.shape_cast %get3A_20 : vector<1x16xi32> to vector<16xi32>
    %min3A = arith.constant 512 : i32
    %min3A_22 = vector.broadcast %min3A : i32 to vector<16xi32>
    %min3A_23 = arith.minsi %get3A_21, %min3A_22 : vector<16xi32>
    %broadcast_in_dim3A = arith.constant 4096 : i32
    %broadcast_in_dim3A_24 = vector.broadcast %broadcast_in_dim3A : i32 to vector<16xi32>
    %add3A_25 = vector.broadcast %add3A : i32 to vector<16xi32>
    %add3A_26 = arith.addi %broadcast_in_dim3A_24, %add3A_25 : vector<16xi32>
    %broadcast_in_dim3A_27 = arith.constant 0 : i32
    %broadcast_in_dim3A_28 = vector.broadcast %broadcast_in_dim3A_27 : i32 to vector<16xi32>
    %eq3A = arith.constant 0 : i32
    %eq3A_29 = vector.broadcast %eq3A : i32 to vector<16xi32>
    %eq3A_30 = arith.cmpi eq, %iota3A, %eq3A_29 : vector<16xi32>
    %get3A_31 = arith.constant 0 : i32
    %get3A_32 = arith.index_cast %get3A_31 : i32 to index
    %get3A_33 = arith.constant 0 : index
    %get3A_34 = tpu.vector_load %arg7[%get3A_32, %get3A_33] {strides = array<i32>} : memref<128x128xi32, #tpu.memory_space<vmem>>, vector<1x16xi32>,
    %get3A_35 = vector.shape_cast %get3A_34 : vector<1x16xi32> to vector<16xi32>
    %select_n3A_36 = arith.select %eq3A_30, %get3A_35, %broadcast_in_dim3A_28 : vector<16xi1>, vector<16xi32>
    %eq3A_37 = arith.constant 1 : i32
    %eq3A_38 = vector.broadcast %eq3A_37 : i32 to vector<16xi32>
    %eq3A_39 = arith.cmpi eq, %iota3A, %eq3A_38 : vector<16xi32>
    %get3A_40 = arith.constant 1 : i32
    %get3A_41 = arith.index_cast %get3A_40 : i32 to index
    %get3A_42 = arith.constant 0 : index
    %get3A_43 = tpu.vector_load %arg7[%get3A_41, %get3A_42] {strides = array<i32>} : memref<128x128xi32, #tpu.memory_space<vmem>>, vector<1x16xi32>,
    %get3A_44 = vector.shape_cast %get3A_43 : vector<1x16xi32> to vector<16xi32>
    %select_n3A_45 = arith.select %eq3A_39, %get3A_44, %select_n3A_36 : vector<16xi1>, vector<16xi32>
    %eq3A_46 = arith.constant 2 : i32
    %eq3A_47 = vector.broadcast %eq3A_46 : i32 to vector<16xi32>
    %eq3A_48 = arith.cmpi eq, %iota3A, %eq3A_47 : vector<16xi32>
    %get3A_49 = arith.constant 2 : i32
    %get3A_50 = arith.index_cast %get3A_49 : i32 to index
    %get3A_51 = arith.constant 0 : index
    %get3A_52 = tpu.vector_load %arg7[%get3A_50, %get3A_51] {strides = array<i32>} : memref<128x128xi32, #tpu.memory_space<vmem>>, vector<1x16xi32>,
    %get3A_53 = vector.shape_cast %get3A_52 : vector<1x16xi32> to vector<16xi32>
    %select_n3A_54 = arith.select %eq3A_48, %get3A_53, %select_n3A_45 : vector<16xi1>, vector<16xi32>
    %eq3A_55 = arith.constant 3 : i32
    %eq3A_56 = vector.broadcast %eq3A_55 : i32 to vector<16xi32>
    %eq3A_57 = arith.cmpi eq, %iota3A, %eq3A_56 : vector<16xi32>
    %get3A_58 = arith.constant 3 : i32
    %get3A_59 = arith.index_cast %get3A_58 : i32 to index
    %get3A_60 = arith.constant 0 : index
    %get3A_61 = tpu.vector_load %arg7[%get3A_59, %get3A_60] {strides = array<i32>} : memref<128x128xi32, #tpu.memory_space<vmem>>, vector<1x16xi32>,
    %get3A_62 = vector.shape_cast %get3A_61 : vector<1x16xi32> to vector<16xi32>
    %select_n3A_63 = arith.select %eq3A_57, %get3A_62, %select_n3A_54 : vector<16xi1>, vector<16xi32>
    %eq3A_64 = arith.constant 4 : i32
    %eq3A_65 = vector.broadcast %eq3A_64 : i32 to vector<16xi32>
    %eq3A_66 = arith.cmpi eq, %iota3A, %eq3A_65 : vector<16xi32>
    %get3A_67 = arith.constant 4 : i32
    %get3A_68 = arith.index_cast %get3A_67 : i32 to index
    %get3A_69 = arith.constant 0 : index
    %get3A_70 = tpu.vector_load %arg7[%get3A_68, %get3A_69] {strides = array<i32>} : memref<128x128xi32, #tpu.memory_space<vmem>>, vector<1x16xi32>,
    %get3A_71 = vector.shape_cast %get3A_70 : vector<1x16xi32> to vector<16xi32>
    %select_n3A_72 = arith.select %eq3A_66, %get3A_71, %select_n3A_63 : vector<16xi1>, vector<16xi32>
    %eq3A_73 = arith.constant 5 : i32
    %eq3A_74 = vector.broadcast %eq3A_73 : i32 to vector<16xi32>
    %eq3A_75 = arith.cmpi eq, %iota3A, %eq3A_74 : vector<16xi32>
    %get3A_76 = arith.constant 5 : i32
    %get3A_77 = arith.index_cast %get3A_76 : i32 to index
    %get3A_78 = arith.constant 0 : index
    %get3A_79 = tpu.vector_load %arg7[%get3A_77, %get3A_78] {strides = array<i32>} : memref<128x128xi32, #tpu.memory_space<vmem>>, vector<1x16xi32>,
    %get3A_80 = vector.shape_cast %get3A_79 : vector<1x16xi32> to vector<16xi32>
    %select_n3A_81 = arith.select %eq3A_75, %get3A_80, %select_n3A_72 : vector<16xi1>, vector<16xi32>
    %eq3A_82 = arith.constant 6 : i32
    %eq3A_83 = vector.broadcast %eq3A_82 : i32 to vector<16xi32>
    %eq3A_84 = arith.cmpi eq, %iota3A, %eq3A_83 : vector<16xi32>
    %get3A_85 = arith.constant 6 : i32
    %get3A_86 = arith.index_cast %get3A_85 : i32 to index
    %get3A_87 = arith.constant 0 : index
    %get3A_88 = tpu.vector_load %arg7[%get3A_86, %get3A_87] {strides = array<i32>} : memref<128x128xi32, #tpu.memory_space<vmem>>, vector<1x16xi32>,
    %get3A_89 = vector.shape_cast %get3A_88 : vector<1x16xi32> to vector<16xi32>
    %select_n3A_90 = arith.select %eq3A_84, %get3A_89, %select_n3A_81 : vector<16xi1>, vector<16xi32>
    %eq3A_91 = arith.constant 7 : i32
    %eq3A_92 = vector.broadcast %eq3A_91 : i32 to vector<16xi32>
    %eq3A_93 = arith.cmpi eq, %iota3A, %eq3A_92 : vector<16xi32>
    %get3A_94 = arith.constant 7 : i32
    %get3A_95 = arith.index_cast %get3A_94 : i32 to index
    %get3A_96 = arith.constant 0 : index
    %get3A_97 = tpu.vector_load %arg7[%get3A_95, %get3A_96] {strides = array<i32>} : memref<128x128xi32, #tpu.memory_space<vmem>>, vector<1x16xi32>,
    %get3A_98 = vector.shape_cast %get3A_97 : vector<1x16xi32> to vector<16xi32>
    %select_n3A_99 = arith.select %eq3A_93, %get3A_98, %select_n3A_90 : vector<16xi1>, vector<16xi32>
    %eq3A_100 = arith.constant 8 : i32
    %eq3A_101 = vector.broadcast %eq3A_100 : i32 to vector<16xi32>
    %eq3A_102 = arith.cmpi eq, %iota3A, %eq3A_101 : vector<16xi32>
    %get3A_103 = arith.constant 8 : i32
    %get3A_104 = arith.index_cast %get3A_103 : i32 to index
    %get3A_105 = arith.constant 0 : index
    %get3A_106 = tpu.vector_load %arg7[%get3A_104, %get3A_105] {strides = array<i32>} : memref<128x128xi32, #tpu.memory_space<vmem>>, vector<1x16xi32>,
    %get3A_107 = vector.shape_cast %get3A_106 : vector<1x16xi32> to vector<16xi32>
    %select_n3A_108 = arith.select %eq3A_102, %get3A_107, %select_n3A_99 : vector<16xi1>, vector<16xi32>
    %eq3A_109 = arith.constant 9 : i32
    %eq3A_110 = vector.broadcast %eq3A_109 : i32 to vector<16xi32>
    %eq3A_111 = arith.cmpi eq, %iota3A, %eq3A_110 : vector<16xi32>
    %get3A_112 = arith.constant 9 : i32
    %get3A_113 = arith.index_cast %get3A_112 : i32 to index
    %get3A_114 = arith.constant 0 : index
    %get3A_115 = tpu.vector_load %arg7[%get3A_113, %get3A_114] {strides = array<i32>} : memref<128x128xi32, #tpu.memory_space<vmem>>, vector<1x16xi32>,
    %get3A_116 = vector.shape_cast %get3A_115 : vector<1x16xi32> to vector<16xi32>
    %select_n3A_117 = arith.select %eq3A_111, %get3A_116, %select_n3A_108 : vector<16xi1>, vector<16xi32>
    %eq3A_118 = arith.constant 10 : i32
    %eq3A_119 = vector.broadcast %eq3A_118 : i32 to vector<16xi32>
    %eq3A_120 = arith.cmpi eq, %iota3A, %eq3A_119 : vector<16xi32>
    %get3A_121 = arith.constant 10 : i32
    %get3A_122 = arith.index_cast %get3A_121 : i32 to index
    %get3A_123 = arith.constant 0 : index
    %get3A_124 = tpu.vector_load %arg7[%get3A_122, %get3A_123] {strides = array<i32>} : memref<128x128xi32, #tpu.memory_space<vmem>>, vector<1x16xi32>,
    %get3A_125 = vector.shape_cast %get3A_124 : vector<1x16xi32> to vector<16xi32>
    %select_n3A_126 = arith.select %eq3A_120, %get3A_125, %select_n3A_117 : vector<16xi1>, vector<16xi32>
    %eq3A_127 = arith.constant 11 : i32
    %eq3A_128 = vector.broadcast %eq3A_127 : i32 to vector<16xi32>
    %eq3A_129 = arith.cmpi eq, %iota3A, %eq3A_128 : vector<16xi32>
    %get3A_130 = arith.constant 11 : i32
    %get3A_131 = arith.index_cast %get3A_130 : i32 to index
    %get3A_132 = arith.constant 0 : index
    %get3A_133 = tpu.vector_load %arg7[%get3A_131, %get3A_132] {strides = array<i32>} : memref<128x128xi32, #tpu.memory_space<vmem>>, vector<1x16xi32>,
    %get3A_134 = vector.shape_cast %get3A_133 : vector<1x16xi32> to vector<16xi32>
    %select_n3A_135 = arith.select %eq3A_129, %get3A_134, %select_n3A_126 : vector<16xi1>, vector<16xi32>
    %eq3A_136 = arith.constant 12 : i32
    %eq3A_137 = vector.broadcast %eq3A_136 : i32 to vector<16xi32>
    %eq3A_138 = arith.cmpi eq, %iota3A, %eq3A_137 : vector<16xi32>
    %get3A_139 = arith.constant 12 : i32
    %get3A_140 = arith.index_cast %get3A_139 : i32 to index
    %get3A_141 = arith.constant 0 : index
    %get3A_142 = tpu.vector_load %arg7[%get3A_140, %get3A_141] {strides = array<i32>} : memref<128x128xi32, #tpu.memory_space<vmem>>, vector<1x16xi32>,
    %get3A_143 = vector.shape_cast %get3A_142 : vector<1x16xi32> to vector<16xi32>
    %select_n3A_144 = arith.select %eq3A_138, %get3A_143, %select_n3A_135 : vector<16xi1>, vector<16xi32>
    %eq3A_145 = arith.constant 13 : i32
    %eq3A_146 = vector.broadcast %eq3A_145 : i32 to vector<16xi32>
    %eq3A_147 = arith.cmpi eq, %iota3A, %eq3A_146 : vector<16xi32>
    %get3A_148 = arith.constant 13 : i32
    %get3A_149 = arith.index_cast %get3A_148 : i32 to index
    %get3A_150 = arith.constant 0 : index
    %get3A_151 = tpu.vector_load %arg7[%get3A_149, %get3A_150] {strides = array<i32>} : memref<128x128xi32, #tpu.memory_space<vmem>>, vector<1x16xi32>,
    %get3A_152 = vector.shape_cast %get3A_151 : vector<1x16xi32> to vector<16xi32>
    %select_n3A_153 = arith.select %eq3A_147, %get3A_152, %select_n3A_144 : vector<16xi1>, vector<16xi32>
    %eq3A_154 = arith.constant 14 : i32
    %eq3A_155 = vector.broadcast %eq3A_154 : i32 to vector<16xi32>
    %eq3A_156 = arith.cmpi eq, %iota3A, %eq3A_155 : vector<16xi32>
    %get3A_157 = arith.constant 14 : i32
    %get3A_158 = arith.index_cast %get3A_157 : i32 to index
    %get3A_159 = arith.constant 0 : index
    %get3A_160 = tpu.vector_load %arg7[%get3A_158, %get3A_159] {strides = array<i32>} : memref<128x128xi32, #tpu.memory_space<vmem>>, vector<1x16xi32>,
    %get3A_161 = vector.shape_cast %get3A_160 : vector<1x16xi32> to vector<16xi32>
    %select_n3A_162 = arith.select %eq3A_156, %get3A_161, %select_n3A_153 : vector<16xi1>, vector<16xi32>
    %eq3A_163 = arith.constant 15 : i32
    %eq3A_164 = vector.broadcast %eq3A_163 : i32 to vector<16xi32>
    %eq3A_165 = arith.cmpi eq, %iota3A, %eq3A_164 : vector<16xi32>
    %get3A_166 = arith.constant 15 : i32
    %get3A_167 = arith.index_cast %get3A_166 : i32 to index
    %get3A_168 = arith.constant 0 : index
    %get3A_169 = tpu.vector_load %arg7[%get3A_167, %get3A_168] {strides = array<i32>} : memref<128x128xi32, #tpu.memory_space<vmem>>, vector<1x16xi32>,
    %get3A_170 = vector.shape_cast %get3A_169 : vector<1x16xi32> to vector<16xi32>
    %select_n3A_171 = arith.select %eq3A_165, %get3A_170, %select_n3A_162 : vector<16xi1>, vector<16xi32>
    %mul3A_172 = arith.constant 512 : i32
    %mul3A_173 = arith.muli %select_n3A, %mul3A_172 : i32
    %sub3A_174 = arith.subi %mul3A_2, %mul3A_173 : i32
    %add3A_175 = arith.constant 0 : i32
    %add3A_176 = arith.addi %sub3A_174, %add3A_175 : i32
    %add3A_177 = vector.broadcast %add3A_176 : i32 to vector<16xi32>
    %add3A_178 = arith.addi %add3A_177, %iota3A : vector<16xi32>
    %lt3A = arith.cmpi slt, %add3A_178, %min3A_23 : vector<16xi32>
    %select_n3A_179 = arith.select %lt3A, %select_n3A_171, %add3A_26 : vector<16xi1>, vector<16xi32>
    %swap3A = arith.constant 0 : index
    %swap3A_180 = tpu.vector_load %arg8[%swap3A] {strides = array<i32>} : memref<128xi32, #tpu.memory_space<vmem>>, vector<16xi32>,
    %swap3A_181 = vector.shape_cast %swap3A_180 : vector<16xi32> to vector<16xi32>
    %swap3A_182 = vector.shape_cast %select_n3A_179 : vector<16xi32> to vector<16xi32>
    tpu.vector_store %arg8[%swap3A], %swap3A_182 {strides = array<i32>} : memref<128xi32, #tpu.memory_space<vmem>>, vector<16xi32>,
    %broadcast_in_dim3A_183 = arith.constant 0 : i32
    %broadcast_in_dim3A_184 = vector.broadcast %broadcast_in_dim3A_183 : i32 to vector<16xi32>
    %eq3A_185 = arith.constant 0 : i32
    %eq3A_186 = vector.broadcast %eq3A_185 : i32 to vector<16xi32>
    %eq3A_187 = arith.cmpi eq, %iota3A, %eq3A_186 : vector<16xi32>
    %get3A_188 = arith.constant 16 : i32
    %get3A_189 = arith.index_cast %get3A_188 : i32 to index
    %get3A_190 = arith.constant 0 : index
    %get3A_191 = tpu.vector_load %arg7[%get3A_189, %get3A_190] {strides = array<i32>} : memref<128x128xi32, #tpu.memory_space<vmem>>, vector<1x16xi32>,
    %get3A_192 = vector.shape_cast %get3A_191 : vector<1x16xi32> to vector<16xi32>
    %select_n3A_193 = arith.select %eq3A_187, %get3A_192, %broadcast_in_dim3A_184 : vector<16xi1>, vector<16xi32>
    %eq3A_194 = arith.constant 1 : i32
    %eq3A_195 = vector.broadcast %eq3A_194 : i32 to vector<16xi32>
    %eq3A_196 = arith.cmpi eq, %iota3A, %eq3A_195 : vector<16xi32>
    %get3A_197 = arith.constant 17 : i32
    %get3A_198 = arith.index_cast %get3A_197 : i32 to index
    %get3A_199 = arith.constant 0 : index
    %get3A_200 = tpu.vector_load %arg7[%get3A_198, %get3A_199] {strides = array<i32>} : memref<128x128xi32, #tpu.memory_space<vmem>>, vector<1x16xi32>,
    %get3A_201 = vector.shape_cast %get3A_200 : vector<1x16xi32> to vector<16xi32>
    %select_n3A_202 = arith.select %eq3A_196, %get3A_201, %select_n3A_193 : vector<16xi1>, vector<16xi32>
    %eq3A_203 = arith.constant 2 : i32
    %eq3A_204 = vector.broadcast %eq3A_203 : i32 to vector<16xi32>
    %eq3A_205 = arith.cmpi eq, %iota3A, %eq3A_204 : vector<16xi32>
    %get3A_206 = arith.constant 18 : i32
    %get3A_207 = arith.index_cast %get3A_206 : i32 to index
    %get3A_208 = arith.constant 0 : index
    %get3A_209 = tpu.vector_load %arg7[%get3A_207, %get3A_208] {strides = array<i32>} : memref<128x128xi32, #tpu.memory_space<vmem>>, vector<1x16xi32>,
    %get3A_210 = vector.shape_cast %get3A_209 : vector<1x16xi32> to vector<16xi32>
    %select_n3A_211 = arith.select %eq3A_205, %get3A_210, %select_n3A_202 : vector<16xi1>, vector<16xi32>
    %eq3A_212 = arith.constant 3 : i32
    %eq3A_213 = vector.broadcast %eq3A_212 : i32 to vector<16xi32>
    %eq3A_214 = arith.cmpi eq, %iota3A, %eq3A_213 : vector<16xi32>
    %get3A_215 = arith.constant 19 : i32
    %get3A_216 = arith.index_cast %get3A_215 : i32 to index
    %get3A_217 = arith.constant 0 : index
    %get3A_218 = tpu.vector_load %arg7[%get3A_216, %get3A_217] {strides = array<i32>} : memref<128x128xi32, #tpu.memory_space<vmem>>, vector<1x16xi32>,
    %get3A_219 = vector.shape_cast %get3A_218 : vector<1x16xi32> to vector<16xi32>
    %select_n3A_220 = arith.select %eq3A_214, %get3A_219, %select_n3A_211 : vector<16xi1>, vector<16xi32>
    %eq3A_221 = arith.constant 4 : i32
    %eq3A_222 = vector.broadcast %eq3A_221 : i32 to vector<16xi32>
    %eq3A_223 = arith.cmpi eq, %iota3A, %eq3A_222 : vector<16xi32>
    %get3A_224 = arith.constant 20 : i32
    %get3A_225 = arith.index_cast %get3A_224 : i32 to index
    %get3A_226 = arith.constant 0 : index
    %get3A_227 = tpu.vector_load %arg7[%get3A_225, %get3A_226] {strides = array<i32>} : memref<128x128xi32, #tpu.memory_space<vmem>>, vector<1x16xi32>,
    %get3A_228 = vector.shape_cast %get3A_227 : vector<1x16xi32> to vector<16xi32>
    %select_n3A_229 = arith.select %eq3A_223, %get3A_228, %select_n3A_220 : vector<16xi1>, vector<16xi32>
    %eq3A_230 = arith.constant 5 : i32
    %eq3A_231 = vector.broadcast %eq3A_230 : i32 to vector<16xi32>
    %eq3A_232 = arith.cmpi eq, %iota3A, %eq3A_231 : vector<16xi32>
    %get3A_233 = arith.constant 21 : i32
    %get3A_234 = arith.index_cast %get3A_233 : i32 to index
    %get3A_235 = arith.constant 0 : index
    %get3A_236 = tpu.vector_load %arg7[%get3A_234, %get3A_235] {strides = array<i32>} : memref<128x128xi32, #tpu.memory_space<vmem>>, vector<1x16xi32>,
    %get3A_237 = vector.shape_cast %get3A_236 : vector<1x16xi32> to vector<16xi32>
    %select_n3A_238 = arith.select %eq3A_232, %get3A_237, %select_n3A_229 : vector<16xi1>, vector<16xi32>
    %eq3A_239 = arith.constant 6 : i32
    %eq3A_240 = vector.broadcast %eq3A_239 : i32 to vector<16xi32>
    %eq3A_241 = arith.cmpi eq, %iota3A, %eq3A_240 : vector<16xi32>
    %get3A_242 = arith.constant 22 : i32
    %get3A_243 = arith.index_cast %get3A_242 : i32 to index
    %get3A_244 = arith.constant 0 : index
    %get3A_245 = tpu.vector_load %arg7[%get3A_243, %get3A_244] {strides = array<i32>} : memref<128x128xi32, #tpu.memory_space<vmem>>, vector<1x16xi32>,
    %get3A_246 = vector.shape_cast %get3A_245 : vector<1x16xi32> to vector<16xi32>
    %select_n3A_247 = arith.select %eq3A_241, %get3A_246, %select_n3A_238 : vector<16xi1>, vector<16xi32>
    %eq3A_248 = arith.constant 7 : i32
    %eq3A_249 = vector.broadcast %eq3A_248 : i32 to vector<16xi32>
    %eq3A_250 = arith.cmpi eq, %iota3A, %eq3A_249 : vector<16xi32>
    %get3A_251 = arith.constant 23 : i32
    %get3A_252 = arith.index_cast %get3A_251 : i32 to index
    %get3A_253 = arith.constant 0 : index
    %get3A_254 = tpu.vector_load %arg7[%get3A_252, %get3A_253] {strides = array<i32>} : memref<128x128xi32, #tpu.memory_space<vmem>>, vector<1x16xi32>,
    %get3A_255 = vector.shape_cast %get3A_254 : vector<1x16xi32> to vector<16xi32>
    %select_n3A_256 = arith.select %eq3A_250, %get3A_255, %select_n3A_247 : vector<16xi1>, vector<16xi32>
    %eq3A_257 = arith.constant 8 : i32
    %eq3A_258 = vector.broadcast %eq3A_257 : i32 to vector<16xi32>
    %eq3A_259 = arith.cmpi eq, %iota3A, %eq3A_258 : vector<16xi32>
    %get3A_260 = arith.constant 24 : i32
    %get3A_261 = arith.index_cast %get3A_260 : i32 to index
    %get3A_262 = arith.constant 0 : index
    %get3A_263 = tpu.vector_load %arg7[%get3A_261, %get3A_262] {strides = array<i32>} : memref<128x128xi32, #tpu.memory_space<vmem>>, vector<1x16xi32>,
    %get3A_264 = vector.shape_cast %get3A_263 : vector<1x16xi32> to vector<16xi32>
    %select_n3A_265 = arith.select %eq3A_259, %get3A_264, %select_n3A_256 : vector<16xi1>, vector<16xi32>
    %eq3A_266 = arith.constant 9 : i32
    %eq3A_267 = vector.broadcast %eq3A_266 : i32 to vector<16xi32>
    %eq3A_268 = arith.cmpi eq, %iota3A, %eq3A_267 : vector<16xi32>
    %get3A_269 = arith.constant 25 : i32
    %get3A_270 = arith.index_cast %get3A_269 : i32 to index
    %get3A_271 = arith.constant 0 : index
    %get3A_272 = tpu.vector_load %arg7[%get3A_270, %get3A_271] {strides = array<i32>} : memref<128x128xi32, #tpu.memory_space<vmem>>, vector<1x16xi32>,
    %get3A_273 = vector.shape_cast %get3A_272 : vector<1x16xi32> to vector<16xi32>
    %select_n3A_274 = arith.select %eq3A_268, %get3A_273, %select_n3A_265 : vector<16xi1>, vector<16xi32>
    %eq3A_275 = arith.constant 10 : i32
    %eq3A_276 = vector.broadcast %eq3A_275 : i32 to vector<16xi32>
    %eq3A_277 = arith.cmpi eq, %iota3A, %eq3A_276 : vector<16xi32>
    %get3A_278 = arith.constant 26 : i32
    %get3A_279 = arith.index_cast %get3A_278 : i32 to index
    %get3A_280 = arith.constant 0 : index
    %get3A_281 = tpu.vector_load %arg7[%get3A_279, %get3A_280] {strides = array<i32>} : memref<128x128xi32, #tpu.memory_space<vmem>>, vector<1x16xi32>,
    %get3A_282 = vector.shape_cast %get3A_281 : vector<1x16xi32> to vector<16xi32>
    %select_n3A_283 = arith.select %eq3A_277, %get3A_282, %select_n3A_274 : vector<16xi1>, vector<16xi32>
    %eq3A_284 = arith.constant 11 : i32
    %eq3A_285 = vector.broadcast %eq3A_284 : i32 to vector<16xi32>
    %eq3A_286 = arith.cmpi eq, %iota3A, %eq3A_285 : vector<16xi32>
    %get3A_287 = arith.constant 27 : i32
    %get3A_288 = arith.index_cast %get3A_287 : i32 to index
    %get3A_289 = arith.constant 0 : index
    %get3A_290 = tpu.vector_load %arg7[%get3A_288, %get3A_289] {strides = array<i32>} : memref<128x128xi32, #tpu.memory_space<vmem>>, vector<1x16xi32>,
    %get3A_291 = vector.shape_cast %get3A_290 : vector<1x16xi32> to vector<16xi32>
    %select_n3A_292 = arith.select %eq3A_286, %get3A_291, %select_n3A_283 : vector<16xi1>, vector<16xi32>
    %eq3A_293 = arith.constant 12 : i32
    %eq3A_294 = vector.broadcast %eq3A_293 : i32 to vector<16xi32>
    %eq3A_295 = arith.cmpi eq, %iota3A, %eq3A_294 : vector<16xi32>
    %get3A_296 = arith.constant 28 : i32
    %get3A_297 = arith.index_cast %get3A_296 : i32 to index
    %get3A_298 = arith.constant 0 : index
    %get3A_299 = tpu.vector_load %arg7[%get3A_297, %get3A_298] {strides = array<i32>} : memref<128x128xi32, #tpu.memory_space<vmem>>, vector<1x16xi32>,
    %get3A_300 = vector.shape_cast %get3A_299 : vector<1x16xi32> to vector<16xi32>
    %select_n3A_301 = arith.select %eq3A_295, %get3A_300, %select_n3A_292 : vector<16xi1>, vector<16xi32>
    %eq3A_302 = arith.constant 13 : i32
    %eq3A_303 = vector.broadcast %eq3A_302 : i32 to vector<16xi32>
    %eq3A_304 = arith.cmpi eq, %iota3A, %eq3A_303 : vector<16xi32>
    %get3A_305 = arith.constant 29 : i32
    %get3A_306 = arith.index_cast %get3A_305 : i32 to index
    %get3A_307 = arith.constant 0 : index
    %get3A_308 = tpu.vector_load %arg7[%get3A_306, %get3A_307] {strides = array<i32>} : memref<128x128xi32, #tpu.memory_space<vmem>>, vector<1x16xi32>,
    %get3A_309 = vector.shape_cast %get3A_308 : vector<1x16xi32> to vector<16xi32>
    %select_n3A_310 = arith.select %eq3A_304, %get3A_309, %select_n3A_301 : vector<16xi1>, vector<16xi32>
    %eq3A_311 = arith.constant 14 : i32
    %eq3A_312 = vector.broadcast %eq3A_311 : i32 to vector<16xi32>
    %eq3A_313 = arith.cmpi eq, %iota3A, %eq3A_312 : vector<16xi32>
    %get3A_314 = arith.constant 30 : i32
    %get3A_315 = arith.index_cast %get3A_314 : i32 to index
    %get3A_316 = arith.constant 0 : index
    %get3A_317 = tpu.vector_load %arg7[%get3A_315, %get3A_316] {strides = array<i32>} : memref<128x128xi32, #tpu.memory_space<vmem>>, vector<1x16xi32>,
    %get3A_318 = vector.shape_cast %get3A_317 : vector<1x16xi32> to vector<16xi32>
    %select_n3A_319 = arith.select %eq3A_313, %get3A_318, %select_n3A_310 : vector<16xi1>, vector<16xi32>
    %eq3A_320 = arith.constant 15 : i32
    %eq3A_321 = vector.broadcast %eq3A_320 : i32 to vector<16xi32>
    %eq3A_322 = arith.cmpi eq, %iota3A, %eq3A_321 : vector<16xi32>
    %get3A_323 = arith.constant 31 : i32
    %get3A_324 = arith.index_cast %get3A_323 : i32 to index
    %get3A_325 = arith.constant 0 : index
    %get3A_326 = tpu.vector_load %arg7[%get3A_324, %get3A_325] {strides = array<i32>} : memref<128x128xi32, #tpu.memory_space<vmem>>, vector<1x16xi32>,
    %get3A_327 = vector.shape_cast %get3A_326 : vector<1x16xi32> to vector<16xi32>
    %select_n3A_328 = arith.select %eq3A_322, %get3A_327, %select_n3A_319 : vector<16xi1>, vector<16xi32>
    %mul3A_329 = arith.constant 512 : i32
    %mul3A_330 = arith.muli %select_n3A, %mul3A_329 : i32
    %sub3A_331 = arith.subi %mul3A_2, %mul3A_330 : i32
    %add3A_332 = arith.constant 16 : i32
    %add3A_333 = arith.addi %sub3A_331, %add3A_332 : i32
    %add3A_334 = vector.broadcast %add3A_333 : i32 to vector<16xi32>
    %add3A_335 = arith.addi %add3A_334, %iota3A : vector<16xi32>
    %lt3A_336 = arith.cmpi slt, %add3A_335, %min3A_23 : vector<16xi32>
    %select_n3A_337 = arith.select %lt3A_336, %select_n3A_328, %add3A_26 : vector<16xi1>, vector<16xi32>
    %swap3A_338 = arith.constant 16 : index
    %swap3A_339 = tpu.vector_load %arg8[%swap3A_338] {strides = array<i32>} : memref<128xi32, #tpu.memory_space<vmem>>, vector<16xi32>,
    %swap3A_340 = vector.shape_cast %swap3A_339 : vector<16xi32> to vector<16xi32>
    %swap3A_341 = vector.shape_cast %select_n3A_337 : vector<16xi32> to vector<16xi32>
    tpu.vector_store %arg8[%swap3A_338], %swap3A_341 {strides = array<i32>} : memref<128xi32, #tpu.memory_space<vmem>>, vector<16xi32>,
    %broadcast_in_dim3A_342 = arith.constant 0 : i32
    %broadcast_in_dim3A_343 = vector.broadcast %broadcast_in_dim3A_342 : i32 to vector<16xi32>
    %eq3A_344 = arith.constant 0 : i32
    %eq3A_345 = vector.broadcast %eq3A_344 : i32 to vector<16xi32>
    %eq3A_346 = arith.cmpi eq, %iota3A, %eq3A_345 : vector<16xi32>
    %get3A_347 = arith.constant 32 : i32
    %get3A_348 = arith.index_cast %get3A_347 : i32 to index
    %get3A_349 = arith.constant 0 : index
    %get3A_350 = tpu.vector_load %arg7[%get3A_348, %get3A_349] {strides = array<i32>} : memref<128x128xi32, #tpu.memory_space<vmem>>, vector<1x16xi32>,
    %get3A_351 = vector.shape_cast %get3A_350 : vector<1x16xi32> to vector<16xi32>
    %select_n3A_352 = arith.select %eq3A_346, %get3A_351, %broadcast_in_dim3A_343 : vector<16xi1>, vector<16xi32>
    %eq3A_353 = arith.constant 1 : i32
    %eq3A_354 = vector.broadcast %eq3A_353 : i32 to vector<16xi32>
    %eq3A_355 = arith.cmpi eq, %iota3A, %eq3A_354 : vector<16xi32>
    %get3A_356 = arith.constant 33 : i32
    %get3A_357 = arith.index_cast %get3A_356 : i32 to index
    %get3A_358 = arith.constant 0 : index
    %get3A_359 = tpu.vector_load %arg7[%get3A_357, %get3A_358] {strides = array<i32>} : memref<128x128xi32, #tpu.memory_space<vmem>>, vector<1x16xi32>,
    %get3A_360 = vector.shape_cast %get3A_359 : vector<1x16xi32> to vector<16xi32>
    %select_n3A_361 = arith.select %eq3A_355, %get3A_360, %select_n3A_352 : vector<16xi1>, vector<16xi32>
    %eq3A_362 = arith.constant 2 : i32
    %eq3A_363 = vector.broadcast %eq3A_362 : i32 to vector<16xi32>
    %eq3A_364 = arith.cmpi eq, %iota3A, %eq3A_363 : vector<16xi32>
    %get3A_365 = arith.constant 34 : i32
    %get3A_366 = arith.index_cast %get3A_365 : i32 to index
    %get3A_367 = arith.constant 0 : index
    %get3A_368 = tpu.vector_load %arg7[%get3A_366, %get3A_367] {strides = array<i32>} : memref<128x128xi32, #tpu.memory_space<vmem>>, vector<1x16xi32>,
    %get3A_369 = vector.shape_cast %get3A_368 : vector<1x16xi32> to vector<16xi32>
    %select_n3A_370 = arith.select %eq3A_364, %get3A_369, %select_n3A_361 : vector<16xi1>, vector<16xi32>
    %eq3A_371 = arith.constant 3 : i32
    %eq3A_372 = vector.broadcast %eq3A_371 : i32 to vector<16xi32>
    %eq3A_373 = arith.cmpi eq, %iota3A, %eq3A_372 : vector<16xi32>
    %get3A_374 = arith.constant 35 : i32
    %get3A_375 = arith.index_cast %get3A_374 : i32 to index
    %get3A_376 = arith.constant 0 : index
    %get3A_377 = tpu.vector_load %arg7[%get3A_375, %get3A_376] {strides = array<i32>} : memref<128x128xi32, #tpu.memory_space<vmem>>, vector<1x16xi32>,
    %get3A_378 = vector.shape_cast %get3A_377 : vector<1x16xi32> to vector<16xi32>
    %select_n3A_379 = arith.select %eq3A_373, %get3A_378, %select_n3A_370 : vector<16xi1>, vector<16xi32>
    %eq3A_380 = arith.constant 4 : i32
    %eq3A_381 = vector.broadcast %eq3A_380 : i32 to vector<16xi32>
    %eq3A_382 = arith.cmpi eq, %iota3A, %eq3A_381 : vector<16xi32>
    %get3A_383 = arith.constant 36 : i32
    %get3A_384 = arith.index_cast %get3A_383 : i32 to index
    %get3A_385 = arith.constant 0 : index
    %get3A_386 = tpu.vector_load %arg7[%get3A_384, %get3A_385] {strides = array<i32>} : memref<128x128xi32, #tpu.memory_space<vmem>>, vector<1x16xi32>,
    %get3A_387 = vector.shape_cast %get3A_386 : vector<1x16xi32> to vector<16xi32>
    %select_n3A_388 = arith.select %eq3A_382, %get3A_387, %select_n3A_379 : vector<16xi1>, vector<16xi32>
    %eq3A_389 = arith.constant 5 : i32
    %eq3A_390 = vector.broadcast %eq3A_389 : i32 to vector<16xi32>
    %eq3A_391 = arith.cmpi eq, %iota3A, %eq3A_390 : vector<16xi32>
    %get3A_392 = arith.constant 37 : i32
    %get3A_393 = arith.index_cast %get3A_392 : i32 to index
    %get3A_394 = arith.constant 0 : index
    %get3A_395 = tpu.vector_load %arg7[%get3A_393, %get3A_394] {strides = array<i32>} : memref<128x128xi32, #tpu.memory_space<vmem>>, vector<1x16xi32>,
    %get3A_396 = vector.shape_cast %get3A_395 : vector<1x16xi32> to vector<16xi32>
    %select_n3A_397 = arith.select %eq3A_391, %get3A_396, %select_n3A_388 : vector<16xi1>, vector<16xi32>
    %eq3A_398 = arith.constant 6 : i32
    %eq3A_399 = vector.broadcast %eq3A_398 : i32 to vector<16xi32>
    %eq3A_400 = arith.cmpi eq, %iota3A, %eq3A_399 : vector<16xi32>
    %get3A_401 = arith.constant 38 : i32
    %get3A_402 = arith.index_cast %get3A_401 : i32 to index
    %get3A_403 = arith.constant 0 : index
    %get3A_404 = tpu.vector_load %arg7[%get3A_402, %get3A_403] {strides = array<i32>} : memref<128x128xi32, #tpu.memory_space<vmem>>, vector<1x16xi32>,
    %get3A_405 = vector.shape_cast %get3A_404 : vector<1x16xi32> to vector<16xi32>
    %select_n3A_406 = arith.select %eq3A_400, %get3A_405, %select_n3A_397 : vector<16xi1>, vector<16xi32>
    %eq3A_407 = arith.constant 7 : i32
    %eq3A_408 = vector.broadcast %eq3A_407 : i32 to vector<16xi32>
    %eq3A_409 = arith.cmpi eq, %iota3A, %eq3A_408 : vector<16xi32>
    %get3A_410 = arith.constant 39 : i32
    %get3A_411 = arith.index_cast %get3A_410 : i32 to index
    %get3A_412 = arith.constant 0 : index
    %get3A_413 = tpu.vector_load %arg7[%get3A_411, %get3A_412] {strides = array<i32>} : memref<128x128xi32, #tpu.memory_space<vmem>>, vector<1x16xi32>,
    %get3A_414 = vector.shape_cast %get3A_413 : vector<1x16xi32> to vector<16xi32>
    %select_n3A_415 = arith.select %eq3A_409, %get3A_414, %select_n3A_406 : vector<16xi1>, vector<16xi32>
    %eq3A_416 = arith.constant 8 : i32
    %eq3A_417 = vector.broadcast %eq3A_416 : i32 to vector<16xi32>
    %eq3A_418 = arith.cmpi eq, %iota3A, %eq3A_417 : vector<16xi32>
    %get3A_419 = arith.constant 40 : i32
    %get3A_420 = arith.index_cast %get3A_419 : i32 to index
    %get3A_421 = arith.constant 0 : index
    %get3A_422 = tpu.vector_load %arg7[%get3A_420, %get3A_421] {strides = array<i32>} : memref<128x128xi32, #tpu.memory_space<vmem>>, vector<1x16xi32>,
    %get3A_423 = vector.shape_cast %get3A_422 : vector<1x16xi32> to vector<16xi32>
    %select_n3A_424 = arith.select %eq3A_418, %get3A_423, %select_n3A_415 : vector<16xi1>, vector<16xi32>
    %eq3A_425 = arith.constant 9 : i32
    %eq3A_426 = vector.broadcast %eq3A_425 : i32 to vector<16xi32>
    %eq3A_427 = arith.cmpi eq, %iota3A, %eq3A_426 : vector<16xi32>
    %get3A_428 = arith.constant 41 : i32
    %get3A_429 = arith.index_cast %get3A_428 : i32 to index
    %get3A_430 = arith.constant 0 : index
    %get3A_431 = tpu.vector_load %arg7[%get3A_429, %get3A_430] {strides = array<i32>} : memref<128x128xi32, #tpu.memory_space<vmem>>, vector<1x16xi32>,
    %get3A_432 = vector.shape_cast %get3A_431 : vector<1x16xi32> to vector<16xi32>
    %select_n3A_433 = arith.select %eq3A_427, %get3A_432, %select_n3A_424 : vector<16xi1>, vector<16xi32>
    %eq3A_434 = arith.constant 10 : i32
    %eq3A_435 = vector.broadcast %eq3A_434 : i32 to vector<16xi32>
    %eq3A_436 = arith.cmpi eq, %iota3A, %eq3A_435 : vector<16xi32>
    %get3A_437 = arith.constant 42 : i32
    %get3A_438 = arith.index_cast %get3A_437 : i32 to index
    %get3A_439 = arith.constant 0 : index
    %get3A_440 = tpu.vector_load %arg7[%get3A_438, %get3A_439] {strides = array<i32>} : memref<128x128xi32, #tpu.memory_space<vmem>>, vector<1x16xi32>,
    %get3A_441 = vector.shape_cast %get3A_440 : vector<1x16xi32> to vector<16xi32>
    %select_n3A_442 = arith.select %eq3A_436, %get3A_441, %select_n3A_433 : vector<16xi1>, vector<16xi32>
    %eq3A_443 = arith.constant 11 : i32
    %eq3A_444 = vector.broadcast %eq3A_443 : i32 to vector<16xi32>
    %eq3A_445 = arith.cmpi eq, %iota3A, %eq3A_444 : vector<16xi32>
    %get3A_446 = arith.constant 43 : i32
    %get3A_447 = arith.index_cast %get3A_446 : i32 to index
    %get3A_448 = arith.constant 0 : index
    %get3A_449 = tpu.vector_load %arg7[%get3A_447, %get3A_448] {strides = array<i32>} : memref<128x128xi32, #tpu.memory_space<vmem>>, vector<1x16xi32>,
    %get3A_450 = vector.shape_cast %get3A_449 : vector<1x16xi32> to vector<16xi32>
    %select_n3A_451 = arith.select %eq3A_445, %get3A_450, %select_n3A_442 : vector<16xi1>, vector<16xi32>
    %eq3A_452 = arith.constant 12 : i32
    %eq3A_453 = vector.broadcast %eq3A_452 : i32 to vector<16xi32>
    %eq3A_454 = arith.cmpi eq, %iota3A, %eq3A_453 : vector<16xi32>
    %get3A_455 = arith.constant 44 : i32
    %get3A_456 = arith.index_cast %get3A_455 : i32 to index
    %get3A_457 = arith.constant 0 : index
    %get3A_458 = tpu.vector_load %arg7[%get3A_456, %get3A_457] {strides = array<i32>} : memref<128x128xi32, #tpu.memory_space<vmem>>, vector<1x16xi32>,
    %get3A_459 = vector.shape_cast %get3A_458 : vector<1x16xi32> to vector<16xi32>
    %select_n3A_460 = arith.select %eq3A_454, %get3A_459, %select_n3A_451 : vector<16xi1>, vector<16xi32>
    %eq3A_461 = arith.constant 13 : i32
    %eq3A_462 = vector.broadcast %eq3A_461 : i32 to vector<16xi32>
    %eq3A_463 = arith.cmpi eq, %iota3A, %eq3A_462 : vector<16xi32>
    %get3A_464 = arith.constant 45 : i32
    %get3A_465 = arith.index_cast %get3A_464 : i32 to index
    %get3A_466 = arith.constant 0 : index
    %get3A_467 = tpu.vector_load %arg7[%get3A_465, %get3A_466] {strides = array<i32>} : memref<128x128xi32, #tpu.memory_space<vmem>>, vector<1x16xi32>,
    %get3A_468 = vector.shape_cast %get3A_467 : vector<1x16xi32> to vector<16xi32>
    %select_n3A_469 = arith.select %eq3A_463, %get3A_468, %select_n3A_460 : vector<16xi1>, vector<16xi32>
    %eq3A_470 = arith.constant 14 : i32
    %eq3A_471 = vector.broadcast %eq3A_470 : i32 to vector<16xi32>
    %eq3A_472 = arith.cmpi eq, %iota3A, %eq3A_471 : vector<16xi32>
    %get3A_473 = arith.constant 46 : i32
    %get3A_474 = arith.index_cast %get3A_473 : i32 to index
    %get3A_475 = arith.constant 0 : index
    %get3A_476 = tpu.vector_load %arg7[%get3A_474, %get3A_475] {strides = array<i32>} : memref<128x128xi32, #tpu.memory_space<vmem>>, vector<1x16xi32>,
    %get3A_477 = vector.shape_cast %get3A_476 : vector<1x16xi32> to vector<16xi32>
    %select_n3A_478 = arith.select %eq3A_472, %get3A_477, %select_n3A_469 : vector<16xi1>, vector<16xi32>
    %eq3A_479 = arith.constant 15 : i32
    %eq3A_480 = vector.broadcast %eq3A_479 : i32 to vector<16xi32>
    %eq3A_481 = arith.cmpi eq, %iota3A, %eq3A_480 : vector<16xi32>
    %get3A_482 = arith.constant 47 : i32
    %get3A_483 = arith.index_cast %get3A_482 : i32 to index
    %get3A_484 = arith.constant 0 : index
    %get3A_485 = tpu.vector_load %arg7[%get3A_483, %get3A_484] {strides = array<i32>} : memref<128x128xi32, #tpu.memory_space<vmem>>, vector<1x16xi32>,
    %get3A_486 = vector.shape_cast %get3A_485 : vector<1x16xi32> to vector<16xi32>
    %select_n3A_487 = arith.select %eq3A_481, %get3A_486, %select_n3A_478 : vector<16xi1>, vector<16xi32>
    %mul3A_488 = arith.constant 512 : i32
    %mul3A_489 = arith.muli %select_n3A, %mul3A_488 : i32
    %sub3A_490 = arith.subi %mul3A_2, %mul3A_489 : i32
    %add3A_491 = arith.constant 32 : i32
    %add3A_492 = arith.addi %sub3A_490, %add3A_491 : i32
    %add3A_493 = vector.broadcast %add3A_492 : i32 to vector<16xi32>
    %add3A_494 = arith.addi %add3A_493, %iota3A : vector<16xi32>
    %lt3A_495 = arith.cmpi slt, %add3A_494, %min3A_23 : vector<16xi32>
    %select_n3A_496 = arith.select %lt3A_495, %select_n3A_487, %add3A_26 : vector<16xi1>, vector<16xi32>
    %swap3A_497 = arith.constant 32 : index
    %swap3A_498 = tpu.vector_load %arg8[%swap3A_497] {strides = array<i32>} : memref<128xi32, #tpu.memory_space<vmem>>, vector<16xi32>,
    %swap3A_499 = vector.shape_cast %swap3A_498 : vector<16xi32> to vector<16xi32>
    %swap3A_500 = vector.shape_cast %select_n3A_496 : vector<16xi32> to vector<16xi32>
    tpu.vector_store %arg8[%swap3A_497], %swap3A_500 {strides = array<i32>} : memref<128xi32, #tpu.memory_space<vmem>>, vector<16xi32>,
    %broadcast_in_dim3A_501 = arith.constant 0 : i32
    %broadcast_in_dim3A_502 = vector.broadcast %broadcast_in_dim3A_501 : i32 to vector<16xi32>
    %eq3A_503 = arith.constant 0 : i32
    %eq3A_504 = vector.broadcast %eq3A_503 : i32 to vector<16xi32>
    %eq3A_505 = arith.cmpi eq, %iota3A, %eq3A_504 : vector<16xi32>
    %get3A_506 = arith.constant 48 : i32
    %get3A_507 = arith.index_cast %get3A_506 : i32 to index
    %get3A_508 = arith.constant 0 : index
    %get3A_509 = tpu.vector_load %arg7[%get3A_507, %get3A_508] {strides = array<i32>} : memref<128x128xi32, #tpu.memory_space<vmem>>, vector<1x16xi32>,
    %get3A_510 = vector.shape_cast %get3A_509 : vector<1x16xi32> to vector<16xi32>
    %select_n3A_511 = arith.select %eq3A_505, %get3A_510, %broadcast_in_dim3A_502 : vector<16xi1>, vector<16xi32>
    %eq3A_512 = arith.constant 1 : i32
    %eq3A_513 = vector.broadcast %eq3A_512 : i32 to vector<16xi32>
    %eq3A_514 = arith.cmpi eq, %iota3A, %eq3A_513 : vector<16xi32>
    %get3A_515 = arith.constant 49 : i32
    %get3A_516 = arith.index_cast %get3A_515 : i32 to index
    %get3A_517 = arith.constant 0 : index
    %get3A_518 = tpu.vector_load %arg7[%get3A_516, %get3A_517] {strides = array<i32>} : memref<128x128xi32, #tpu.memory_space<vmem>>, vector<1x16xi32>,
    %get3A_519 = vector.shape_cast %get3A_518 : vector<1x16xi32> to vector<16xi32>
    %select_n3A_520 = arith.select %eq3A_514, %get3A_519, %select_n3A_511 : vector<16xi1>, vector<16xi32>
    %eq3A_521 = arith.constant 2 : i32
    %eq3A_522 = vector.broadcast %eq3A_521 : i32 to vector<16xi32>
    %eq3A_523 = arith.cmpi eq, %iota3A, %eq3A_522 : vector<16xi32>
    %get3A_524 = arith.constant 50 : i32
    %get3A_525 = arith.index_cast %get3A_524 : i32 to index
    %get3A_526 = arith.constant 0 : index
    %get3A_527 = tpu.vector_load %arg7[%get3A_525, %get3A_526] {strides = array<i32>} : memref<128x128xi32, #tpu.memory_space<vmem>>, vector<1x16xi32>,
    %get3A_528 = vector.shape_cast %get3A_527 : vector<1x16xi32> to vector<16xi32>
    %select_n3A_529 = arith.select %eq3A_523, %get3A_528, %select_n3A_520 : vector<16xi1>, vector<16xi32>
    %eq3A_530 = arith.constant 3 : i32
    %eq3A_531 = vector.broadcast %eq3A_530 : i32 to vector<16xi32>
    %eq3A_532 = arith.cmpi eq, %iota3A, %eq3A_531 : vector<16xi32>
    %get3A_533 = arith.constant 51 : i32
    %get3A_534 = arith.index_cast %get3A_533 : i32 to index
    %get3A_535 = arith.constant 0 : index
    %get3A_536 = tpu.vector_load %arg7[%get3A_534, %get3A_535] {strides = array<i32>} : memref<128x128xi32, #tpu.memory_space<vmem>>, vector<1x16xi32>,
    %get3A_537 = vector.shape_cast %get3A_536 : vector<1x16xi32> to vector<16xi32>
    %select_n3A_538 = arith.select %eq3A_532, %get3A_537, %select_n3A_529 : vector<16xi1>, vector<16xi32>
    %eq3A_539 = arith.constant 4 : i32
    %eq3A_540 = vector.broadcast %eq3A_539 : i32 to vector<16xi32>
    %eq3A_541 = arith.cmpi eq, %iota3A, %eq3A_540 : vector<16xi32>
    %get3A_542 = arith.constant 52 : i32
    %get3A_543 = arith.index_cast %get3A_542 : i32 to index
    %get3A_544 = arith.constant 0 : index
    %get3A_545 = tpu.vector_load %arg7[%get3A_543, %get3A_544] {strides = array<i32>} : memref<128x128xi32, #tpu.memory_space<vmem>>, vector<1x16xi32>,
    %get3A_546 = vector.shape_cast %get3A_545 : vector<1x16xi32> to vector<16xi32>
    %select_n3A_547 = arith.select %eq3A_541, %get3A_546, %select_n3A_538 : vector<16xi1>, vector<16xi32>
    %eq3A_548 = arith.constant 5 : i32
    %eq3A_549 = vector.broadcast %eq3A_548 : i32 to vector<16xi32>
    %eq3A_550 = arith.cmpi eq, %iota3A, %eq3A_549 : vector<16xi32>
    %get3A_551 = arith.constant 53 : i32
    %get3A_552 = arith.index_cast %get3A_551 : i32 to index
    %get3A_553 = arith.constant 0 : index
    %get3A_554 = tpu.vector_load %arg7[%get3A_552, %get3A_553] {strides = array<i32>} : memref<128x128xi32, #tpu.memory_space<vmem>>, vector<1x16xi32>,
    %get3A_555 = vector.shape_cast %get3A_554 : vector<1x16xi32> to vector<16xi32>
    %select_n3A_556 = arith.select %eq3A_550, %get3A_555, %select_n3A_547 : vector<16xi1>, vector<16xi32>
    %eq3A_557 = arith.constant 6 : i32
    %eq3A_558 = vector.broadcast %eq3A_557 : i32 to vector<16xi32>
    %eq3A_559 = arith.cmpi eq, %iota3A, %eq3A_558 : vector<16xi32>
    %get3A_560 = arith.constant 54 : i32
    %get3A_561 = arith.index_cast %get3A_560 : i32 to index
    %get3A_562 = arith.constant 0 : index
    %get3A_563 = tpu.vector_load %arg7[%get3A_561, %get3A_562] {strides = array<i32>} : memref<128x128xi32, #tpu.memory_space<vmem>>, vector<1x16xi32>,
    %get3A_564 = vector.shape_cast %get3A_563 : vector<1x16xi32> to vector<16xi32>
    %select_n3A_565 = arith.select %eq3A_559, %get3A_564, %select_n3A_556 : vector<16xi1>, vector<16xi32>
    %eq3A_566 = arith.constant 7 : i32
    %eq3A_567 = vector.broadcast %eq3A_566 : i32 to vector<16xi32>
    %eq3A_568 = arith.cmpi eq, %iota3A, %eq3A_567 : vector<16xi32>
    %get3A_569 = arith.constant 55 : i32
    %get3A_570 = arith.index_cast %get3A_569 : i32 to index
    %get3A_571 = arith.constant 0 : index
    %get3A_572 = tpu.vector_load %arg7[%get3A_570, %get3A_571] {strides = array<i32>} : memref<128x128xi32, #tpu.memory_space<vmem>>, vector<1x16xi32>,
    %get3A_573 = vector.shape_cast %get3A_572 : vector<1x16xi32> to vector<16xi32>
    %select_n3A_574 = arith.select %eq3A_568, %get3A_573, %select_n3A_565 : vector<16xi1>, vector<16xi32>
    %eq3A_575 = arith.constant 8 : i32
    %eq3A_576 = vector.broadcast %eq3A_575 : i32 to vector<16xi32>
    %eq3A_577 = arith.cmpi eq, %iota3A, %eq3A_576 : vector<16xi32>
    %get3A_578 = arith.constant 56 : i32
    %get3A_579 = arith.index_cast %get3A_578 : i32 to index
    %get3A_580 = arith.constant 0 : index
    %get3A_581 = tpu.vector_load %arg7[%get3A_579, %get3A_580] {strides = array<i32>} : memref<128x128xi32, #tpu.memory_space<vmem>>, vector<1x16xi32>,
    %get3A_582 = vector.shape_cast %get3A_581 : vector<1x16xi32> to vector<16xi32>
    %select_n3A_583 = arith.select %eq3A_577, %get3A_582, %select_n3A_574 : vector<16xi1>, vector<16xi32>
    %eq3A_584 = arith.constant 9 : i32
    %eq3A_585 = vector.broadcast %eq3A_584 : i32 to vector<16xi32>
    %eq3A_586 = arith.cmpi eq, %iota3A, %eq3A_585 : vector<16xi32>
    %get3A_587 = arith.constant 57 : i32
    %get3A_588 = arith.index_cast %get3A_587 : i32 to index
    %get3A_589 = arith.constant 0 : index
    %get3A_590 = tpu.vector_load %arg7[%get3A_588, %get3A_589] {strides = array<i32>} : memref<128x128xi32, #tpu.memory_space<vmem>>, vector<1x16xi32>,
    %get3A_591 = vector.shape_cast %get3A_590 : vector<1x16xi32> to vector<16xi32>
    %select_n3A_592 = arith.select %eq3A_586, %get3A_591, %select_n3A_583 : vector<16xi1>, vector<16xi32>
    %eq3A_593 = arith.constant 10 : i32
    %eq3A_594 = vector.broadcast %eq3A_593 : i32 to vector<16xi32>
    %eq3A_595 = arith.cmpi eq, %iota3A, %eq3A_594 : vector<16xi32>
    %get3A_596 = arith.constant 58 : i32
    %get3A_597 = arith.index_cast %get3A_596 : i32 to index
    %get3A_598 = arith.constant 0 : index
    %get3A_599 = tpu.vector_load %arg7[%get3A_597, %get3A_598] {strides = array<i32>} : memref<128x128xi32, #tpu.memory_space<vmem>>, vector<1x16xi32>,
    %get3A_600 = vector.shape_cast %get3A_599 : vector<1x16xi32> to vector<16xi32>
    %select_n3A_601 = arith.select %eq3A_595, %get3A_600, %select_n3A_592 : vector<16xi1>, vector<16xi32>
    %eq3A_602 = arith.constant 11 : i32
    %eq3A_603 = vector.broadcast %eq3A_602 : i32 to vector<16xi32>
    %eq3A_604 = arith.cmpi eq, %iota3A, %eq3A_603 : vector<16xi32>
    %get3A_605 = arith.constant 59 : i32
    %get3A_606 = arith.index_cast %get3A_605 : i32 to index
    %get3A_607 = arith.constant 0 : index
    %get3A_608 = tpu.vector_load %arg7[%get3A_606, %get3A_607] {strides = array<i32>} : memref<128x128xi32, #tpu.memory_space<vmem>>, vector<1x16xi32>,
    %get3A_609 = vector.shape_cast %get3A_608 : vector<1x16xi32> to vector<16xi32>
    %select_n3A_610 = arith.select %eq3A_604, %get3A_609, %select_n3A_601 : vector<16xi1>, vector<16xi32>
    %eq3A_611 = arith.constant 12 : i32
    %eq3A_612 = vector.broadcast %eq3A_611 : i32 to vector<16xi32>
    %eq3A_613 = arith.cmpi eq, %iota3A, %eq3A_612 : vector<16xi32>
    %get3A_614 = arith.constant 60 : i32
    %get3A_615 = arith.index_cast %get3A_614 : i32 to index
    %get3A_616 = arith.constant 0 : index
    %get3A_617 = tpu.vector_load %arg7[%get3A_615, %get3A_616] {strides = array<i32>} : memref<128x128xi32, #tpu.memory_space<vmem>>, vector<1x16xi32>,
    %get3A_618 = vector.shape_cast %get3A_617 : vector<1x16xi32> to vector<16xi32>
    %select_n3A_619 = arith.select %eq3A_613, %get3A_618, %select_n3A_610 : vector<16xi1>, vector<16xi32>
    %eq3A_620 = arith.constant 13 : i32
    %eq3A_621 = vector.broadcast %eq3A_620 : i32 to vector<16xi32>
    %eq3A_622 = arith.cmpi eq, %iota3A, %eq3A_621 : vector<16xi32>
    %get3A_623 = arith.constant 61 : i32
    %get3A_624 = arith.index_cast %get3A_623 : i32 to index
    %get3A_625 = arith.constant 0 : index
    %get3A_626 = tpu.vector_load %arg7[%get3A_624, %get3A_625] {strides = array<i32>} : memref<128x128xi32, #tpu.memory_space<vmem>>, vector<1x16xi32>,
    %get3A_627 = vector.shape_cast %get3A_626 : vector<1x16xi32> to vector<16xi32>
    %select_n3A_628 = arith.select %eq3A_622, %get3A_627, %select_n3A_619 : vector<16xi1>, vector<16xi32>
    %eq3A_629 = arith.constant 14 : i32
    %eq3A_630 = vector.broadcast %eq3A_629 : i32 to vector<16xi32>
    %eq3A_631 = arith.cmpi eq, %iota3A, %eq3A_630 : vector<16xi32>
    %get3A_632 = arith.constant 62 : i32
    %get3A_633 = arith.index_cast %get3A_632 : i32 to index
    %get3A_634 = arith.constant 0 : index
    %get3A_635 = tpu.vector_load %arg7[%get3A_633, %get3A_634] {strides = array<i32>} : memref<128x128xi32, #tpu.memory_space<vmem>>, vector<1x16xi32>,
    %get3A_636 = vector.shape_cast %get3A_635 : vector<1x16xi32> to vector<16xi32>
    %select_n3A_637 = arith.select %eq3A_631, %get3A_636, %select_n3A_628 : vector<16xi1>, vector<16xi32>
    %eq3A_638 = arith.constant 15 : i32
    %eq3A_639 = vector.broadcast %eq3A_638 : i32 to vector<16xi32>
    %eq3A_640 = arith.cmpi eq, %iota3A, %eq3A_639 : vector<16xi32>
    %get3A_641 = arith.constant 63 : i32
    %get3A_642 = arith.index_cast %get3A_641 : i32 to index
    %get3A_643 = arith.constant 0 : index
    %get3A_644 = tpu.vector_load %arg7[%get3A_642, %get3A_643] {strides = array<i32>} : memref<128x128xi32, #tpu.memory_space<vmem>>, vector<1x16xi32>,
    %get3A_645 = vector.shape_cast %get3A_644 : vector<1x16xi32> to vector<16xi32>
    %select_n3A_646 = arith.select %eq3A_640, %get3A_645, %select_n3A_637 : vector<16xi1>, vector<16xi32>
    %mul3A_647 = arith.constant 512 : i32
    %mul3A_648 = arith.muli %select_n3A, %mul3A_647 : i32
    %sub3A_649 = arith.subi %mul3A_2, %mul3A_648 : i32
    %add3A_650 = arith.constant 48 : i32
    %add3A_651 = arith.addi %sub3A_649, %add3A_650 : i32
    %add3A_652 = vector.broadcast %add3A_651 : i32 to vector<16xi32>
    %add3A_653 = arith.addi %add3A_652, %iota3A : vector<16xi32>
    %lt3A_654 = arith.cmpi slt, %add3A_653, %min3A_23 : vector<16xi32>
    %select_n3A_655 = arith.select %lt3A_654, %select_n3A_646, %add3A_26 : vector<16xi1>, vector<16xi32>
    %swap3A_656 = arith.constant 48 : index
    %swap3A_657 = tpu.vector_load %arg8[%swap3A_656] {strides = array<i32>} : memref<128xi32, #tpu.memory_space<vmem>>, vector<16xi32>,
    %swap3A_658 = vector.shape_cast %swap3A_657 : vector<16xi32> to vector<16xi32>
    %swap3A_659 = vector.shape_cast %select_n3A_655 : vector<16xi32> to vector<16xi32>
    tpu.vector_store %arg8[%swap3A_656], %swap3A_659 {strides = array<i32>} : memref<128xi32, #tpu.memory_space<vmem>>, vector<16xi32>,
    %broadcast_in_dim3A_660 = arith.constant 0 : i32
    %broadcast_in_dim3A_661 = vector.broadcast %broadcast_in_dim3A_660 : i32 to vector<16xi32>
    %eq3A_662 = arith.constant 0 : i32
    %eq3A_663 = vector.broadcast %eq3A_662 : i32 to vector<16xi32>
    %eq3A_664 = arith.cmpi eq, %iota3A, %eq3A_663 : vector<16xi32>
    %get3A_665 = arith.constant 64 : i32
    %get3A_666 = arith.index_cast %get3A_665 : i32 to index
    %get3A_667 = arith.constant 0 : index
    %get3A_668 = tpu.vector_load %arg7[%get3A_666, %get3A_667] {strides = array<i32>} : memref<128x128xi32, #tpu.memory_space<vmem>>, vector<1x16xi32>,
    %get3A_669 = vector.shape_cast %get3A_668 : vector<1x16xi32> to vector<16xi32>
    %select_n3A_670 = arith.select %eq3A_664, %get3A_669, %broadcast_in_dim3A_661 : vector<16xi1>, vector<16xi32>
    %eq3A_671 = arith.constant 1 : i32
    %eq3A_672 = vector.broadcast %eq3A_671 : i32 to vector<16xi32>
    %eq3A_673 = arith.cmpi eq, %iota3A, %eq3A_672 : vector<16xi32>
    %get3A_674 = arith.constant 65 : i32
    %get3A_675 = arith.index_cast %get3A_674 : i32 to index
    %get3A_676 = arith.constant 0 : index
    %get3A_677 = tpu.vector_load %arg7[%get3A_675, %get3A_676] {strides = array<i32>} : memref<128x128xi32, #tpu.memory_space<vmem>>, vector<1x16xi32>,
    %get3A_678 = vector.shape_cast %get3A_677 : vector<1x16xi32> to vector<16xi32>
    %select_n3A_679 = arith.select %eq3A_673, %get3A_678, %select_n3A_670 : vector<16xi1>, vector<16xi32>
    %eq3A_680 = arith.constant 2 : i32
    %eq3A_681 = vector.broadcast %eq3A_680 : i32 to vector<16xi32>
    %eq3A_682 = arith.cmpi eq, %iota3A, %eq3A_681 : vector<16xi32>
    %get3A_683 = arith.constant 66 : i32
    %get3A_684 = arith.index_cast %get3A_683 : i32 to index
    %get3A_685 = arith.constant 0 : index
    %get3A_686 = tpu.vector_load %arg7[%get3A_684, %get3A_685] {strides = array<i32>} : memref<128x128xi32, #tpu.memory_space<vmem>>, vector<1x16xi32>,
    %get3A_687 = vector.shape_cast %get3A_686 : vector<1x16xi32> to vector<16xi32>
    %select_n3A_688 = arith.select %eq3A_682, %get3A_687, %select_n3A_679 : vector<16xi1>, vector<16xi32>
    %eq3A_689 = arith.constant 3 : i32
    %eq3A_690 = vector.broadcast %eq3A_689 : i32 to vector<16xi32>
    %eq3A_691 = arith.cmpi eq, %iota3A, %eq3A_690 : vector<16xi32>
    %get3A_692 = arith.constant 67 : i32
    %get3A_693 = arith.index_cast %get3A_692 : i32 to index
    %get3A_694 = arith.constant 0 : index
    %get3A_695 = tpu.vector_load %arg7[%get3A_693, %get3A_694] {strides = array<i32>} : memref<128x128xi32, #tpu.memory_space<vmem>>, vector<1x16xi32>,
    %get3A_696 = vector.shape_cast %get3A_695 : vector<1x16xi32> to vector<16xi32>
    %select_n3A_697 = arith.select %eq3A_691, %get3A_696, %select_n3A_688 : vector<16xi1>, vector<16xi32>
    %eq3A_698 = arith.constant 4 : i32
    %eq3A_699 = vector.broadcast %eq3A_698 : i32 to vector<16xi32>
    %eq3A_700 = arith.cmpi eq, %iota3A, %eq3A_699 : vector<16xi32>
    %get3A_701 = arith.constant 68 : i32
    %get3A_702 = arith.index_cast %get3A_701 : i32 to index
    %get3A_703 = arith.constant 0 : index
    %get3A_704 = tpu.vector_load %arg7[%get3A_702, %get3A_703] {strides = array<i32>} : memref<128x128xi32, #tpu.memory_space<vmem>>, vector<1x16xi32>,
    %get3A_705 = vector.shape_cast %get3A_704 : vector<1x16xi32> to vector<16xi32>
    %select_n3A_706 = arith.select %eq3A_700, %get3A_705, %select_n3A_697 : vector<16xi1>, vector<16xi32>
    %eq3A_707 = arith.constant 5 : i32
    %eq3A_708 = vector.broadcast %eq3A_707 : i32 to vector<16xi32>
    %eq3A_709 = arith.cmpi eq, %iota3A, %eq3A_708 : vector<16xi32>
    %get3A_710 = arith.constant 69 : i32
    %get3A_711 = arith.index_cast %get3A_710 : i32 to index
    %get3A_712 = arith.constant 0 : index
    %get3A_713 = tpu.vector_load %arg7[%get3A_711, %get3A_712] {strides = array<i32>} : memref<128x128xi32, #tpu.memory_space<vmem>>, vector<1x16xi32>,
    %get3A_714 = vector.shape_cast %get3A_713 : vector<1x16xi32> to vector<16xi32>
    %select_n3A_715 = arith.select %eq3A_709, %get3A_714, %select_n3A_706 : vector<16xi1>, vector<16xi32>
    %eq3A_716 = arith.constant 6 : i32
    %eq3A_717 = vector.broadcast %eq3A_716 : i32 to vector<16xi32>
    %eq3A_718 = arith.cmpi eq, %iota3A, %eq3A_717 : vector<16xi32>
    %get3A_719 = arith.constant 70 : i32
    %get3A_720 = arith.index_cast %get3A_719 : i32 to index
    %get3A_721 = arith.constant 0 : index
    %get3A_722 = tpu.vector_load %arg7[%get3A_720, %get3A_721] {strides = array<i32>} : memref<128x128xi32, #tpu.memory_space<vmem>>, vector<1x16xi32>,
    %get3A_723 = vector.shape_cast %get3A_722 : vector<1x16xi32> to vector<16xi32>
    %select_n3A_724 = arith.select %eq3A_718, %get3A_723, %select_n3A_715 : vector<16xi1>, vector<16xi32>
    %eq3A_725 = arith.constant 7 : i32
    %eq3A_726 = vector.broadcast %eq3A_725 : i32 to vector<16xi32>
    %eq3A_727 = arith.cmpi eq, %iota3A, %eq3A_726 : vector<16xi32>
    %get3A_728 = arith.constant 71 : i32
    %get3A_729 = arith.index_cast %get3A_728 : i32 to index
    %get3A_730 = arith.constant 0 : index
    %get3A_731 = tpu.vector_load %arg7[%get3A_729, %get3A_730] {strides = array<i32>} : memref<128x128xi32, #tpu.memory_space<vmem>>, vector<1x16xi32>,
    %get3A_732 = vector.shape_cast %get3A_731 : vector<1x16xi32> to vector<16xi32>
    %select_n3A_733 = arith.select %eq3A_727, %get3A_732, %select_n3A_724 : vector<16xi1>, vector<16xi32>
    %eq3A_734 = arith.constant 8 : i32
    %eq3A_735 = vector.broadcast %eq3A_734 : i32 to vector<16xi32>
    %eq3A_736 = arith.cmpi eq, %iota3A, %eq3A_735 : vector<16xi32>
    %get3A_737 = arith.constant 72 : i32
    %get3A_738 = arith.index_cast %get3A_737 : i32 to index
    %get3A_739 = arith.constant 0 : index
    %get3A_740 = tpu.vector_load %arg7[%get3A_738, %get3A_739] {strides = array<i32>} : memref<128x128xi32, #tpu.memory_space<vmem>>, vector<1x16xi32>,
    %get3A_741 = vector.shape_cast %get3A_740 : vector<1x16xi32> to vector<16xi32>
    %select_n3A_742 = arith.select %eq3A_736, %get3A_741, %select_n3A_733 : vector<16xi1>, vector<16xi32>
    %eq3A_743 = arith.constant 9 : i32
    %eq3A_744 = vector.broadcast %eq3A_743 : i32 to vector<16xi32>
    %eq3A_745 = arith.cmpi eq, %iota3A, %eq3A_744 : vector<16xi32>
    %get3A_746 = arith.constant 73 : i32
    %get3A_747 = arith.index_cast %get3A_746 : i32 to index
    %get3A_748 = arith.constant 0 : index
    %get3A_749 = tpu.vector_load %arg7[%get3A_747, %get3A_748] {strides = array<i32>} : memref<128x128xi32, #tpu.memory_space<vmem>>, vector<1x16xi32>,
    %get3A_750 = vector.shape_cast %get3A_749 : vector<1x16xi32> to vector<16xi32>
    %select_n3A_751 = arith.select %eq3A_745, %get3A_750, %select_n3A_742 : vector<16xi1>, vector<16xi32>
    %eq3A_752 = arith.constant 10 : i32
    %eq3A_753 = vector.broadcast %eq3A_752 : i32 to vector<16xi32>
    %eq3A_754 = arith.cmpi eq, %iota3A, %eq3A_753 : vector<16xi32>
    %get3A_755 = arith.constant 74 : i32
    %get3A_756 = arith.index_cast %get3A_755 : i32 to index
    %get3A_757 = arith.constant 0 : index
    %get3A_758 = tpu.vector_load %arg7[%get3A_756, %get3A_757] {strides = array<i32>} : memref<128x128xi32, #tpu.memory_space<vmem>>, vector<1x16xi32>,
    %get3A_759 = vector.shape_cast %get3A_758 : vector<1x16xi32> to vector<16xi32>
    %select_n3A_760 = arith.select %eq3A_754, %get3A_759, %select_n3A_751 : vector<16xi1>, vector<16xi32>
    %eq3A_761 = arith.constant 11 : i32
    %eq3A_762 = vector.broadcast %eq3A_761 : i32 to vector<16xi32>
    %eq3A_763 = arith.cmpi eq, %iota3A, %eq3A_762 : vector<16xi32>
    %get3A_764 = arith.constant 75 : i32
    %get3A_765 = arith.index_cast %get3A_764 : i32 to index
    %get3A_766 = arith.constant 0 : index
    %get3A_767 = tpu.vector_load %arg7[%get3A_765, %get3A_766] {strides = array<i32>} : memref<128x128xi32, #tpu.memory_space<vmem>>, vector<1x16xi32>,
    %get3A_768 = vector.shape_cast %get3A_767 : vector<1x16xi32> to vector<16xi32>
    %select_n3A_769 = arith.select %eq3A_763, %get3A_768, %select_n3A_760 : vector<16xi1>, vector<16xi32>
    %eq3A_770 = arith.constant 12 : i32
    %eq3A_771 = vector.broadcast %eq3A_770 : i32 to vector<16xi32>
    %eq3A_772 = arith.cmpi eq, %iota3A, %eq3A_771 : vector<16xi32>
    %get3A_773 = arith.constant 76 : i32
    %get3A_774 = arith.index_cast %get3A_773 : i32 to index
    %get3A_775 = arith.constant 0 : index
    %get3A_776 = tpu.vector_load %arg7[%get3A_774, %get3A_775] {strides = array<i32>} : memref<128x128xi32, #tpu.memory_space<vmem>>, vector<1x16xi32>,
    %get3A_777 = vector.shape_cast %get3A_776 : vector<1x16xi32> to vector<16xi32>
    %select_n3A_778 = arith.select %eq3A_772, %get3A_777, %select_n3A_769 : vector<16xi1>, vector<16xi32>
    %eq3A_779 = arith.constant 13 : i32
    %eq3A_780 = vector.broadcast %eq3A_779 : i32 to vector<16xi32>
    %eq3A_781 = arith.cmpi eq, %iota3A, %eq3A_780 : vector<16xi32>
    %get3A_782 = arith.constant 77 : i32
    %get3A_783 = arith.index_cast %get3A_782 : i32 to index
    %get3A_784 = arith.constant 0 : index
    %get3A_785 = tpu.vector_load %arg7[%get3A_783, %get3A_784] {strides = array<i32>} : memref<128x128xi32, #tpu.memory_space<vmem>>, vector<1x16xi32>,
    %get3A_786 = vector.shape_cast %get3A_785 : vector<1x16xi32> to vector<16xi32>
    %select_n3A_787 = arith.select %eq3A_781, %get3A_786, %select_n3A_778 : vector<16xi1>, vector<16xi32>
    %eq3A_788 = arith.constant 14 : i32
    %eq3A_789 = vector.broadcast %eq3A_788 : i32 to vector<16xi32>
    %eq3A_790 = arith.cmpi eq, %iota3A, %eq3A_789 : vector<16xi32>
    %get3A_791 = arith.constant 78 : i32
    %get3A_792 = arith.index_cast %get3A_791 : i32 to index
    %get3A_793 = arith.constant 0 : index
    %get3A_794 = tpu.vector_load %arg7[%get3A_792, %get3A_793] {strides = array<i32>} : memref<128x128xi32, #tpu.memory_space<vmem>>, vector<1x16xi32>,
    %get3A_795 = vector.shape_cast %get3A_794 : vector<1x16xi32> to vector<16xi32>
    %select_n3A_796 = arith.select %eq3A_790, %get3A_795, %select_n3A_787 : vector<16xi1>, vector<16xi32>
    %eq3A_797 = arith.constant 15 : i32
    %eq3A_798 = vector.broadcast %eq3A_797 : i32 to vector<16xi32>
    %eq3A_799 = arith.cmpi eq, %iota3A, %eq3A_798 : vector<16xi32>
    %get3A_800 = arith.constant 79 : i32
    %get3A_801 = arith.index_cast %get3A_800 : i32 to index
    %get3A_802 = arith.constant 0 : index
    %get3A_803 = tpu.vector_load %arg7[%get3A_801, %get3A_802] {strides = array<i32>} : memref<128x128xi32, #tpu.memory_space<vmem>>, vector<1x16xi32>,
    %get3A_804 = vector.shape_cast %get3A_803 : vector<1x16xi32> to vector<16xi32>
    %select_n3A_805 = arith.select %eq3A_799, %get3A_804, %select_n3A_796 : vector<16xi1>, vector<16xi32>
    %mul3A_806 = arith.constant 512 : i32
    %mul3A_807 = arith.muli %select_n3A, %mul3A_806 : i32
    %sub3A_808 = arith.subi %mul3A_2, %mul3A_807 : i32
    %add3A_809 = arith.constant 64 : i32
    %add3A_810 = arith.addi %sub3A_808, %add3A_809 : i32
    %add3A_811 = vector.broadcast %add3A_810 : i32 to vector<16xi32>
    %add3A_812 = arith.addi %add3A_811, %iota3A : vector<16xi32>
    %lt3A_813 = arith.cmpi slt, %add3A_812, %min3A_23 : vector<16xi32>
    %select_n3A_814 = arith.select %lt3A_813, %select_n3A_805, %add3A_26 : vector<16xi1>, vector<16xi32>
    %swap3A_815 = arith.constant 64 : index
    %swap3A_816 = tpu.vector_load %arg8[%swap3A_815] {strides = array<i32>} : memref<128xi32, #tpu.memory_space<vmem>>, vector<16xi32>,
    %swap3A_817 = vector.shape_cast %swap3A_816 : vector<16xi32> to vector<16xi32>
    %swap3A_818 = vector.shape_cast %select_n3A_814 : vector<16xi32> to vector<16xi32>
    tpu.vector_store %arg8[%swap3A_815], %swap3A_818 {strides = array<i32>} : memref<128xi32, #tpu.memory_space<vmem>>, vector<16xi32>,
    %broadcast_in_dim3A_819 = arith.constant 0 : i32
    %broadcast_in_dim3A_820 = vector.broadcast %broadcast_in_dim3A_819 : i32 to vector<16xi32>
    %eq3A_821 = arith.constant 0 : i32
    %eq3A_822 = vector.broadcast %eq3A_821 : i32 to vector<16xi32>
    %eq3A_823 = arith.cmpi eq, %iota3A, %eq3A_822 : vector<16xi32>
    %get3A_824 = arith.constant 80 : i32
    %get3A_825 = arith.index_cast %get3A_824 : i32 to index
    %get3A_826 = arith.constant 0 : index
    %get3A_827 = tpu.vector_load %arg7[%get3A_825, %get3A_826] {strides = array<i32>} : memref<128x128xi32, #tpu.memory_space<vmem>>, vector<1x16xi32>,
    %get3A_828 = vector.shape_cast %get3A_827 : vector<1x16xi32> to vector<16xi32>
    %select_n3A_829 = arith.select %eq3A_823, %get3A_828, %broadcast_in_dim3A_820 : vector<16xi1>, vector<16xi32>
    %eq3A_830 = arith.constant 1 : i32
    %eq3A_831 = vector.broadcast %eq3A_830 : i32 to vector<16xi32>
    %eq3A_832 = arith.cmpi eq, %iota3A, %eq3A_831 : vector<16xi32>
    %get3A_833 = arith.constant 81 : i32
    %get3A_834 = arith.index_cast %get3A_833 : i32 to index
    %get3A_835 = arith.constant 0 : index
    %get3A_836 = tpu.vector_load %arg7[%get3A_834, %get3A_835] {strides = array<i32>} : memref<128x128xi32, #tpu.memory_space<vmem>>, vector<1x16xi32>,
    %get3A_837 = vector.shape_cast %get3A_836 : vector<1x16xi32> to vector<16xi32>
    %select_n3A_838 = arith.select %eq3A_832, %get3A_837, %select_n3A_829 : vector<16xi1>, vector<16xi32>
    %eq3A_839 = arith.constant 2 : i32
    %eq3A_840 = vector.broadcast %eq3A_839 : i32 to vector<16xi32>
    %eq3A_841 = arith.cmpi eq, %iota3A, %eq3A_840 : vector<16xi32>
    %get3A_842 = arith.constant 82 : i32
    %get3A_843 = arith.index_cast %get3A_842 : i32 to index
    %get3A_844 = arith.constant 0 : index
    %get3A_845 = tpu.vector_load %arg7[%get3A_843, %get3A_844] {strides = array<i32>} : memref<128x128xi32, #tpu.memory_space<vmem>>, vector<1x16xi32>,
    %get3A_846 = vector.shape_cast %get3A_845 : vector<1x16xi32> to vector<16xi32>
    %select_n3A_847 = arith.select %eq3A_841, %get3A_846, %select_n3A_838 : vector<16xi1>, vector<16xi32>
    %eq3A_848 = arith.constant 3 : i32
    %eq3A_849 = vector.broadcast %eq3A_848 : i32 to vector<16xi32>
    %eq3A_850 = arith.cmpi eq, %iota3A, %eq3A_849 : vector<16xi32>
    %get3A_851 = arith.constant 83 : i32
    %get3A_852 = arith.index_cast %get3A_851 : i32 to index
    %get3A_853 = arith.constant 0 : index
    %get3A_854 = tpu.vector_load %arg7[%get3A_852, %get3A_853] {strides = array<i32>} : memref<128x128xi32, #tpu.memory_space<vmem>>, vector<1x16xi32>,
    %get3A_855 = vector.shape_cast %get3A_854 : vector<1x16xi32> to vector<16xi32>
    %select_n3A_856 = arith.select %eq3A_850, %get3A_855, %select_n3A_847 : vector<16xi1>, vector<16xi32>
    %eq3A_857 = arith.constant 4 : i32
    %eq3A_858 = vector.broadcast %eq3A_857 : i32 to vector<16xi32>
    %eq3A_859 = arith.cmpi eq, %iota3A, %eq3A_858 : vector<16xi32>
    %get3A_860 = arith.constant 84 : i32
    %get3A_861 = arith.index_cast %get3A_860 : i32 to index
    %get3A_862 = arith.constant 0 : index
    %get3A_863 = tpu.vector_load %arg7[%get3A_861, %get3A_862] {strides = array<i32>} : memref<128x128xi32, #tpu.memory_space<vmem>>, vector<1x16xi32>,
    %get3A_864 = vector.shape_cast %get3A_863 : vector<1x16xi32> to vector<16xi32>
    %select_n3A_865 = arith.select %eq3A_859, %get3A_864, %select_n3A_856 : vector<16xi1>, vector<16xi32>
    %eq3A_866 = arith.constant 5 : i32
    %eq3A_867 = vector.broadcast %eq3A_866 : i32 to vector<16xi32>
    %eq3A_868 = arith.cmpi eq, %iota3A, %eq3A_867 : vector<16xi32>
    %get3A_869 = arith.constant 85 : i32
    %get3A_870 = arith.index_cast %get3A_869 : i32 to index
    %get3A_871 = arith.constant 0 : index
    %get3A_872 = tpu.vector_load %arg7[%get3A_870, %get3A_871] {strides = array<i32>} : memref<128x128xi32, #tpu.memory_space<vmem>>, vector<1x16xi32>,
    %get3A_873 = vector.shape_cast %get3A_872 : vector<1x16xi32> to vector<16xi32>
    %select_n3A_874 = arith.select %eq3A_868, %get3A_873, %select_n3A_865 : vector<16xi1>, vector<16xi32>
    %eq3A_875 = arith.constant 6 : i32
    %eq3A_876 = vector.broadcast %eq3A_875 : i32 to vector<16xi32>
    %eq3A_877 = arith.cmpi eq, %iota3A, %eq3A_876 : vector<16xi32>
    %get3A_878 = arith.constant 86 : i32
    %get3A_879 = arith.index_cast %get3A_878 : i32 to index
    %get3A_880 = arith.constant 0 : index
    %get3A_881 = tpu.vector_load %arg7[%get3A_879, %get3A_880] {strides = array<i32>} : memref<128x128xi32, #tpu.memory_space<vmem>>, vector<1x16xi32>,
    %get3A_882 = vector.shape_cast %get3A_881 : vector<1x16xi32> to vector<16xi32>
    %select_n3A_883 = arith.select %eq3A_877, %get3A_882, %select_n3A_874 : vector<16xi1>, vector<16xi32>
    %eq3A_884 = arith.constant 7 : i32
    %eq3A_885 = vector.broadcast %eq3A_884 : i32 to vector<16xi32>
    %eq3A_886 = arith.cmpi eq, %iota3A, %eq3A_885 : vector<16xi32>
    %get3A_887 = arith.constant 87 : i32
    %get3A_888 = arith.index_cast %get3A_887 : i32 to index
    %get3A_889 = arith.constant 0 : index
    %get3A_890 = tpu.vector_load %arg7[%get3A_888, %get3A_889] {strides = array<i32>} : memref<128x128xi32, #tpu.memory_space<vmem>>, vector<1x16xi32>,
    %get3A_891 = vector.shape_cast %get3A_890 : vector<1x16xi32> to vector<16xi32>
    %select_n3A_892 = arith.select %eq3A_886, %get3A_891, %select_n3A_883 : vector<16xi1>, vector<16xi32>
    %eq3A_893 = arith.constant 8 : i32
    %eq3A_894 = vector.broadcast %eq3A_893 : i32 to vector<16xi32>
    %eq3A_895 = arith.cmpi eq, %iota3A, %eq3A_894 : vector<16xi32>
    %get3A_896 = arith.constant 88 : i32
    %get3A_897 = arith.index_cast %get3A_896 : i32 to index
    %get3A_898 = arith.constant 0 : index
    %get3A_899 = tpu.vector_load %arg7[%get3A_897, %get3A_898] {strides = array<i32>} : memref<128x128xi32, #tpu.memory_space<vmem>>, vector<1x16xi32>,
    %get3A_900 = vector.shape_cast %get3A_899 : vector<1x16xi32> to vector<16xi32>
    %select_n3A_901 = arith.select %eq3A_895, %get3A_900, %select_n3A_892 : vector<16xi1>, vector<16xi32>
    %eq3A_902 = arith.constant 9 : i32
    %eq3A_903 = vector.broadcast %eq3A_902 : i32 to vector<16xi32>
    %eq3A_904 = arith.cmpi eq, %iota3A, %eq3A_903 : vector<16xi32>
    %get3A_905 = arith.constant 89 : i32
    %get3A_906 = arith.index_cast %get3A_905 : i32 to index
    %get3A_907 = arith.constant 0 : index
    %get3A_908 = tpu.vector_load %arg7[%get3A_906, %get3A_907] {strides = array<i32>} : memref<128x128xi32, #tpu.memory_space<vmem>>, vector<1x16xi32>,
    %get3A_909 = vector.shape_cast %get3A_908 : vector<1x16xi32> to vector<16xi32>
    %select_n3A_910 = arith.select %eq3A_904, %get3A_909, %select_n3A_901 : vector<16xi1>, vector<16xi32>
    %eq3A_911 = arith.constant 10 : i32
    %eq3A_912 = vector.broadcast %eq3A_911 : i32 to vector<16xi32>
    %eq3A_913 = arith.cmpi eq, %iota3A, %eq3A_912 : vector<16xi32>
    %get3A_914 = arith.constant 90 : i32
    %get3A_915 = arith.index_cast %get3A_914 : i32 to index
    %get3A_916 = arith.constant 0 : index
    %get3A_917 = tpu.vector_load %arg7[%get3A_915, %get3A_916] {strides = array<i32>} : memref<128x128xi32, #tpu.memory_space<vmem>>, vector<1x16xi32>,
    %get3A_918 = vector.shape_cast %get3A_917 : vector<1x16xi32> to vector<16xi32>
    %select_n3A_919 = arith.select %eq3A_913, %get3A_918, %select_n3A_910 : vector<16xi1>, vector<16xi32>
    %eq3A_920 = arith.constant 11 : i32
    %eq3A_921 = vector.broadcast %eq3A_920 : i32 to vector<16xi32>
    %eq3A_922 = arith.cmpi eq, %iota3A, %eq3A_921 : vector<16xi32>
    %get3A_923 = arith.constant 91 : i32
    %get3A_924 = arith.index_cast %get3A_923 : i32 to index
    %get3A_925 = arith.constant 0 : index
    %get3A_926 = tpu.vector_load %arg7[%get3A_924, %get3A_925] {strides = array<i32>} : memref<128x128xi32, #tpu.memory_space<vmem>>, vector<1x16xi32>,
    %get3A_927 = vector.shape_cast %get3A_926 : vector<1x16xi32> to vector<16xi32>
    %select_n3A_928 = arith.select %eq3A_922, %get3A_927, %select_n3A_919 : vector<16xi1>, vector<16xi32>
    %eq3A_929 = arith.constant 12 : i32
    %eq3A_930 = vector.broadcast %eq3A_929 : i32 to vector<16xi32>
    %eq3A_931 = arith.cmpi eq, %iota3A, %eq3A_930 : vector<16xi32>
    %get3A_932 = arith.constant 92 : i32
    %get3A_933 = arith.index_cast %get3A_932 : i32 to index
    %get3A_934 = arith.constant 0 : index
    %get3A_935 = tpu.vector_load %arg7[%get3A_933, %get3A_934] {strides = array<i32>} : memref<128x128xi32, #tpu.memory_space<vmem>>, vector<1x16xi32>,
    %get3A_936 = vector.shape_cast %get3A_935 : vector<1x16xi32> to vector<16xi32>
    %select_n3A_937 = arith.select %eq3A_931, %get3A_936, %select_n3A_928 : vector<16xi1>, vector<16xi32>
    %eq3A_938 = arith.constant 13 : i32
    %eq3A_939 = vector.broadcast %eq3A_938 : i32 to vector<16xi32>
    %eq3A_940 = arith.cmpi eq, %iota3A, %eq3A_939 : vector<16xi32>
    %get3A_941 = arith.constant 93 : i32
    %get3A_942 = arith.index_cast %get3A_941 : i32 to index
    %get3A_943 = arith.constant 0 : index
    %get3A_944 = tpu.vector_load %arg7[%get3A_942, %get3A_943] {strides = array<i32>} : memref<128x128xi32, #tpu.memory_space<vmem>>, vector<1x16xi32>,
    %get3A_945 = vector.shape_cast %get3A_944 : vector<1x16xi32> to vector<16xi32>
    %select_n3A_946 = arith.select %eq3A_940, %get3A_945, %select_n3A_937 : vector<16xi1>, vector<16xi32>
    %eq3A_947 = arith.constant 14 : i32
    %eq3A_948 = vector.broadcast %eq3A_947 : i32 to vector<16xi32>
    %eq3A_949 = arith.cmpi eq, %iota3A, %eq3A_948 : vector<16xi32>
    %get3A_950 = arith.constant 94 : i32
    %get3A_951 = arith.index_cast %get3A_950 : i32 to index
    %get3A_952 = arith.constant 0 : index
    %get3A_953 = tpu.vector_load %arg7[%get3A_951, %get3A_952] {strides = array<i32>} : memref<128x128xi32, #tpu.memory_space<vmem>>, vector<1x16xi32>,
    %get3A_954 = vector.shape_cast %get3A_953 : vector<1x16xi32> to vector<16xi32>
    %select_n3A_955 = arith.select %eq3A_949, %get3A_954, %select_n3A_946 : vector<16xi1>, vector<16xi32>
    %eq3A_956 = arith.constant 15 : i32
    %eq3A_957 = vector.broadcast %eq3A_956 : i32 to vector<16xi32>
    %eq3A_958 = arith.cmpi eq, %iota3A, %eq3A_957 : vector<16xi32>
    %get3A_959 = arith.constant 95 : i32
    %get3A_960 = arith.index_cast %get3A_959 : i32 to index
    %get3A_961 = arith.constant 0 : index
    %get3A_962 = tpu.vector_load %arg7[%get3A_960, %get3A_961] {strides = array<i32>} : memref<128x128xi32, #tpu.memory_space<vmem>>, vector<1x16xi32>,
    %get3A_963 = vector.shape_cast %get3A_962 : vector<1x16xi32> to vector<16xi32>
    %select_n3A_964 = arith.select %eq3A_958, %get3A_963, %select_n3A_955 : vector<16xi1>, vector<16xi32>
    %mul3A_965 = arith.constant 512 : i32
    %mul3A_966 = arith.muli %select_n3A, %mul3A_965 : i32
    %sub3A_967 = arith.subi %mul3A_2, %mul3A_966 : i32
    %add3A_968 = arith.constant 80 : i32
    %add3A_969 = arith.addi %sub3A_967, %add3A_968 : i32
    %add3A_970 = vector.broadcast %add3A_969 : i32 to vector<16xi32>
    %add3A_971 = arith.addi %add3A_970, %iota3A : vector<16xi32>
    %lt3A_972 = arith.cmpi slt, %add3A_971, %min3A_23 : vector<16xi32>
    %select_n3A_973 = arith.select %lt3A_972, %select_n3A_964, %add3A_26 : vector<16xi1>, vector<16xi32>
    %swap3A_974 = arith.constant 80 : index
    %swap3A_975 = tpu.vector_load %arg8[%swap3A_974] {strides = array<i32>} : memref<128xi32, #tpu.memory_space<vmem>>, vector<16xi32>,
    %swap3A_976 = vector.shape_cast %swap3A_975 : vector<16xi32> to vector<16xi32>
    %swap3A_977 = vector.shape_cast %select_n3A_973 : vector<16xi32> to vector<16xi32>
    tpu.vector_store %arg8[%swap3A_974], %swap3A_977 {strides = array<i32>} : memref<128xi32, #tpu.memory_space<vmem>>, vector<16xi32>,
    %broadcast_in_dim3A_978 = arith.constant 0 : i32
    %broadcast_in_dim3A_979 = vector.broadcast %broadcast_in_dim3A_978 : i32 to vector<16xi32>
    %eq3A_980 = arith.constant 0 : i32
    %eq3A_981 = vector.broadcast %eq3A_980 : i32 to vector<16xi32>
    %eq3A_982 = arith.cmpi eq, %iota3A, %eq3A_981 : vector<16xi32>
    %get3A_983 = arith.constant 96 : i32
    %get3A_984 = arith.index_cast %get3A_983 : i32 to index
    %get3A_985 = arith.constant 0 : index
    %get3A_986 = tpu.vector_load %arg7[%get3A_984, %get3A_985] {strides = array<i32>} : memref<128x128xi32, #tpu.memory_space<vmem>>, vector<1x16xi32>,
    %get3A_987 = vector.shape_cast %get3A_986 : vector<1x16xi32> to vector<16xi32>
    %select_n3A_988 = arith.select %eq3A_982, %get3A_987, %broadcast_in_dim3A_979 : vector<16xi1>, vector<16xi32>
    %eq3A_989 = arith.constant 1 : i32
    %eq3A_990 = vector.broadcast %eq3A_989 : i32 to vector<16xi32>
    %eq3A_991 = arith.cmpi eq, %iota3A, %eq3A_990 : vector<16xi32>
    %get3A_992 = arith.constant 97 : i32
    %get3A_993 = arith.index_cast %get3A_992 : i32 to index
    %get3A_994 = arith.constant 0 : index
    %get3A_995 = tpu.vector_load %arg7[%get3A_993, %get3A_994] {strides = array<i32>} : memref<128x128xi32, #tpu.memory_space<vmem>>, vector<1x16xi32>,
    %get3A_996 = vector.shape_cast %get3A_995 : vector<1x16xi32> to vector<16xi32>
    %select_n3A_997 = arith.select %eq3A_991, %get3A_996, %select_n3A_988 : vector<16xi1>, vector<16xi32>
    %eq3A_998 = arith.constant 2 : i32
    %eq3A_999 = vector.broadcast %eq3A_998 : i32 to vector<16xi32>
    %eq3A_1000 = arith.cmpi eq, %iota3A, %eq3A_999 : vector<16xi32>
    %get3A_1001 = arith.constant 98 : i32
    %get3A_1002 = arith.index_cast %get3A_1001 : i32 to index
    %get3A_1003 = arith.constant 0 : index
    %get3A_1004 = tpu.vector_load %arg7[%get3A_1002, %get3A_1003] {strides = array<i32>} : memref<128x128xi32, #tpu.memory_space<vmem>>, vector<1x16xi32>,
    %get3A_1005 = vector.shape_cast %get3A_1004 : vector<1x16xi32> to vector<16xi32>
    %select_n3A_1006 = arith.select %eq3A_1000, %get3A_1005, %select_n3A_997 : vector<16xi1>, vector<16xi32>
    %eq3A_1007 = arith.constant 3 : i32
    %eq3A_1008 = vector.broadcast %eq3A_1007 : i32 to vector<16xi32>
    %eq3A_1009 = arith.cmpi eq, %iota3A, %eq3A_1008 : vector<16xi32>
    %get3A_1010 = arith.constant 99 : i32
    %get3A_1011 = arith.index_cast %get3A_1010 : i32 to index
    %get3A_1012 = arith.constant 0 : index
    %get3A_1013 = tpu.vector_load %arg7[%get3A_1011, %get3A_1012] {strides = array<i32>} : memref<128x128xi32, #tpu.memory_space<vmem>>, vector<1x16xi32>,
    %get3A_1014 = vector.shape_cast %get3A_1013 : vector<1x16xi32> to vector<16xi32>
    %select_n3A_1015 = arith.select %eq3A_1009, %get3A_1014, %select_n3A_1006 : vector<16xi1>, vector<16xi32>
    %eq3A_1016 = arith.constant 4 : i32
    %eq3A_1017 = vector.broadcast %eq3A_1016 : i32 to vector<16xi32>
    %eq3A_1018 = arith.cmpi eq, %iota3A, %eq3A_1017 : vector<16xi32>
    %get3A_1019 = arith.constant 100 : i32
    %get3A_1020 = arith.index_cast %get3A_1019 : i32 to index
    %get3A_1021 = arith.constant 0 : index
    %get3A_1022 = tpu.vector_load %arg7[%get3A_1020, %get3A_1021] {strides = array<i32>} : memref<128x128xi32, #tpu.memory_space<vmem>>, vector<1x16xi32>,
    %get3A_1023 = vector.shape_cast %get3A_1022 : vector<1x16xi32> to vector<16xi32>
    %select_n3A_1024 = arith.select %eq3A_1018, %get3A_1023, %select_n3A_1015 : vector<16xi1>, vector<16xi32>
    %eq3A_1025 = arith.constant 5 : i32
    %eq3A_1026 = vector.broadcast %eq3A_1025 : i32 to vector<16xi32>
    %eq3A_1027 = arith.cmpi eq, %iota3A, %eq3A_1026 : vector<16xi32>
    %get3A_1028 = arith.constant 101 : i32
    %get3A_1029 = arith.index_cast %get3A_1028 : i32 to index
    %get3A_1030 = arith.constant 0 : index
    %get3A_1031 = tpu.vector_load %arg7[%get3A_1029, %get3A_1030] {strides = array<i32>} : memref<128x128xi32, #tpu.memory_space<vmem>>, vector<1x16xi32>,
    %get3A_1032 = vector.shape_cast %get3A_1031 : vector<1x16xi32> to vector<16xi32>
    %select_n3A_1033 = arith.select %eq3A_1027, %get3A_1032, %select_n3A_1024 : vector<16xi1>, vector<16xi32>
    %eq3A_1034 = arith.constant 6 : i32
    %eq3A_1035 = vector.broadcast %eq3A_1034 : i32 to vector<16xi32>
    %eq3A_1036 = arith.cmpi eq, %iota3A, %eq3A_1035 : vector<16xi32>
    %get3A_1037 = arith.constant 102 : i32
    %get3A_1038 = arith.index_cast %get3A_1037 : i32 to index
    %get3A_1039 = arith.constant 0 : index
    %get3A_1040 = tpu.vector_load %arg7[%get3A_1038, %get3A_1039] {strides = array<i32>} : memref<128x128xi32, #tpu.memory_space<vmem>>, vector<1x16xi32>,
    %get3A_1041 = vector.shape_cast %get3A_1040 : vector<1x16xi32> to vector<16xi32>
    %select_n3A_1042 = arith.select %eq3A_1036, %get3A_1041, %select_n3A_1033 : vector<16xi1>, vector<16xi32>
    %eq3A_1043 = arith.constant 7 : i32
    %eq3A_1044 = vector.broadcast %eq3A_1043 : i32 to vector<16xi32>
    %eq3A_1045 = arith.cmpi eq, %iota3A, %eq3A_1044 : vector<16xi32>
    %get3A_1046 = arith.constant 103 : i32
    %get3A_1047 = arith.index_cast %get3A_1046 : i32 to index
    %get3A_1048 = arith.constant 0 : index
    %get3A_1049 = tpu.vector_load %arg7[%get3A_1047, %get3A_1048] {strides = array<i32>} : memref<128x128xi32, #tpu.memory_space<vmem>>, vector<1x16xi32>,
    %get3A_1050 = vector.shape_cast %get3A_1049 : vector<1x16xi32> to vector<16xi32>
    %select_n3A_1051 = arith.select %eq3A_1045, %get3A_1050, %select_n3A_1042 : vector<16xi1>, vector<16xi32>
    %eq3A_1052 = arith.constant 8 : i32
    %eq3A_1053 = vector.broadcast %eq3A_1052 : i32 to vector<16xi32>
    %eq3A_1054 = arith.cmpi eq, %iota3A, %eq3A_1053 : vector<16xi32>
    %get3A_1055 = arith.constant 104 : i32
    %get3A_1056 = arith.index_cast %get3A_1055 : i32 to index
    %get3A_1057 = arith.constant 0 : index
    %get3A_1058 = tpu.vector_load %arg7[%get3A_1056, %get3A_1057] {strides = array<i32>} : memref<128x128xi32, #tpu.memory_space<vmem>>, vector<1x16xi32>,
    %get3A_1059 = vector.shape_cast %get3A_1058 : vector<1x16xi32> to vector<16xi32>
    %select_n3A_1060 = arith.select %eq3A_1054, %get3A_1059, %select_n3A_1051 : vector<16xi1>, vector<16xi32>
    %eq3A_1061 = arith.constant 9 : i32
    %eq3A_1062 = vector.broadcast %eq3A_1061 : i32 to vector<16xi32>
    %eq3A_1063 = arith.cmpi eq, %iota3A, %eq3A_1062 : vector<16xi32>
    %get3A_1064 = arith.constant 105 : i32
    %get3A_1065 = arith.index_cast %get3A_1064 : i32 to index
    %get3A_1066 = arith.constant 0 : index
    %get3A_1067 = tpu.vector_load %arg7[%get3A_1065, %get3A_1066] {strides = array<i32>} : memref<128x128xi32, #tpu.memory_space<vmem>>, vector<1x16xi32>,
    %get3A_1068 = vector.shape_cast %get3A_1067 : vector<1x16xi32> to vector<16xi32>
    %select_n3A_1069 = arith.select %eq3A_1063, %get3A_1068, %select_n3A_1060 : vector<16xi1>, vector<16xi32>
    %eq3A_1070 = arith.constant 10 : i32
    %eq3A_1071 = vector.broadcast %eq3A_1070 : i32 to vector<16xi32>
    %eq3A_1072 = arith.cmpi eq, %iota3A, %eq3A_1071 : vector<16xi32>
    %get3A_1073 = arith.constant 106 : i32
    %get3A_1074 = arith.index_cast %get3A_1073 : i32 to index
    %get3A_1075 = arith.constant 0 : index
    %get3A_1076 = tpu.vector_load %arg7[%get3A_1074, %get3A_1075] {strides = array<i32>} : memref<128x128xi32, #tpu.memory_space<vmem>>, vector<1x16xi32>,
    %get3A_1077 = vector.shape_cast %get3A_1076 : vector<1x16xi32> to vector<16xi32>
    %select_n3A_1078 = arith.select %eq3A_1072, %get3A_1077, %select_n3A_1069 : vector<16xi1>, vector<16xi32>
    %eq3A_1079 = arith.constant 11 : i32
    %eq3A_1080 = vector.broadcast %eq3A_1079 : i32 to vector<16xi32>
    %eq3A_1081 = arith.cmpi eq, %iota3A, %eq3A_1080 : vector<16xi32>
    %get3A_1082 = arith.constant 107 : i32
    %get3A_1083 = arith.index_cast %get3A_1082 : i32 to index
    %get3A_1084 = arith.constant 0 : index
    %get3A_1085 = tpu.vector_load %arg7[%get3A_1083, %get3A_1084] {strides = array<i32>} : memref<128x128xi32, #tpu.memory_space<vmem>>, vector<1x16xi32>,
    %get3A_1086 = vector.shape_cast %get3A_1085 : vector<1x16xi32> to vector<16xi32>
    %select_n3A_1087 = arith.select %eq3A_1081, %get3A_1086, %select_n3A_1078 : vector<16xi1>, vector<16xi32>
    %eq3A_1088 = arith.constant 12 : i32
    %eq3A_1089 = vector.broadcast %eq3A_1088 : i32 to vector<16xi32>
    %eq3A_1090 = arith.cmpi eq, %iota3A, %eq3A_1089 : vector<16xi32>
    %get3A_1091 = arith.constant 108 : i32
    %get3A_1092 = arith.index_cast %get3A_1091 : i32 to index
    %get3A_1093 = arith.constant 0 : index
    %get3A_1094 = tpu.vector_load %arg7[%get3A_1092, %get3A_1093] {strides = array<i32>} : memref<128x128xi32, #tpu.memory_space<vmem>>, vector<1x16xi32>,
    %get3A_1095 = vector.shape_cast %get3A_1094 : vector<1x16xi32> to vector<16xi32>
    %select_n3A_1096 = arith.select %eq3A_1090, %get3A_1095, %select_n3A_1087 : vector<16xi1>, vector<16xi32>
    %eq3A_1097 = arith.constant 13 : i32
    %eq3A_1098 = vector.broadcast %eq3A_1097 : i32 to vector<16xi32>
    %eq3A_1099 = arith.cmpi eq, %iota3A, %eq3A_1098 : vector<16xi32>
    %get3A_1100 = arith.constant 109 : i32
    %get3A_1101 = arith.index_cast %get3A_1100 : i32 to index
    %get3A_1102 = arith.constant 0 : index
    %get3A_1103 = tpu.vector_load %arg7[%get3A_1101, %get3A_1102] {strides = array<i32>} : memref<128x128xi32, #tpu.memory_space<vmem>>, vector<1x16xi32>,
    %get3A_1104 = vector.shape_cast %get3A_1103 : vector<1x16xi32> to vector<16xi32>
    %select_n3A_1105 = arith.select %eq3A_1099, %get3A_1104, %select_n3A_1096 : vector<16xi1>, vector<16xi32>
    %eq3A_1106 = arith.constant 14 : i32
    %eq3A_1107 = vector.broadcast %eq3A_1106 : i32 to vector<16xi32>
    %eq3A_1108 = arith.cmpi eq, %iota3A, %eq3A_1107 : vector<16xi32>
    %get3A_1109 = arith.constant 110 : i32
    %get3A_1110 = arith.index_cast %get3A_1109 : i32 to index
    %get3A_1111 = arith.constant 0 : index
    %get3A_1112 = tpu.vector_load %arg7[%get3A_1110, %get3A_1111] {strides = array<i32>} : memref<128x128xi32, #tpu.memory_space<vmem>>, vector<1x16xi32>,
    %get3A_1113 = vector.shape_cast %get3A_1112 : vector<1x16xi32> to vector<16xi32>
    %select_n3A_1114 = arith.select %eq3A_1108, %get3A_1113, %select_n3A_1105 : vector<16xi1>, vector<16xi32>
    %eq3A_1115 = arith.constant 15 : i32
    %eq3A_1116 = vector.broadcast %eq3A_1115 : i32 to vector<16xi32>
    %eq3A_1117 = arith.cmpi eq, %iota3A, %eq3A_1116 : vector<16xi32>
    %get3A_1118 = arith.constant 111 : i32
    %get3A_1119 = arith.index_cast %get3A_1118 : i32 to index
    %get3A_1120 = arith.constant 0 : index
    %get3A_1121 = tpu.vector_load %arg7[%get3A_1119, %get3A_1120] {strides = array<i32>} : memref<128x128xi32, #tpu.memory_space<vmem>>, vector<1x16xi32>,
    %get3A_1122 = vector.shape_cast %get3A_1121 : vector<1x16xi32> to vector<16xi32>
    %select_n3A_1123 = arith.select %eq3A_1117, %get3A_1122, %select_n3A_1114 : vector<16xi1>, vector<16xi32>
    %mul3A_1124 = arith.constant 512 : i32
    %mul3A_1125 = arith.muli %select_n3A, %mul3A_1124 : i32
    %sub3A_1126 = arith.subi %mul3A_2, %mul3A_1125 : i32
    %add3A_1127 = arith.constant 96 : i32
    %add3A_1128 = arith.addi %sub3A_1126, %add3A_1127 : i32
    %add3A_1129 = vector.broadcast %add3A_1128 : i32 to vector<16xi32>
    %add3A_1130 = arith.addi %add3A_1129, %iota3A : vector<16xi32>
    %lt3A_1131 = arith.cmpi slt, %add3A_1130, %min3A_23 : vector<16xi32>
    %select_n3A_1132 = arith.select %lt3A_1131, %select_n3A_1123, %add3A_26 : vector<16xi1>, vector<16xi32>
    %swap3A_1133 = arith.constant 96 : index
    %swap3A_1134 = tpu.vector_load %arg8[%swap3A_1133] {strides = array<i32>} : memref<128xi32, #tpu.memory_space<vmem>>, vector<16xi32>,
    %swap3A_1135 = vector.shape_cast %swap3A_1134 : vector<16xi32> to vector<16xi32>
    %swap3A_1136 = vector.shape_cast %select_n3A_1132 : vector<16xi32> to vector<16xi32>
    tpu.vector_store %arg8[%swap3A_1133], %swap3A_1136 {strides = array<i32>} : memref<128xi32, #tpu.memory_space<vmem>>, vector<16xi32>,
    %broadcast_in_dim3A_1137 = arith.constant 0 : i32
    %broadcast_in_dim3A_1138 = vector.broadcast %broadcast_in_dim3A_1137 : i32 to vector<16xi32>
    %eq3A_1139 = arith.constant 0 : i32
    %eq3A_1140 = vector.broadcast %eq3A_1139 : i32 to vector<16xi32>
    %eq3A_1141 = arith.cmpi eq, %iota3A, %eq3A_1140 : vector<16xi32>
    %get3A_1142 = arith.constant 112 : i32
    %get3A_1143 = arith.index_cast %get3A_1142 : i32 to index
    %get3A_1144 = arith.constant 0 : index
    %get3A_1145 = tpu.vector_load %arg7[%get3A_1143, %get3A_1144] {strides = array<i32>} : memref<128x128xi32, #tpu.memory_space<vmem>>, vector<1x16xi32>,
    %get3A_1146 = vector.shape_cast %get3A_1145 : vector<1x16xi32> to vector<16xi32>
    %select_n3A_1147 = arith.select %eq3A_1141, %get3A_1146, %broadcast_in_dim3A_1138 : vector<16xi1>, vector<16xi32>
    %eq3A_1148 = arith.constant 1 : i32
    %eq3A_1149 = vector.broadcast %eq3A_1148 : i32 to vector<16xi32>
    %eq3A_1150 = arith.cmpi eq, %iota3A, %eq3A_1149 : vector<16xi32>
    %get3A_1151 = arith.constant 113 : i32
    %get3A_1152 = arith.index_cast %get3A_1151 : i32 to index
    %get3A_1153 = arith.constant 0 : index
    %get3A_1154 = tpu.vector_load %arg7[%get3A_1152, %get3A_1153] {strides = array<i32>} : memref<128x128xi32, #tpu.memory_space<vmem>>, vector<1x16xi32>,
    %get3A_1155 = vector.shape_cast %get3A_1154 : vector<1x16xi32> to vector<16xi32>
    %select_n3A_1156 = arith.select %eq3A_1150, %get3A_1155, %select_n3A_1147 : vector<16xi1>, vector<16xi32>
    %eq3A_1157 = arith.constant 2 : i32
    %eq3A_1158 = vector.broadcast %eq3A_1157 : i32 to vector<16xi32>
    %eq3A_1159 = arith.cmpi eq, %iota3A, %eq3A_1158 : vector<16xi32>
    %get3A_1160 = arith.constant 114 : i32
    %get3A_1161 = arith.index_cast %get3A_1160 : i32 to index
    %get3A_1162 = arith.constant 0 : index
    %get3A_1163 = tpu.vector_load %arg7[%get3A_1161, %get3A_1162] {strides = array<i32>} : memref<128x128xi32, #tpu.memory_space<vmem>>, vector<1x16xi32>,
    %get3A_1164 = vector.shape_cast %get3A_1163 : vector<1x16xi32> to vector<16xi32>
    %select_n3A_1165 = arith.select %eq3A_1159, %get3A_1164, %select_n3A_1156 : vector<16xi1>, vector<16xi32>
    %eq3A_1166 = arith.constant 3 : i32
    %eq3A_1167 = vector.broadcast %eq3A_1166 : i32 to vector<16xi32>
    %eq3A_1168 = arith.cmpi eq, %iota3A, %eq3A_1167 : vector<16xi32>
    %get3A_1169 = arith.constant 115 : i32
    %get3A_1170 = arith.index_cast %get3A_1169 : i32 to index
    %get3A_1171 = arith.constant 0 : index
    %get3A_1172 = tpu.vector_load %arg7[%get3A_1170, %get3A_1171] {strides = array<i32>} : memref<128x128xi32, #tpu.memory_space<vmem>>, vector<1x16xi32>,
    %get3A_1173 = vector.shape_cast %get3A_1172 : vector<1x16xi32> to vector<16xi32>
    %select_n3A_1174 = arith.select %eq3A_1168, %get3A_1173, %select_n3A_1165 : vector<16xi1>, vector<16xi32>
    %eq3A_1175 = arith.constant 4 : i32
    %eq3A_1176 = vector.broadcast %eq3A_1175 : i32 to vector<16xi32>
    %eq3A_1177 = arith.cmpi eq, %iota3A, %eq3A_1176 : vector<16xi32>
    %get3A_1178 = arith.constant 116 : i32
    %get3A_1179 = arith.index_cast %get3A_1178 : i32 to index
    %get3A_1180 = arith.constant 0 : index
    %get3A_1181 = tpu.vector_load %arg7[%get3A_1179, %get3A_1180] {strides = array<i32>} : memref<128x128xi32, #tpu.memory_space<vmem>>, vector<1x16xi32>,
    %get3A_1182 = vector.shape_cast %get3A_1181 : vector<1x16xi32> to vector<16xi32>
    %select_n3A_1183 = arith.select %eq3A_1177, %get3A_1182, %select_n3A_1174 : vector<16xi1>, vector<16xi32>
    %eq3A_1184 = arith.constant 5 : i32
    %eq3A_1185 = vector.broadcast %eq3A_1184 : i32 to vector<16xi32>
    %eq3A_1186 = arith.cmpi eq, %iota3A, %eq3A_1185 : vector<16xi32>
    %get3A_1187 = arith.constant 117 : i32
    %get3A_1188 = arith.index_cast %get3A_1187 : i32 to index
    %get3A_1189 = arith.constant 0 : index
    %get3A_1190 = tpu.vector_load %arg7[%get3A_1188, %get3A_1189] {strides = array<i32>} : memref<128x128xi32, #tpu.memory_space<vmem>>, vector<1x16xi32>,
    %get3A_1191 = vector.shape_cast %get3A_1190 : vector<1x16xi32> to vector<16xi32>
    %select_n3A_1192 = arith.select %eq3A_1186, %get3A_1191, %select_n3A_1183 : vector<16xi1>, vector<16xi32>
    %eq3A_1193 = arith.constant 6 : i32
    %eq3A_1194 = vector.broadcast %eq3A_1193 : i32 to vector<16xi32>
    %eq3A_1195 = arith.cmpi eq, %iota3A, %eq3A_1194 : vector<16xi32>
    %get3A_1196 = arith.constant 118 : i32
    %get3A_1197 = arith.index_cast %get3A_1196 : i32 to index
    %get3A_1198 = arith.constant 0 : index
    %get3A_1199 = tpu.vector_load %arg7[%get3A_1197, %get3A_1198] {strides = array<i32>} : memref<128x128xi32, #tpu.memory_space<vmem>>, vector<1x16xi32>,
    %get3A_1200 = vector.shape_cast %get3A_1199 : vector<1x16xi32> to vector<16xi32>
    %select_n3A_1201 = arith.select %eq3A_1195, %get3A_1200, %select_n3A_1192 : vector<16xi1>, vector<16xi32>
    %eq3A_1202 = arith.constant 7 : i32
    %eq3A_1203 = vector.broadcast %eq3A_1202 : i32 to vector<16xi32>
    %eq3A_1204 = arith.cmpi eq, %iota3A, %eq3A_1203 : vector<16xi32>
    %get3A_1205 = arith.constant 119 : i32
    %get3A_1206 = arith.index_cast %get3A_1205 : i32 to index
    %get3A_1207 = arith.constant 0 : index
    %get3A_1208 = tpu.vector_load %arg7[%get3A_1206, %get3A_1207] {strides = array<i32>} : memref<128x128xi32, #tpu.memory_space<vmem>>, vector<1x16xi32>,
    %get3A_1209 = vector.shape_cast %get3A_1208 : vector<1x16xi32> to vector<16xi32>
    %select_n3A_1210 = arith.select %eq3A_1204, %get3A_1209, %select_n3A_1201 : vector<16xi1>, vector<16xi32>
    %eq3A_1211 = arith.constant 8 : i32
    %eq3A_1212 = vector.broadcast %eq3A_1211 : i32 to vector<16xi32>
    %eq3A_1213 = arith.cmpi eq, %iota3A, %eq3A_1212 : vector<16xi32>
    %get3A_1214 = arith.constant 120 : i32
    %get3A_1215 = arith.index_cast %get3A_1214 : i32 to index
    %get3A_1216 = arith.constant 0 : index
    %get3A_1217 = tpu.vector_load %arg7[%get3A_1215, %get3A_1216] {strides = array<i32>} : memref<128x128xi32, #tpu.memory_space<vmem>>, vector<1x16xi32>,
    %get3A_1218 = vector.shape_cast %get3A_1217 : vector<1x16xi32> to vector<16xi32>
    %select_n3A_1219 = arith.select %eq3A_1213, %get3A_1218, %select_n3A_1210 : vector<16xi1>, vector<16xi32>
    %eq3A_1220 = arith.constant 9 : i32
    %eq3A_1221 = vector.broadcast %eq3A_1220 : i32 to vector<16xi32>
    %eq3A_1222 = arith.cmpi eq, %iota3A, %eq3A_1221 : vector<16xi32>
    %get3A_1223 = arith.constant 121 : i32
    %get3A_1224 = arith.index_cast %get3A_1223 : i32 to index
    %get3A_1225 = arith.constant 0 : index
    %get3A_1226 = tpu.vector_load %arg7[%get3A_1224, %get3A_1225] {strides = array<i32>} : memref<128x128xi32, #tpu.memory_space<vmem>>, vector<1x16xi32>,
    %get3A_1227 = vector.shape_cast %get3A_1226 : vector<1x16xi32> to vector<16xi32>
    %select_n3A_1228 = arith.select %eq3A_1222, %get3A_1227, %select_n3A_1219 : vector<16xi1>, vector<16xi32>
    %eq3A_1229 = arith.constant 10 : i32
    %eq3A_1230 = vector.broadcast %eq3A_1229 : i32 to vector<16xi32>
    %eq3A_1231 = arith.cmpi eq, %iota3A, %eq3A_1230 : vector<16xi32>
    %get3A_1232 = arith.constant 122 : i32
    %get3A_1233 = arith.index_cast %get3A_1232 : i32 to index
    %get3A_1234 = arith.constant 0 : index
    %get3A_1235 = tpu.vector_load %arg7[%get3A_1233, %get3A_1234] {strides = array<i32>} : memref<128x128xi32, #tpu.memory_space<vmem>>, vector<1x16xi32>,
    %get3A_1236 = vector.shape_cast %get3A_1235 : vector<1x16xi32> to vector<16xi32>
    %select_n3A_1237 = arith.select %eq3A_1231, %get3A_1236, %select_n3A_1228 : vector<16xi1>, vector<16xi32>
    %eq3A_1238 = arith.constant 11 : i32
    %eq3A_1239 = vector.broadcast %eq3A_1238 : i32 to vector<16xi32>
    %eq3A_1240 = arith.cmpi eq, %iota3A, %eq3A_1239 : vector<16xi32>
    %get3A_1241 = arith.constant 123 : i32
    %get3A_1242 = arith.index_cast %get3A_1241 : i32 to index
    %get3A_1243 = arith.constant 0 : index
    %get3A_1244 = tpu.vector_load %arg7[%get3A_1242, %get3A_1243] {strides = array<i32>} : memref<128x128xi32, #tpu.memory_space<vmem>>, vector<1x16xi32>,
    %get3A_1245 = vector.shape_cast %get3A_1244 : vector<1x16xi32> to vector<16xi32>
    %select_n3A_1246 = arith.select %eq3A_1240, %get3A_1245, %select_n3A_1237 : vector<16xi1>, vector<16xi32>
    %eq3A_1247 = arith.constant 12 : i32
    %eq3A_1248 = vector.broadcast %eq3A_1247 : i32 to vector<16xi32>
    %eq3A_1249 = arith.cmpi eq, %iota3A, %eq3A_1248 : vector<16xi32>
    %get3A_1250 = arith.constant 124 : i32
    %get3A_1251 = arith.index_cast %get3A_1250 : i32 to index
    %get3A_1252 = arith.constant 0 : index
    %get3A_1253 = tpu.vector_load %arg7[%get3A_1251, %get3A_1252] {strides = array<i32>} : memref<128x128xi32, #tpu.memory_space<vmem>>, vector<1x16xi32>,
    %get3A_1254 = vector.shape_cast %get3A_1253 : vector<1x16xi32> to vector<16xi32>
    %select_n3A_1255 = arith.select %eq3A_1249, %get3A_1254, %select_n3A_1246 : vector<16xi1>, vector<16xi32>
    %eq3A_1256 = arith.constant 13 : i32
    %eq3A_1257 = vector.broadcast %eq3A_1256 : i32 to vector<16xi32>
    %eq3A_1258 = arith.cmpi eq, %iota3A, %eq3A_1257 : vector<16xi32>
    %get3A_1259 = arith.constant 125 : i32
    %get3A_1260 = arith.index_cast %get3A_1259 : i32 to index
    %get3A_1261 = arith.constant 0 : index
    %get3A_1262 = tpu.vector_load %arg7[%get3A_1260, %get3A_1261] {strides = array<i32>} : memref<128x128xi32, #tpu.memory_space<vmem>>, vector<1x16xi32>,
    %get3A_1263 = vector.shape_cast %get3A_1262 : vector<1x16xi32> to vector<16xi32>
    %select_n3A_1264 = arith.select %eq3A_1258, %get3A_1263, %select_n3A_1255 : vector<16xi1>, vector<16xi32>
    %eq3A_1265 = arith.constant 14 : i32
    %eq3A_1266 = vector.broadcast %eq3A_1265 : i32 to vector<16xi32>
    %eq3A_1267 = arith.cmpi eq, %iota3A, %eq3A_1266 : vector<16xi32>
    %get3A_1268 = arith.constant 126 : i32
    %get3A_1269 = arith.index_cast %get3A_1268 : i32 to index
    %get3A_1270 = arith.constant 0 : index
    %get3A_1271 = tpu.vector_load %arg7[%get3A_1269, %get3A_1270] {strides = array<i32>} : memref<128x128xi32, #tpu.memory_space<vmem>>, vector<1x16xi32>,
    %get3A_1272 = vector.shape_cast %get3A_1271 : vector<1x16xi32> to vector<16xi32>
    %select_n3A_1273 = arith.select %eq3A_1267, %get3A_1272, %select_n3A_1264 : vector<16xi1>, vector<16xi32>
    %eq3A_1274 = arith.constant 15 : i32
    %eq3A_1275 = vector.broadcast %eq3A_1274 : i32 to vector<16xi32>
    %eq3A_1276 = arith.cmpi eq, %iota3A, %eq3A_1275 : vector<16xi32>
    %get3A_1277 = arith.constant 127 : i32
    %get3A_1278 = arith.index_cast %get3A_1277 : i32 to index
    %get3A_1279 = arith.constant 0 : index
    %get3A_1280 = tpu.vector_load %arg7[%get3A_1278, %get3A_1279] {strides = array<i32>} : memref<128x128xi32, #tpu.memory_space<vmem>>, vector<1x16xi32>,
    %get3A_1281 = vector.shape_cast %get3A_1280 : vector<1x16xi32> to vector<16xi32>
    %select_n3A_1282 = arith.select %eq3A_1276, %get3A_1281, %select_n3A_1273 : vector<16xi1>, vector<16xi32>
    %mul3A_1283 = arith.constant 512 : i32
    %mul3A_1284 = arith.muli %select_n3A, %mul3A_1283 : i32
    %sub3A_1285 = arith.subi %mul3A_2, %mul3A_1284 : i32
    %add3A_1286 = arith.constant 112 : i32
    %add3A_1287 = arith.addi %sub3A_1285, %add3A_1286 : i32
    %add3A_1288 = vector.broadcast %add3A_1287 : i32 to vector<16xi32>
    %add3A_1289 = arith.addi %add3A_1288, %iota3A : vector<16xi32>
    %lt3A_1290 = arith.cmpi slt, %add3A_1289, %min3A_23 : vector<16xi32>
    %select_n3A_1291 = arith.select %lt3A_1290, %select_n3A_1282, %add3A_26 : vector<16xi1>, vector<16xi32>
    %swap3A_1292 = arith.constant 112 : index
    %swap3A_1293 = tpu.vector_load %arg8[%swap3A_1292] {strides = array<i32>} : memref<128xi32, #tpu.memory_space<vmem>>, vector<16xi32>,
    %swap3A_1294 = vector.shape_cast %swap3A_1293 : vector<16xi32> to vector<16xi32>
    %swap3A_1295 = vector.shape_cast %select_n3A_1291 : vector<16xi32> to vector<16xi32>
    tpu.vector_store %arg8[%swap3A_1292], %swap3A_1295 {strides = array<i32>} : memref<128xi32, #tpu.memory_space<vmem>>, vector<16xi32>,
    %dma_start3A = arith.constant 0 : i32
    %dma_start3A_1296 = arith.constant 0 : i32
    %dma_start3A_1297 = tpu.memref_slice %arg5[%dma_start3A, %dma_start3A_1296] : memref<4128x384xf32, #tpu.memory_space<hbm>> -> memref<4128x384xf32, #tpu.memory_space<hbm>>
    tpu.enqueue_indirect_dma source(%arg6 : memref<128x384xf32, #tpu.memory_space<vmem>>) target(%dma_start3A_1297 : memref<4128x384xf32, #tpu.memory_space<hbm>>) offsets(%arg8 : memref<128xi32, #tpu.memory_space<vmem>>) semaphore(%arg10 : memref<!tpu.dma_semaphore, #tpu.memory_space<semaphore_mem>>)
    %dma_wait3A = arith.constant 0 : i32
    %dma_wait3A_1298 = arith.constant 0 : i32
    %dma_wait3A_1299 = tpu.memref_slice %arg5[%dma_wait3A, %dma_wait3A_1298] : memref<4128x384xf32, #tpu.memory_space<hbm>> -> memref<4128x384xf32, #tpu.memory_space<hbm>>
    tpu.wait_indirect_dma semaphore(%arg10 : memref<!tpu.dma_semaphore, #tpu.memory_space<semaphore_mem>>) src(%arg6 : memref<128x384xf32, #tpu.memory_space<vmem>>) dst(%dma_wait3A_1299 : memref<4128x384xf32, #tpu.memory_space<hbm>>)
    return
  }
}

#map = affine_map<(d0, d1) -> (0, 0)>
#map1 = affine_map<(d0, d1) -> (0)>
module attributes {stable_mosaic.version = 14 : i64} {
  func.func @k(%arg0: i32, %arg1: i32, %arg2: memref<2048x384xf32, #tpu.memory_space<hbm>>, %arg3: memref<2048xi32, #tpu.memory_space<hbm>>, %arg4: memref<2048xi32, #tpu.memory_space<hbm>>, %arg5: memref<2048x128xf32, #tpu.memory_space<hbm>>, %arg6: memref<2048x128xf32, #tpu.memory_space<hbm>>, %arg7: memref<4128x384xf32, #tpu.memory_space<hbm>>, %arg8: memref<4128x128xf32, #tpu.memory_space<hbm>>, %arg9: memref<4128x128xi32, #tpu.memory_space<hbm>>, %arg10: memref<64x384xf32, #tpu.memory_space<vmem>>, %arg11: memref<64x128xf32, #tpu.memory_space<vmem>>, %arg12: memref<64x128xf32, #tpu.memory_space<vmem>>, %arg13: memref<64x128xi32, #tpu.memory_space<vmem>>, %arg14: memref<64xi32, #tpu.memory_space<vmem>>, %arg15: memref<64xi32, #tpu.memory_space<vmem>>, %arg16: memref<!tpu.dma_semaphore, #tpu.memory_space<semaphore_mem>>) attributes {dimension_semantics = [#tpu.dimension_semantics<core_parallel>, #tpu.dimension_semantics<subcore_parallel>], iteration_bounds = array<i64: 2, 16>, scalar_prefetch = 0 : i64, scratch_operands = 7 : i64, tpu.core_type = #tpu.core_type<sc_vector_subcore>, window_params = [{transform_indices = #map}, {transform_indices = #map1}, {transform_indices = #map1}, {transform_indices = #map}, {transform_indices = #map}, {transform_indices = #map}, {transform_indices = #map}, {transform_indices = #map}]} {
    %mul3A = arith.constant 2 : i32
    %mul3A_0 = arith.muli %arg1, %mul3A : i32
    %add3A = arith.addi %mul3A_0, %arg0 : i32
    %mul3A_1 = arith.constant 64 : i32
    %mul3A_2 = arith.muli %add3A, %mul3A_1 : i32
    "tpu.region"() ({
      %run_scoped3A = tpu.sem_alloc : memref<!tpu.dma_semaphore, #tpu.memory_space<semaphore_mem>>
      %dma_start3A_137 = arith.constant 0 : i32
      %dma_start3A_138 = tpu.memref_slice %arg2[%mul3A_2, %dma_start3A_137] : memref<2048x384xf32, #tpu.memory_space<hbm>> -> memref<64x384xf32, #tpu.memory_space<hbm>>
      %dma_start3A_139 = arith.constant 0 : i32
      %dma_start3A_140 = tpu.memref_slice %arg2[%mul3A_2, %dma_start3A_139] : memref<2048x384xf32, #tpu.memory_space<hbm>> -> memref<64x384xf32, #tpu.memory_space<hbm>>
      tpu.enqueue_dma source(%dma_start3A_140 : memref<64x384xf32, #tpu.memory_space<hbm>>) target(%arg10 : memref<64x384xf32, #tpu.memory_space<vmem>>) target_semaphore(%run_scoped3A : memref<!tpu.dma_semaphore, #tpu.memory_space<semaphore_mem>>)
      %dma_wait3A_141 = arith.constant 0 : i32
      %dma_wait3A_142 = tpu.memref_slice %arg2[%mul3A_2, %dma_wait3A_141] : memref<2048x384xf32, #tpu.memory_space<hbm>> -> memref<64x384xf32, #tpu.memory_space<hbm>>
      %dma_wait3A_143 = arith.constant 0 : i32
      %dma_wait3A_144 = tpu.memref_slice %arg2[%mul3A_2, %dma_wait3A_143] : memref<2048x384xf32, #tpu.memory_space<hbm>> -> memref<64x384xf32, #tpu.memory_space<hbm>>
      tpu.wait_dma2 semaphore(%run_scoped3A : memref<!tpu.dma_semaphore, #tpu.memory_space<semaphore_mem>>) src(%dma_wait3A_144 : memref<64x384xf32, #tpu.memory_space<hbm>>) dst(%arg10 : memref<64x384xf32, #tpu.memory_space<vmem>>)
      tpu.yield
    }) : () -> ()
    "tpu.region"() ({
      %run_scoped3A = tpu.sem_alloc : memref<!tpu.dma_semaphore, #tpu.memory_space<semaphore_mem>>
      %dma_start3A_137 = arith.constant 0 : i32
      %dma_start3A_138 = tpu.memref_slice %arg5[%mul3A_2, %dma_start3A_137] : memref<2048x128xf32, #tpu.memory_space<hbm>> -> memref<64x128xf32, #tpu.memory_space<hbm>>
      %dma_start3A_139 = arith.constant 0 : i32
      %dma_start3A_140 = tpu.memref_slice %arg5[%mul3A_2, %dma_start3A_139] : memref<2048x128xf32, #tpu.memory_space<hbm>> -> memref<64x128xf32, #tpu.memory_space<hbm>>
      tpu.enqueue_dma source(%dma_start3A_140 : memref<64x128xf32, #tpu.memory_space<hbm>>) target(%arg11 : memref<64x128xf32, #tpu.memory_space<vmem>>) target_semaphore(%run_scoped3A : memref<!tpu.dma_semaphore, #tpu.memory_space<semaphore_mem>>)
      %dma_wait3A_141 = arith.constant 0 : i32
      %dma_wait3A_142 = tpu.memref_slice %arg5[%mul3A_2, %dma_wait3A_141] : memref<2048x128xf32, #tpu.memory_space<hbm>> -> memref<64x128xf32, #tpu.memory_space<hbm>>
      %dma_wait3A_143 = arith.constant 0 : i32
      %dma_wait3A_144 = tpu.memref_slice %arg5[%mul3A_2, %dma_wait3A_143] : memref<2048x128xf32, #tpu.memory_space<hbm>> -> memref<64x128xf32, #tpu.memory_space<hbm>>
      tpu.wait_dma2 semaphore(%run_scoped3A : memref<!tpu.dma_semaphore, #tpu.memory_space<semaphore_mem>>) src(%dma_wait3A_144 : memref<64x128xf32, #tpu.memory_space<hbm>>) dst(%arg11 : memref<64x128xf32, #tpu.memory_space<vmem>>)
      tpu.yield
    }) : () -> ()
    "tpu.region"() ({
      %run_scoped3A = tpu.sem_alloc : memref<!tpu.dma_semaphore, #tpu.memory_space<semaphore_mem>>
      %dma_start3A_137 = arith.constant 0 : i32
      %dma_start3A_138 = tpu.memref_slice %arg6[%mul3A_2, %dma_start3A_137] : memref<2048x128xf32, #tpu.memory_space<hbm>> -> memref<64x128xf32, #tpu.memory_space<hbm>>
      %dma_start3A_139 = arith.constant 0 : i32
      %dma_start3A_140 = tpu.memref_slice %arg6[%mul3A_2, %dma_start3A_139] : memref<2048x128xf32, #tpu.memory_space<hbm>> -> memref<64x128xf32, #tpu.memory_space<hbm>>
      tpu.enqueue_dma source(%dma_start3A_140 : memref<64x128xf32, #tpu.memory_space<hbm>>) target(%arg12 : memref<64x128xf32, #tpu.memory_space<vmem>>) target_semaphore(%run_scoped3A : memref<!tpu.dma_semaphore, #tpu.memory_space<semaphore_mem>>)
      %dma_wait3A_141 = arith.constant 0 : i32
      %dma_wait3A_142 = tpu.memref_slice %arg6[%mul3A_2, %dma_wait3A_141] : memref<2048x128xf32, #tpu.memory_space<hbm>> -> memref<64x128xf32, #tpu.memory_space<hbm>>
      %dma_wait3A_143 = arith.constant 0 : i32
      %dma_wait3A_144 = tpu.memref_slice %arg6[%mul3A_2, %dma_wait3A_143] : memref<2048x128xf32, #tpu.memory_space<hbm>> -> memref<64x128xf32, #tpu.memory_space<hbm>>
      tpu.wait_dma2 semaphore(%run_scoped3A : memref<!tpu.dma_semaphore, #tpu.memory_space<semaphore_mem>>) src(%dma_wait3A_144 : memref<64x128xf32, #tpu.memory_space<hbm>>) dst(%arg12 : memref<64x128xf32, #tpu.memory_space<vmem>>)
      tpu.yield
    }) : () -> ()
    "tpu.region"() ({
      %run_scoped3A = tpu.sem_alloc : memref<!tpu.dma_semaphore, #tpu.memory_space<semaphore_mem>>
      %dma_start3A_137 = tpu.memref_slice %arg3[%mul3A_2] : memref<2048xi32, #tpu.memory_space<hbm>> -> memref<64xi32, #tpu.memory_space<hbm>>
      %dma_start3A_138 = tpu.memref_slice %arg3[%mul3A_2] : memref<2048xi32, #tpu.memory_space<hbm>> -> memref<64xi32, #tpu.memory_space<hbm>>
      tpu.enqueue_dma source(%dma_start3A_138 : memref<64xi32, #tpu.memory_space<hbm>>) target(%arg14 : memref<64xi32, #tpu.memory_space<vmem>>) target_semaphore(%run_scoped3A : memref<!tpu.dma_semaphore, #tpu.memory_space<semaphore_mem>>)
      %dma_wait3A_139 = tpu.memref_slice %arg3[%mul3A_2] : memref<2048xi32, #tpu.memory_space<hbm>> -> memref<64xi32, #tpu.memory_space<hbm>>
      %dma_wait3A_140 = tpu.memref_slice %arg3[%mul3A_2] : memref<2048xi32, #tpu.memory_space<hbm>> -> memref<64xi32, #tpu.memory_space<hbm>>
      tpu.wait_dma2 semaphore(%run_scoped3A : memref<!tpu.dma_semaphore, #tpu.memory_space<semaphore_mem>>) src(%dma_wait3A_140 : memref<64xi32, #tpu.memory_space<hbm>>) dst(%arg14 : memref<64xi32, #tpu.memory_space<vmem>>)
      tpu.yield
    }) : () -> ()
    "tpu.region"() ({
      %run_scoped3A = tpu.sem_alloc : memref<!tpu.dma_semaphore, #tpu.memory_space<semaphore_mem>>
      %dma_start3A_137 = tpu.memref_slice %arg4[%mul3A_2] : memref<2048xi32, #tpu.memory_space<hbm>> -> memref<64xi32, #tpu.memory_space<hbm>>
      %dma_start3A_138 = tpu.memref_slice %arg4[%mul3A_2] : memref<2048xi32, #tpu.memory_space<hbm>> -> memref<64xi32, #tpu.memory_space<hbm>>
      tpu.enqueue_dma source(%dma_start3A_138 : memref<64xi32, #tpu.memory_space<hbm>>) target(%arg15 : memref<64xi32, #tpu.memory_space<vmem>>) target_semaphore(%run_scoped3A : memref<!tpu.dma_semaphore, #tpu.memory_space<semaphore_mem>>)
      %dma_wait3A_139 = tpu.memref_slice %arg4[%mul3A_2] : memref<2048xi32, #tpu.memory_space<hbm>> -> memref<64xi32, #tpu.memory_space<hbm>>
      %dma_wait3A_140 = tpu.memref_slice %arg4[%mul3A_2] : memref<2048xi32, #tpu.memory_space<hbm>> -> memref<64xi32, #tpu.memory_space<hbm>>
      tpu.wait_dma2 semaphore(%run_scoped3A : memref<!tpu.dma_semaphore, #tpu.memory_space<semaphore_mem>>) src(%dma_wait3A_140 : memref<64xi32, #tpu.memory_space<hbm>>) dst(%arg15 : memref<64xi32, #tpu.memory_space<vmem>>)
      tpu.yield
    }) : () -> ()
    %broadcast_in_dim3A = arith.constant 4096 : i32
    %broadcast_in_dim3A_3 = vector.broadcast %broadcast_in_dim3A : i32 to vector<16xi32>
    %add3A_4 = vector.broadcast %add3A : i32 to vector<16xi32>
    %add3A_5 = arith.addi %broadcast_in_dim3A_3, %add3A_4 : vector<16xi32>
    %get3A = arith.constant 0 : index
    %get3A_6 = tpu.vector_load %arg14[%get3A] {strides = array<i32>} : memref<64xi32, #tpu.memory_space<vmem>>, vector<16xi32>,
    %get3A_7 = vector.shape_cast %get3A_6 : vector<16xi32> to vector<16xi32>
    %eq3A = arith.constant 4096 : i32
    %eq3A_8 = vector.broadcast %eq3A : i32 to vector<16xi32>
    %eq3A_9 = arith.cmpi eq, %get3A_7, %eq3A_8 : vector<16xi32>
    %select_n3A = arith.select %eq3A_9, %add3A_5, %get3A_7 : vector<16xi1>, vector<16xi32>
    %swap3A = arith.constant 0 : index
    %swap3A_10 = tpu.vector_load %arg14[%swap3A] {strides = array<i32>} : memref<64xi32, #tpu.memory_space<vmem>>, vector<16xi32>,
    %swap3A_11 = vector.shape_cast %swap3A_10 : vector<16xi32> to vector<16xi32>
    %swap3A_12 = vector.shape_cast %select_n3A : vector<16xi32> to vector<16xi32>
    tpu.vector_store %arg14[%swap3A], %swap3A_12 {strides = array<i32>} : memref<64xi32, #tpu.memory_space<vmem>>, vector<16xi32>,
    %get3A_13 = arith.constant 0 : index
    %get3A_14 = tpu.vector_load %arg15[%get3A_13] {strides = array<i32>} : memref<64xi32, #tpu.memory_space<vmem>>, vector<16xi32>,
    %get3A_15 = vector.shape_cast %get3A_14 : vector<16xi32> to vector<16xi32>
    %eq3A_16 = arith.constant 4096 : i32
    %eq3A_17 = vector.broadcast %eq3A_16 : i32 to vector<16xi32>
    %eq3A_18 = arith.cmpi eq, %get3A_15, %eq3A_17 : vector<16xi32>
    %select_n3A_19 = arith.select %eq3A_18, %add3A_5, %get3A_15 : vector<16xi1>, vector<16xi32>
    %swap3A_20 = arith.constant 0 : index
    %swap3A_21 = tpu.vector_load %arg15[%swap3A_20] {strides = array<i32>} : memref<64xi32, #tpu.memory_space<vmem>>, vector<16xi32>,
    %swap3A_22 = vector.shape_cast %swap3A_21 : vector<16xi32> to vector<16xi32>
    %swap3A_23 = vector.shape_cast %select_n3A_19 : vector<16xi32> to vector<16xi32>
    tpu.vector_store %arg15[%swap3A_20], %swap3A_23 {strides = array<i32>} : memref<64xi32, #tpu.memory_space<vmem>>, vector<16xi32>,
    %get3A_24 = arith.constant 16 : index
    %get3A_25 = tpu.vector_load %arg14[%get3A_24] {strides = array<i32>} : memref<64xi32, #tpu.memory_space<vmem>>, vector<16xi32>,
    %get3A_26 = vector.shape_cast %get3A_25 : vector<16xi32> to vector<16xi32>
    %eq3A_27 = arith.constant 4096 : i32
    %eq3A_28 = vector.broadcast %eq3A_27 : i32 to vector<16xi32>
    %eq3A_29 = arith.cmpi eq, %get3A_26, %eq3A_28 : vector<16xi32>
    %select_n3A_30 = arith.select %eq3A_29, %add3A_5, %get3A_26 : vector<16xi1>, vector<16xi32>
    %swap3A_31 = arith.constant 16 : index
    %swap3A_32 = tpu.vector_load %arg14[%swap3A_31] {strides = array<i32>} : memref<64xi32, #tpu.memory_space<vmem>>, vector<16xi32>,
    %swap3A_33 = vector.shape_cast %swap3A_32 : vector<16xi32> to vector<16xi32>
    %swap3A_34 = vector.shape_cast %select_n3A_30 : vector<16xi32> to vector<16xi32>
    tpu.vector_store %arg14[%swap3A_31], %swap3A_34 {strides = array<i32>} : memref<64xi32, #tpu.memory_space<vmem>>, vector<16xi32>,
    %get3A_35 = arith.constant 16 : index
    %get3A_36 = tpu.vector_load %arg15[%get3A_35] {strides = array<i32>} : memref<64xi32, #tpu.memory_space<vmem>>, vector<16xi32>,
    %get3A_37 = vector.shape_cast %get3A_36 : vector<16xi32> to vector<16xi32>
    %eq3A_38 = arith.constant 4096 : i32
    %eq3A_39 = vector.broadcast %eq3A_38 : i32 to vector<16xi32>
    %eq3A_40 = arith.cmpi eq, %get3A_37, %eq3A_39 : vector<16xi32>
    %select_n3A_41 = arith.select %eq3A_40, %add3A_5, %get3A_37 : vector<16xi1>, vector<16xi32>
    %swap3A_42 = arith.constant 16 : index
    %swap3A_43 = tpu.vector_load %arg15[%swap3A_42] {strides = array<i32>} : memref<64xi32, #tpu.memory_space<vmem>>, vector<16xi32>,
    %swap3A_44 = vector.shape_cast %swap3A_43 : vector<16xi32> to vector<16xi32>
    %swap3A_45 = vector.shape_cast %select_n3A_41 : vector<16xi32> to vector<16xi32>
    tpu.vector_store %arg15[%swap3A_42], %swap3A_45 {strides = array<i32>} : memref<64xi32, #tpu.memory_space<vmem>>, vector<16xi32>,
    %get3A_46 = arith.constant 32 : index
    %get3A_47 = tpu.vector_load %arg14[%get3A_46] {strides = array<i32>} : memref<64xi32, #tpu.memory_space<vmem>>, vector<16xi32>,
    %get3A_48 = vector.shape_cast %get3A_47 : vector<16xi32> to vector<16xi32>
    %eq3A_49 = arith.constant 4096 : i32
    %eq3A_50 = vector.broadcast %eq3A_49 : i32 to vector<16xi32>
    %eq3A_51 = arith.cmpi eq, %get3A_48, %eq3A_50 : vector<16xi32>
    %select_n3A_52 = arith.select %eq3A_51, %add3A_5, %get3A_48 : vector<16xi1>, vector<16xi32>
    %swap3A_53 = arith.constant 32 : index
    %swap3A_54 = tpu.vector_load %arg14[%swap3A_53] {strides = array<i32>} : memref<64xi32, #tpu.memory_space<vmem>>, vector<16xi32>,
    %swap3A_55 = vector.shape_cast %swap3A_54 : vector<16xi32> to vector<16xi32>
    %swap3A_56 = vector.shape_cast %select_n3A_52 : vector<16xi32> to vector<16xi32>
    tpu.vector_store %arg14[%swap3A_53], %swap3A_56 {strides = array<i32>} : memref<64xi32, #tpu.memory_space<vmem>>, vector<16xi32>,
    %get3A_57 = arith.constant 32 : index
    %get3A_58 = tpu.vector_load %arg15[%get3A_57] {strides = array<i32>} : memref<64xi32, #tpu.memory_space<vmem>>, vector<16xi32>,
    %get3A_59 = vector.shape_cast %get3A_58 : vector<16xi32> to vector<16xi32>
    %eq3A_60 = arith.constant 4096 : i32
    %eq3A_61 = vector.broadcast %eq3A_60 : i32 to vector<16xi32>
    %eq3A_62 = arith.cmpi eq, %get3A_59, %eq3A_61 : vector<16xi32>
    %select_n3A_63 = arith.select %eq3A_62, %add3A_5, %get3A_59 : vector<16xi1>, vector<16xi32>
    %swap3A_64 = arith.constant 32 : index
    %swap3A_65 = tpu.vector_load %arg15[%swap3A_64] {strides = array<i32>} : memref<64xi32, #tpu.memory_space<vmem>>, vector<16xi32>,
    %swap3A_66 = vector.shape_cast %swap3A_65 : vector<16xi32> to vector<16xi32>
    %swap3A_67 = vector.shape_cast %select_n3A_63 : vector<16xi32> to vector<16xi32>
    tpu.vector_store %arg15[%swap3A_64], %swap3A_67 {strides = array<i32>} : memref<64xi32, #tpu.memory_space<vmem>>, vector<16xi32>,
    %get3A_68 = arith.constant 48 : index
    %get3A_69 = tpu.vector_load %arg14[%get3A_68] {strides = array<i32>} : memref<64xi32, #tpu.memory_space<vmem>>, vector<16xi32>,
    %get3A_70 = vector.shape_cast %get3A_69 : vector<16xi32> to vector<16xi32>
    %eq3A_71 = arith.constant 4096 : i32
    %eq3A_72 = vector.broadcast %eq3A_71 : i32 to vector<16xi32>
    %eq3A_73 = arith.cmpi eq, %get3A_70, %eq3A_72 : vector<16xi32>
    %select_n3A_74 = arith.select %eq3A_73, %add3A_5, %get3A_70 : vector<16xi1>, vector<16xi32>
    %swap3A_75 = arith.constant 48 : index
    %swap3A_76 = tpu.vector_load %arg14[%swap3A_75] {strides = array<i32>} : memref<64xi32, #tpu.memory_space<vmem>>, vector<16xi32>,
    %swap3A_77 = vector.shape_cast %swap3A_76 : vector<16xi32> to vector<16xi32>
    %swap3A_78 = vector.shape_cast %select_n3A_74 : vector<16xi32> to vector<16xi32>
    tpu.vector_store %arg14[%swap3A_75], %swap3A_78 {strides = array<i32>} : memref<64xi32, #tpu.memory_space<vmem>>, vector<16xi32>,
    %get3A_79 = arith.constant 48 : index
    %get3A_80 = tpu.vector_load %arg15[%get3A_79] {strides = array<i32>} : memref<64xi32, #tpu.memory_space<vmem>>, vector<16xi32>,
    %get3A_81 = vector.shape_cast %get3A_80 : vector<16xi32> to vector<16xi32>
    %eq3A_82 = arith.constant 4096 : i32
    %eq3A_83 = vector.broadcast %eq3A_82 : i32 to vector<16xi32>
    %eq3A_84 = arith.cmpi eq, %get3A_81, %eq3A_83 : vector<16xi32>
    %select_n3A_85 = arith.select %eq3A_84, %add3A_5, %get3A_81 : vector<16xi1>, vector<16xi32>
    %swap3A_86 = arith.constant 48 : index
    %swap3A_87 = tpu.vector_load %arg15[%swap3A_86] {strides = array<i32>} : memref<64xi32, #tpu.memory_space<vmem>>, vector<16xi32>,
    %swap3A_88 = vector.shape_cast %swap3A_87 : vector<16xi32> to vector<16xi32>
    %swap3A_89 = vector.shape_cast %select_n3A_85 : vector<16xi32> to vector<16xi32>
    tpu.vector_store %arg15[%swap3A_86], %swap3A_89 {strides = array<i32>} : memref<64xi32, #tpu.memory_space<vmem>>, vector<16xi32>,
    %scan3A = arith.constant 0 : i32
    %scan3A_90 = arith.constant 0 : i32
    %scan3A_91 = arith.constant 64 : i32
    %scan3A_92 = arith.addi %scan3A_90, %scan3A_91 : i32
    %scan3A_93 = arith.constant 1 : i32
    %scan3A_94 = scf.for %scan3A_137 = %scan3A_90 to %scan3A_92 step %scan3A_93 iter_args(%scan3A_138 = %scan3A) -> (i32)  : i32 {
      %broadcast_in_dim3A_139 = arith.constant 0 : i32
      %broadcast_in_dim3A_140 = vector.broadcast %broadcast_in_dim3A_139 : i32 to vector<16xi32>
      %add3A_141 = arith.addi %mul3A_2, %scan3A_137 : i32
      %add3A_142 = vector.broadcast %add3A_141 : i32 to vector<16xi32>
      %add3A_143 = arith.addi %broadcast_in_dim3A_140, %add3A_142 : vector<16xi32>
      %swap3A_144 = arith.index_cast %scan3A_137 : i32 to index
      %swap3A_145 = arith.constant 0 : index
      %swap3A_146 = tpu.vector_load %arg13[%swap3A_144, %swap3A_145] {strides = array<i32>} : memref<64x128xi32, #tpu.memory_space<vmem>>, vector<1x16xi32>,
      %swap3A_147 = vector.shape_cast %swap3A_146 : vector<1x16xi32> to vector<16xi32>
      %swap3A_148 = vector.shape_cast %add3A_143 : vector<16xi32> to vector<1x16xi32>
      tpu.vector_store %arg13[%swap3A_144, %swap3A_145], %swap3A_148 {strides = array<i32>} : memref<64x128xi32, #tpu.memory_space<vmem>>, vector<1x16xi32>,
      %swap3A_149 = arith.index_cast %scan3A_137 : i32 to index
      %swap3A_150 = arith.constant 16 : index
      %swap3A_151 = tpu.vector_load %arg13[%swap3A_149, %swap3A_150] {strides = array<i32>} : memref<64x128xi32, #tpu.memory_space<vmem>>, vector<1x16xi32>,
      %swap3A_152 = vector.shape_cast %swap3A_151 : vector<1x16xi32> to vector<16xi32>
      %swap3A_153 = vector.shape_cast %add3A_143 : vector<16xi32> to vector<1x16xi32>
      tpu.vector_store %arg13[%swap3A_149, %swap3A_150], %swap3A_153 {strides = array<i32>} : memref<64x128xi32, #tpu.memory_space<vmem>>, vector<1x16xi32>,
      %swap3A_154 = arith.index_cast %scan3A_137 : i32 to index
      %swap3A_155 = arith.constant 32 : index
      %swap3A_156 = tpu.vector_load %arg13[%swap3A_154, %swap3A_155] {strides = array<i32>} : memref<64x128xi32, #tpu.memory_space<vmem>>, vector<1x16xi32>,
      %swap3A_157 = vector.shape_cast %swap3A_156 : vector<1x16xi32> to vector<16xi32>
      %swap3A_158 = vector.shape_cast %add3A_143 : vector<16xi32> to vector<1x16xi32>
      tpu.vector_store %arg13[%swap3A_154, %swap3A_155], %swap3A_158 {strides = array<i32>} : memref<64x128xi32, #tpu.memory_space<vmem>>, vector<1x16xi32>,
      %swap3A_159 = arith.index_cast %scan3A_137 : i32 to index
      %swap3A_160 = arith.constant 48 : index
      %swap3A_161 = tpu.vector_load %arg13[%swap3A_159, %swap3A_160] {strides = array<i32>} : memref<64x128xi32, #tpu.memory_space<vmem>>, vector<1x16xi32>,
      %swap3A_162 = vector.shape_cast %swap3A_161 : vector<1x16xi32> to vector<16xi32>
      %swap3A_163 = vector.shape_cast %add3A_143 : vector<16xi32> to vector<1x16xi32>
      tpu.vector_store %arg13[%swap3A_159, %swap3A_160], %swap3A_163 {strides = array<i32>} : memref<64x128xi32, #tpu.memory_space<vmem>>, vector<1x16xi32>,
      %swap3A_164 = arith.index_cast %scan3A_137 : i32 to index
      %swap3A_165 = arith.constant 64 : index
      %swap3A_166 = tpu.vector_load %arg13[%swap3A_164, %swap3A_165] {strides = array<i32>} : memref<64x128xi32, #tpu.memory_space<vmem>>, vector<1x16xi32>,
      %swap3A_167 = vector.shape_cast %swap3A_166 : vector<1x16xi32> to vector<16xi32>
      %swap3A_168 = vector.shape_cast %add3A_143 : vector<16xi32> to vector<1x16xi32>
      tpu.vector_store %arg13[%swap3A_164, %swap3A_165], %swap3A_168 {strides = array<i32>} : memref<64x128xi32, #tpu.memory_space<vmem>>, vector<1x16xi32>,
      %swap3A_169 = arith.index_cast %scan3A_137 : i32 to index
      %swap3A_170 = arith.constant 80 : index
      %swap3A_171 = tpu.vector_load %arg13[%swap3A_169, %swap3A_170] {strides = array<i32>} : memref<64x128xi32, #tpu.memory_space<vmem>>, vector<1x16xi32>,
      %swap3A_172 = vector.shape_cast %swap3A_171 : vector<1x16xi32> to vector<16xi32>
      %swap3A_173 = vector.shape_cast %add3A_143 : vector<16xi32> to vector<1x16xi32>
      tpu.vector_store %arg13[%swap3A_169, %swap3A_170], %swap3A_173 {strides = array<i32>} : memref<64x128xi32, #tpu.memory_space<vmem>>, vector<1x16xi32>,
      %swap3A_174 = arith.index_cast %scan3A_137 : i32 to index
      %swap3A_175 = arith.constant 96 : index
      %swap3A_176 = tpu.vector_load %arg13[%swap3A_174, %swap3A_175] {strides = array<i32>} : memref<64x128xi32, #tpu.memory_space<vmem>>, vector<1x16xi32>,
      %swap3A_177 = vector.shape_cast %swap3A_176 : vector<1x16xi32> to vector<16xi32>
      %swap3A_178 = vector.shape_cast %add3A_143 : vector<16xi32> to vector<1x16xi32>
      tpu.vector_store %arg13[%swap3A_174, %swap3A_175], %swap3A_178 {strides = array<i32>} : memref<64x128xi32, #tpu.memory_space<vmem>>, vector<1x16xi32>,
      %swap3A_179 = arith.index_cast %scan3A_137 : i32 to index
      %swap3A_180 = arith.constant 112 : index
      %swap3A_181 = tpu.vector_load %arg13[%swap3A_179, %swap3A_180] {strides = array<i32>} : memref<64x128xi32, #tpu.memory_space<vmem>>, vector<1x16xi32>,
      %swap3A_182 = vector.shape_cast %swap3A_181 : vector<1x16xi32> to vector<16xi32>
      %swap3A_183 = vector.shape_cast %add3A_143 : vector<16xi32> to vector<1x16xi32>
      tpu.vector_store %arg13[%swap3A_179, %swap3A_180], %swap3A_183 {strides = array<i32>} : memref<64x128xi32, #tpu.memory_space<vmem>>, vector<1x16xi32>,
      %scan3A_184 = arith.constant 0 : i32
      scf.yield %scan3A_184 : i32
    }
    %scan3A_95 = arith.constant 64 : i32
    %dma_start3A = arith.constant 0 : i32
    %dma_start3A_96 = arith.constant 0 : i32
    %dma_start3A_97 = tpu.memref_slice %arg7[%dma_start3A, %dma_start3A_96] : memref<4128x384xf32, #tpu.memory_space<hbm>> -> memref<4128x384xf32, #tpu.memory_space<hbm>>
    tpu.enqueue_indirect_dma source(%arg10 : memref<64x384xf32, #tpu.memory_space<vmem>>) target(%dma_start3A_97 : memref<4128x384xf32, #tpu.memory_space<hbm>>) offsets(%arg14 : memref<64xi32, #tpu.memory_space<vmem>>) semaphore(%arg16 : memref<!tpu.dma_semaphore, #tpu.memory_space<semaphore_mem>>)
    %dma_start3A_98 = arith.constant 0 : i32
    %dma_start3A_99 = arith.constant 0 : i32
    %dma_start3A_100 = tpu.memref_slice %arg8[%dma_start3A_98, %dma_start3A_99] : memref<4128x128xf32, #tpu.memory_space<hbm>> -> memref<4128x128xf32, #tpu.memory_space<hbm>>
    tpu.enqueue_indirect_dma source(%arg11 : memref<64x128xf32, #tpu.memory_space<vmem>>) target(%dma_start3A_100 : memref<4128x128xf32, #tpu.memory_space<hbm>>) offsets(%arg14 : memref<64xi32, #tpu.memory_space<vmem>>) semaphore(%arg16 : memref<!tpu.dma_semaphore, #tpu.memory_space<semaphore_mem>>)
    %dma_start3A_101 = arith.constant 0 : i32
    %dma_start3A_102 = arith.constant 0 : i32
    %dma_start3A_103 = tpu.memref_slice %arg9[%dma_start3A_101, %dma_start3A_102] : memref<4128x128xi32, #tpu.memory_space<hbm>> -> memref<4128x128xi32, #tpu.memory_space<hbm>>
    tpu.enqueue_indirect_dma source(%arg13 : memref<64x128xi32, #tpu.memory_space<vmem>>) target(%dma_start3A_103 : memref<4128x128xi32, #tpu.memory_space<hbm>>) offsets(%arg14 : memref<64xi32, #tpu.memory_space<vmem>>) semaphore(%arg16 : memref<!tpu.dma_semaphore, #tpu.memory_space<semaphore_mem>>)
    %dma_wait3A = arith.constant 0 : i32
    %dma_wait3A_104 = arith.constant 0 : i32
    %dma_wait3A_105 = tpu.memref_slice %arg7[%dma_wait3A, %dma_wait3A_104] : memref<4128x384xf32, #tpu.memory_space<hbm>> -> memref<4128x384xf32, #tpu.memory_space<hbm>>
    tpu.wait_indirect_dma semaphore(%arg16 : memref<!tpu.dma_semaphore, #tpu.memory_space<semaphore_mem>>) src(%arg10 : memref<64x384xf32, #tpu.memory_space<vmem>>) dst(%dma_wait3A_105 : memref<4128x384xf32, #tpu.memory_space<hbm>>)
    %dma_wait3A_106 = arith.constant 0 : i32
    %dma_wait3A_107 = arith.constant 0 : i32
    %dma_wait3A_108 = tpu.memref_slice %arg8[%dma_wait3A_106, %dma_wait3A_107] : memref<4128x128xf32, #tpu.memory_space<hbm>> -> memref<4128x128xf32, #tpu.memory_space<hbm>>
    tpu.wait_indirect_dma semaphore(%arg16 : memref<!tpu.dma_semaphore, #tpu.memory_space<semaphore_mem>>) src(%arg11 : memref<64x128xf32, #tpu.memory_space<vmem>>) dst(%dma_wait3A_108 : memref<4128x128xf32, #tpu.memory_space<hbm>>)
    %dma_wait3A_109 = arith.constant 0 : i32
    %dma_wait3A_110 = arith.constant 0 : i32
    %dma_wait3A_111 = tpu.memref_slice %arg9[%dma_wait3A_109, %dma_wait3A_110] : memref<4128x128xi32, #tpu.memory_space<hbm>> -> memref<4128x128xi32, #tpu.memory_space<hbm>>
    tpu.wait_indirect_dma semaphore(%arg16 : memref<!tpu.dma_semaphore, #tpu.memory_space<semaphore_mem>>) src(%arg13 : memref<64x128xi32, #tpu.memory_space<vmem>>) dst(%dma_wait3A_111 : memref<4128x128xi32, #tpu.memory_space<hbm>>)
    %scan3A_112 = arith.constant 0 : i32
    %scan3A_113 = arith.constant 0 : i32
    %scan3A_114 = arith.constant 64 : i32
    %scan3A_115 = arith.addi %scan3A_113, %scan3A_114 : i32
    %scan3A_116 = arith.constant 1 : i32
    %scan3A_117 = scf.for %scan3A_137 = %scan3A_113 to %scan3A_115 step %scan3A_116 iter_args(%scan3A_138 = %scan3A_112) -> (i32)  : i32 {
      %broadcast_in_dim3A_139 = arith.constant 0 : i32
      %broadcast_in_dim3A_140 = vector.broadcast %broadcast_in_dim3A_139 : i32 to vector<16xi32>
      %add3A_141 = arith.constant 2048 : i32
      %add3A_142 = arith.addi %mul3A_2, %add3A_141 : i32
      %add3A_143 = arith.addi %add3A_142, %scan3A_137 : i32
      %add3A_144 = vector.broadcast %add3A_143 : i32 to vector<16xi32>
      %add3A_145 = arith.addi %broadcast_in_dim3A_140, %add3A_144 : vector<16xi32>
      %swap3A_146 = arith.index_cast %scan3A_137 : i32 to index
      %swap3A_147 = arith.constant 0 : index
      %swap3A_148 = tpu.vector_load %arg13[%swap3A_146, %swap3A_147] {strides = array<i32>} : memref<64x128xi32, #tpu.memory_space<vmem>>, vector<1x16xi32>,
      %swap3A_149 = vector.shape_cast %swap3A_148 : vector<1x16xi32> to vector<16xi32>
      %swap3A_150 = vector.shape_cast %add3A_145 : vector<16xi32> to vector<1x16xi32>
      tpu.vector_store %arg13[%swap3A_146, %swap3A_147], %swap3A_150 {strides = array<i32>} : memref<64x128xi32, #tpu.memory_space<vmem>>, vector<1x16xi32>,
      %swap3A_151 = arith.index_cast %scan3A_137 : i32 to index
      %swap3A_152 = arith.constant 16 : index
      %swap3A_153 = tpu.vector_load %arg13[%swap3A_151, %swap3A_152] {strides = array<i32>} : memref<64x128xi32, #tpu.memory_space<vmem>>, vector<1x16xi32>,
      %swap3A_154 = vector.shape_cast %swap3A_153 : vector<1x16xi32> to vector<16xi32>
      %swap3A_155 = vector.shape_cast %add3A_145 : vector<16xi32> to vector<1x16xi32>
      tpu.vector_store %arg13[%swap3A_151, %swap3A_152], %swap3A_155 {strides = array<i32>} : memref<64x128xi32, #tpu.memory_space<vmem>>, vector<1x16xi32>,
      %swap3A_156 = arith.index_cast %scan3A_137 : i32 to index
      %swap3A_157 = arith.constant 32 : index
      %swap3A_158 = tpu.vector_load %arg13[%swap3A_156, %swap3A_157] {strides = array<i32>} : memref<64x128xi32, #tpu.memory_space<vmem>>, vector<1x16xi32>,
      %swap3A_159 = vector.shape_cast %swap3A_158 : vector<1x16xi32> to vector<16xi32>
      %swap3A_160 = vector.shape_cast %add3A_145 : vector<16xi32> to vector<1x16xi32>
      tpu.vector_store %arg13[%swap3A_156, %swap3A_157], %swap3A_160 {strides = array<i32>} : memref<64x128xi32, #tpu.memory_space<vmem>>, vector<1x16xi32>,
      %swap3A_161 = arith.index_cast %scan3A_137 : i32 to index
      %swap3A_162 = arith.constant 48 : index
      %swap3A_163 = tpu.vector_load %arg13[%swap3A_161, %swap3A_162] {strides = array<i32>} : memref<64x128xi32, #tpu.memory_space<vmem>>, vector<1x16xi32>,
      %swap3A_164 = vector.shape_cast %swap3A_163 : vector<1x16xi32> to vector<16xi32>
      %swap3A_165 = vector.shape_cast %add3A_145 : vector<16xi32> to vector<1x16xi32>
      tpu.vector_store %arg13[%swap3A_161, %swap3A_162], %swap3A_165 {strides = array<i32>} : memref<64x128xi32, #tpu.memory_space<vmem>>, vector<1x16xi32>,
      %swap3A_166 = arith.index_cast %scan3A_137 : i32 to index
      %swap3A_167 = arith.constant 64 : index
      %swap3A_168 = tpu.vector_load %arg13[%swap3A_166, %swap3A_167] {strides = array<i32>} : memref<64x128xi32, #tpu.memory_space<vmem>>, vector<1x16xi32>,
      %swap3A_169 = vector.shape_cast %swap3A_168 : vector<1x16xi32> to vector<16xi32>
      %swap3A_170 = vector.shape_cast %add3A_145 : vector<16xi32> to vector<1x16xi32>
      tpu.vector_store %arg13[%swap3A_166, %swap3A_167], %swap3A_170 {strides = array<i32>} : memref<64x128xi32, #tpu.memory_space<vmem>>, vector<1x16xi32>,
      %swap3A_171 = arith.index_cast %scan3A_137 : i32 to index
      %swap3A_172 = arith.constant 80 : index
      %swap3A_173 = tpu.vector_load %arg13[%swap3A_171, %swap3A_172] {strides = array<i32>} : memref<64x128xi32, #tpu.memory_space<vmem>>, vector<1x16xi32>,
      %swap3A_174 = vector.shape_cast %swap3A_173 : vector<1x16xi32> to vector<16xi32>
      %swap3A_175 = vector.shape_cast %add3A_145 : vector<16xi32> to vector<1x16xi32>
      tpu.vector_store %arg13[%swap3A_171, %swap3A_172], %swap3A_175 {strides = array<i32>} : memref<64x128xi32, #tpu.memory_space<vmem>>, vector<1x16xi32>,
      %swap3A_176 = arith.index_cast %scan3A_137 : i32 to index
      %swap3A_177 = arith.constant 96 : index
      %swap3A_178 = tpu.vector_load %arg13[%swap3A_176, %swap3A_177] {strides = array<i32>} : memref<64x128xi32, #tpu.memory_space<vmem>>, vector<1x16xi32>,
      %swap3A_179 = vector.shape_cast %swap3A_178 : vector<1x16xi32> to vector<16xi32>
      %swap3A_180 = vector.shape_cast %add3A_145 : vector<16xi32> to vector<1x16xi32>
      tpu.vector_store %arg13[%swap3A_176, %swap3A_177], %swap3A_180 {strides = array<i32>} : memref<64x128xi32, #tpu.memory_space<vmem>>, vector<1x16xi32>,
      %swap3A_181 = arith.index_cast %scan3A_137 : i32 to index
      %swap3A_182 = arith.constant 112 : index
      %swap3A_183 = tpu.vector_load %arg13[%swap3A_181, %swap3A_182] {strides = array<i32>} : memref<64x128xi32, #tpu.memory_space<vmem>>, vector<1x16xi32>,
      %swap3A_184 = vector.shape_cast %swap3A_183 : vector<1x16xi32> to vector<16xi32>
      %swap3A_185 = vector.shape_cast %add3A_145 : vector<16xi32> to vector<1x16xi32>
      tpu.vector_store %arg13[%swap3A_181, %swap3A_182], %swap3A_185 {strides = array<i32>} : memref<64x128xi32, #tpu.memory_space<vmem>>, vector<1x16xi32>,
      %scan3A_186 = arith.constant 0 : i32
      scf.yield %scan3A_186 : i32
    }
    %scan3A_118 = arith.constant 64 : i32
    %dma_start3A_119 = arith.constant 0 : i32
    %dma_start3A_120 = arith.constant 0 : i32
    %dma_start3A_121 = tpu.memref_slice %arg7[%dma_start3A_119, %dma_start3A_120] : memref<4128x384xf32, #tpu.memory_space<hbm>> -> memref<4128x384xf32, #tpu.memory_space<hbm>>
    tpu.enqueue_indirect_dma source(%arg10 : memref<64x384xf32, #tpu.memory_space<vmem>>) target(%dma_start3A_121 : memref<4128x384xf32, #tpu.memory_space<hbm>>) offsets(%arg15 : memref<64xi32, #tpu.memory_space<vmem>>) semaphore(%arg16 : memref<!tpu.dma_semaphore, #tpu.memory_space<semaphore_mem>>)
    %dma_start3A_122 = arith.constant 0 : i32
    %dma_start3A_123 = arith.constant 0 : i32
    %dma_start3A_124 = tpu.memref_slice %arg8[%dma_start3A_122, %dma_start3A_123] : memref<4128x128xf32, #tpu.memory_space<hbm>> -> memref<4128x128xf32, #tpu.memory_space<hbm>>
    tpu.enqueue_indirect_dma source(%arg12 : memref<64x128xf32, #tpu.memory_space<vmem>>) target(%dma_start3A_124 : memref<4128x128xf32, #tpu.memory_space<hbm>>) offsets(%arg15 : memref<64xi32, #tpu.memory_space<vmem>>) semaphore(%arg16 : memref<!tpu.dma_semaphore, #tpu.memory_space<semaphore_mem>>)
    %dma_start3A_125 = arith.constant 0 : i32
    %dma_start3A_126 = arith.constant 0 : i32
    %dma_start3A_127 = tpu.memref_slice %arg9[%dma_start3A_125, %dma_start3A_126] : memref<4128x128xi32, #tpu.memory_space<hbm>> -> memref<4128x128xi32, #tpu.memory_space<hbm>>
    tpu.enqueue_indirect_dma source(%arg13 : memref<64x128xi32, #tpu.memory_space<vmem>>) target(%dma_start3A_127 : memref<4128x128xi32, #tpu.memory_space<hbm>>) offsets(%arg15 : memref<64xi32, #tpu.memory_space<vmem>>) semaphore(%arg16 : memref<!tpu.dma_semaphore, #tpu.memory_space<semaphore_mem>>)
    %dma_wait3A_128 = arith.constant 0 : i32
    %dma_wait3A_129 = arith.constant 0 : i32
    %dma_wait3A_130 = tpu.memref_slice %arg7[%dma_wait3A_128, %dma_wait3A_129] : memref<4128x384xf32, #tpu.memory_space<hbm>> -> memref<4128x384xf32, #tpu.memory_space<hbm>>
    tpu.wait_indirect_dma semaphore(%arg16 : memref<!tpu.dma_semaphore, #tpu.memory_space<semaphore_mem>>) src(%arg10 : memref<64x384xf32, #tpu.memory_space<vmem>>) dst(%dma_wait3A_130 : memref<4128x384xf32, #tpu.memory_space<hbm>>)
    %dma_wait3A_131 = arith.constant 0 : i32
    %dma_wait3A_132 = arith.constant 0 : i32
    %dma_wait3A_133 = tpu.memref_slice %arg8[%dma_wait3A_131, %dma_wait3A_132] : memref<4128x128xf32, #tpu.memory_space<hbm>> -> memref<4128x128xf32, #tpu.memory_space<hbm>>
    tpu.wait_indirect_dma semaphore(%arg16 : memref<!tpu.dma_semaphore, #tpu.memory_space<semaphore_mem>>) src(%arg12 : memref<64x128xf32, #tpu.memory_space<vmem>>) dst(%dma_wait3A_133 : memref<4128x128xf32, #tpu.memory_space<hbm>>)
    %dma_wait3A_134 = arith.constant 0 : i32
    %dma_wait3A_135 = arith.constant 0 : i32
    %dma_wait3A_136 = tpu.memref_slice %arg9[%dma_wait3A_134, %dma_wait3A_135] : memref<4128x128xi32, #tpu.memory_space<hbm>> -> memref<4128x128xi32, #tpu.memory_space<hbm>>
    tpu.wait_indirect_dma semaphore(%arg16 : memref<!tpu.dma_semaphore, #tpu.memory_space<semaphore_mem>>) src(%arg13 : memref<64x128xi32, #tpu.memory_space<vmem>>) dst(%dma_wait3A_136 : memref<4128x128xi32, #tpu.memory_space<hbm>>)
    return
  }
}

module attributes {stable_mosaic.version = 14 : i64} {
  func.func @_residual_sum_body(%arg0: i32, %arg1: memref<1x256x768xf32, #tpu.memory_space<vmem>>, %arg2: memref<256x384xf32, #tpu.memory_space<vmem>>, %arg3: memref<256x384xf32, #tpu.memory_space<vmem>>, %arg4: memref<256x128xf32, #tpu.memory_space<vmem>>, %arg5: memref<256x128xf32, #tpu.memory_space<vmem>>, %arg6: memref<1x256x768xf32, #tpu.memory_space<vmem>>) attributes {dimension_semantics = [#tpu.dimension_semantics<arbitrary>], iteration_bounds = array<i64: 8>, scalar_prefetch = 0 : i64, scratch_operands = 0 : i64, tpu.core_type = #tpu.core_type<tc>, window_params = [{transform_indices = @transform_0, window_bounds = array<i64: 1, 256, 768>}, {transform_indices = @transform_1, window_bounds = array<i64: 256, 384>}, {transform_indices = @transform_2, window_bounds = array<i64: 256, 384>}, {transform_indices = @transform_3, window_bounds = array<i64: 256, 128>}, {transform_indices = @transform_4, window_bounds = array<i64: 256, 128>}, {transform_indices = @transform_5, window_bounds = array<i64: 1, 256, 768>}]} {
    %get3A = arith.constant 0 : index
    %get3A_0 = arith.constant 0 : index
    %get3A_1 = vector.load %arg4[%get3A, %get3A_0] : memref<256x128xf32, #tpu.memory_space<vmem>>, vector<256x1xf32>
    %gt3A = arith.constant 0.000000e+00 : f32
    %gt3A_2 = vector.broadcast %gt3A : f32 to vector<256x1xf32>
    %gt3A_3 = arith.cmpf ogt, %get3A_1, %gt3A_2 : vector<256x1xf32>
    %get3A_4 = arith.constant 0 : index
    %get3A_5 = arith.constant 0 : index
    %get3A_6 = vector.load %arg5[%get3A_4, %get3A_5] : memref<256x128xf32, #tpu.memory_space<vmem>>, vector<256x1xf32>
    %gt3A_7 = arith.constant 0.000000e+00 : f32
    %gt3A_8 = vector.broadcast %gt3A_7 : f32 to vector<256x1xf32>
    %gt3A_9 = arith.cmpf ogt, %get3A_6, %gt3A_8 : vector<256x1xf32>
    %get3A_10 = arith.constant 0 : index
    %get3A_11 = arith.constant 0 : index
    %get3A_12 = vector.load %arg2[%get3A_10, %get3A_11] : memref<256x384xf32, #tpu.memory_space<vmem>>, vector<256x384xf32>
    %bitcast_convert_type3A = tpu.bitcast %get3A_12 : vector<256x384xf32> -> vector<256x384xi32>
    %and3A = arith.constant 65535 : i32
    %and3A_13 = vector.broadcast %and3A : i32 to vector<256x384xi32>
    %and3A_14 = arith.andi %bitcast_convert_type3A, %and3A_13 : vector<256x384xi32>
    %convert_element_type3A = arith.trunci %and3A_14 : vector<256x384xi32> to vector<256x384xi16>
    %bitcast_convert_type3A_15 = tpu.bitcast %convert_element_type3A : vector<256x384xi16> -> vector<256x384xbf16>
    %convert_element_type3A_16 = arith.extf %bitcast_convert_type3A_15 : vector<256x384xbf16> to vector<256x384xf32>
    %shift_right_logical3A = arith.constant 16 : i32
    %shift_right_logical3A_17 = vector.broadcast %shift_right_logical3A : i32 to vector<256x384xi32>
    %shift_right_logical3A_18 = arith.shrui %bitcast_convert_type3A, %shift_right_logical3A_17 : vector<256x384xi32>
    %convert_element_type3A_19 = arith.trunci %shift_right_logical3A_18 : vector<256x384xi32> to vector<256x384xi16>
    %bitcast_convert_type3A_20 = tpu.bitcast %convert_element_type3A_19 : vector<256x384xi16> -> vector<256x384xbf16>
    %convert_element_type3A_21 = arith.extf %bitcast_convert_type3A_20 : vector<256x384xbf16> to vector<256x384xf32>
    %concatenate3A = tpu.concatenate %convert_element_type3A_16, %convert_element_type3A_21 in 1 : vector<256x384xf32>, vector<256x384xf32> -> vector<256x768xf32>
    %jit3A = arith.constant 0.000000e+00 : f32
    %broadcast_in_dim3A = vector.shape_cast %gt3A_3 : vector<256x1xi1> to vector<256x1xi1>
    %broadcast_in_dim3A_22 = vector.broadcast %broadcast_in_dim3A : vector<256x1xi1> to vector<256x768xi1>
    %broadcast_in_dim3A_23 = vector.broadcast %jit3A : f32 to vector<256x768xf32>
    %select_n3A = arith.select %broadcast_in_dim3A_22, %concatenate3A, %broadcast_in_dim3A_23 : vector<256x768xi1>, vector<256x768xf32>
    %get3A_24 = arith.constant 0 : index
    %get3A_25 = arith.constant 0 : index
    %get3A_26 = vector.load %arg3[%get3A_24, %get3A_25] : memref<256x384xf32, #tpu.memory_space<vmem>>, vector<256x384xf32>
    %bitcast_convert_type3A_27 = tpu.bitcast %get3A_26 : vector<256x384xf32> -> vector<256x384xi32>
    %and3A_28 = arith.constant 65535 : i32
    %and3A_29 = vector.broadcast %and3A_28 : i32 to vector<256x384xi32>
    %and3A_30 = arith.andi %bitcast_convert_type3A_27, %and3A_29 : vector<256x384xi32>
    %convert_element_type3A_31 = arith.trunci %and3A_30 : vector<256x384xi32> to vector<256x384xi16>
    %bitcast_convert_type3A_32 = tpu.bitcast %convert_element_type3A_31 : vector<256x384xi16> -> vector<256x384xbf16>
    %convert_element_type3A_33 = arith.extf %bitcast_convert_type3A_32 : vector<256x384xbf16> to vector<256x384xf32>
    %shift_right_logical3A_34 = arith.constant 16 : i32
    %shift_right_logical3A_35 = vector.broadcast %shift_right_logical3A_34 : i32 to vector<256x384xi32>
    %shift_right_logical3A_36 = arith.shrui %bitcast_convert_type3A_27, %shift_right_logical3A_35 : vector<256x384xi32>
    %convert_element_type3A_37 = arith.trunci %shift_right_logical3A_36 : vector<256x384xi32> to vector<256x384xi16>
    %bitcast_convert_type3A_38 = tpu.bitcast %convert_element_type3A_37 : vector<256x384xi16> -> vector<256x384xbf16>
    %convert_element_type3A_39 = arith.extf %bitcast_convert_type3A_38 : vector<256x384xbf16> to vector<256x384xf32>
    %concatenate3A_40 = tpu.concatenate %convert_element_type3A_33, %convert_element_type3A_39 in 1 : vector<256x384xf32>, vector<256x384xf32> -> vector<256x768xf32>
    %jit3A_41 = arith.constant 0.000000e+00 : f32
    %broadcast_in_dim3A_42 = vector.shape_cast %gt3A_9 : vector<256x1xi1> to vector<256x1xi1>
    %broadcast_in_dim3A_43 = vector.broadcast %broadcast_in_dim3A_42 : vector<256x1xi1> to vector<256x768xi1>
    %broadcast_in_dim3A_44 = vector.broadcast %jit3A_41 : f32 to vector<256x768xf32>
    %select_n3A_45 = arith.select %broadcast_in_dim3A_43, %concatenate3A_40, %broadcast_in_dim3A_44 : vector<256x768xi1>, vector<256x768xf32>
    %get3A_46 = arith.constant 0 : index
    %get3A_47 = arith.constant 0 : index
    %get3A_48 = arith.constant 0 : index
    %get3A_49 = vector.load %arg1[%get3A_46, %get3A_47, %get3A_48] : memref<1x256x768xf32, #tpu.memory_space<vmem>>, vector<1x256x768xf32>
    %get3A_50 = vector.shape_cast %get3A_49 : vector<1x256x768xf32> to vector<256x768xf32>
    %add3A = arith.addf %get3A_50, %select_n3A : vector<256x768xf32>
    %add3A_51 = arith.addf %add3A, %select_n3A_45 : vector<256x768xf32>
    %swap3A = arith.constant 0 : index
    %swap3A_52 = arith.constant 0 : index
    %swap3A_53 = arith.constant 0 : index
    %swap3A_54 = vector.load %arg6[%swap3A, %swap3A_52, %swap3A_53] : memref<1x256x768xf32, #tpu.memory_space<vmem>>, vector<1x256x768xf32>
    %swap3A_55 = vector.shape_cast %swap3A_54 : vector<1x256x768xf32> to vector<256x768xf32>
    %swap3A_56 = vector.shape_cast %add3A_51 : vector<256x768xf32> to vector<1x256x768xf32>
    tpu.vector_store %arg6[%swap3A, %swap3A_52, %swap3A_53], %swap3A_56 {strides = array<i32>} : memref<1x256x768xf32, #tpu.memory_space<vmem>>, vector<1x256x768xf32>,
    return
  }
  func.func @transform_0(%arg0: i32) -> (i32, i32, i32) {
    %c0_i32 = arith.constant 0 : i32
    %c0_i32_0 = arith.constant 0 : i32
    %c0_i32_1 = arith.constant 0 : i32
    return %c0_i32, %arg0, %c0_i32_0 : i32, i32, i32
  }
  func.func @transform_1(%arg0: i32) -> (i32, i32) {
    %c0_i32 = arith.constant 0 : i32
    %c0_i32_0 = arith.constant 0 : i32
    return %arg0, %c0_i32 : i32, i32
  }
  func.func @transform_2(%arg0: i32) -> (i32, i32) {
    %add3A = arith.constant 8 : i32
    %add3A_0 = arith.addi %arg0, %add3A : i32
    %c0_i32 = arith.constant 0 : i32
    %c0_i32_1 = arith.constant 0 : i32
    return %add3A_0, %c0_i32 : i32, i32
  }
  func.func @transform_3(%arg0: i32) -> (i32, i32) {
    %c0_i32 = arith.constant 0 : i32
    %c0_i32_0 = arith.constant 0 : i32
    return %arg0, %c0_i32 : i32, i32
  }
  func.func @transform_4(%arg0: i32) -> (i32, i32) {
    %c0_i32 = arith.constant 0 : i32
    %c0_i32_0 = arith.constant 0 : i32
    return %arg0, %c0_i32 : i32, i32
  }
  func.func @transform_5(%arg0: i32) -> (i32, i32, i32) {
    %c0_i32 = arith.constant 0 : i32
    %c0_i32_0 = arith.constant 0 : i32
    %c0_i32_1 = arith.constant 0 : i32
    return %c0_i32, %arg0, %c0_i32_0 : i32, i32, i32
  }
}

module attributes {stable_mosaic.version = 14 : i64} {
  func.func @_router_body(%arg0: i32, %arg1: memref<1x256x768xf32, #tpu.memory_space<vmem>>, %arg2: memref<1x768xf32, #tpu.memory_space<vmem>>, %arg3: memref<1x768xf32, #tpu.memory_space<vmem>>, %arg4: memref<768x8xf32, #tpu.memory_space<vmem>>, %arg5: memref<1x8xf32, #tpu.memory_space<vmem>>, %arg6: memref<256x384xf32, #tpu.memory_space<vmem>>, %arg7: memref<256xi32, #tpu.memory_space<vmem>>, %arg8: memref<256xi32, #tpu.memory_space<vmem>>, %arg9: memref<256x128xf32, #tpu.memory_space<vmem>>, %arg10: memref<256x128xf32, #tpu.memory_space<vmem>>, %arg11: memref<1x8xi32, #tpu.memory_space<vmem>>, %arg12: memref<1x8xf32, #tpu.memory_space<vmem>>) attributes {dimension_semantics = [#tpu.dimension_semantics<arbitrary>], iteration_bounds = array<i64: 8>, scalar_prefetch = 0 : i64, scratch_operands = 1 : i64, tpu.core_type = #tpu.core_type<tc>, window_params = [{transform_indices = @transform_0, window_bounds = array<i64: 1, 256, 768>}, {pipeline_mode = #tpu.pipeline_mode<synchronous>, transform_indices = @transform_1, window_bounds = array<i64: 1, 768>}, {pipeline_mode = #tpu.pipeline_mode<synchronous>, transform_indices = @transform_2, window_bounds = array<i64: 1, 768>}, {pipeline_mode = #tpu.pipeline_mode<synchronous>, transform_indices = @transform_3, window_bounds = array<i64: 768, 8>}, {pipeline_mode = #tpu.pipeline_mode<synchronous>, transform_indices = @transform_4, window_bounds = array<i64: 1, 8>}, {transform_indices = @transform_5, window_bounds = array<i64: 256, 384>}, {transform_indices = @transform_6, window_bounds = array<i64: 256>}, {transform_indices = @transform_7, window_bounds = array<i64: 256>}, {transform_indices = @transform_8, window_bounds = array<i64: 256, 128>}, {transform_indices = @transform_9, window_bounds = array<i64: 256, 128>}, {pipeline_mode = #tpu.pipeline_mode<synchronous>, transform_indices = @transform_10, window_bounds = array<i64: 1, 8>}]} {
    %eq3A = arith.constant 0 : i32
    %eq3A_0 = arith.cmpi eq, %arg0, %eq3A : i32
    %convert_element_type3A = arith.extui %eq3A_0 : i1 to i32
    %cond3A = arith.constant 0 : i32
    %cond3A_1 = arith.cmpi ne, %convert_element_type3A, %cond3A : i32
    scf.if %cond3A_1 {
      %broadcast_in_dim3A_174 = arith.constant 0.000000e+00 : f32
      %broadcast_in_dim3A_175 = vector.broadcast %broadcast_in_dim3A_174 : f32 to vector<1x8xf32>
      %swap3A_176 = arith.constant 0 : index
      %swap3A_177 = arith.constant 0 : index
      %swap3A_178 = vector.load %arg12[%swap3A_176, %swap3A_177] : memref<1x8xf32, #tpu.memory_space<vmem>>, vector<1x8xf32>
      tpu.vector_store %arg12[%swap3A_176, %swap3A_177], %broadcast_in_dim3A_175 {strides = array<i32>} : memref<1x8xf32, #tpu.memory_space<vmem>>, vector<1x8xf32>,
    } else {
    }
    %get3A = arith.constant 0 : index
    %get3A_2 = arith.constant 0 : index
    %get3A_3 = arith.constant 0 : index
    %get3A_4 = vector.load %arg1[%get3A, %get3A_2, %get3A_3] : memref<1x256x768xf32, #tpu.memory_space<vmem>>, vector<1x256x768xf32>
    %get3A_5 = vector.shape_cast %get3A_4 : vector<1x256x768xf32> to vector<256x768xf32>
    %reduce_sum3A = arith.constant dense<0.000000e+00> : vector<256xf32>
    %reduce_sum3A_6 = vector.multi_reduction <add>, %get3A_5, %reduce_sum3A [1] : vector<256x768xf32> to vector<256xf32>
    %broadcast_in_dim3A = vector.shape_cast %reduce_sum3A_6 : vector<256xf32> to vector<256x1xf32>
    %div3A = arith.constant 7.680000e+02 : f32
    %div3A_7 = vector.broadcast %div3A : f32 to vector<256x1xf32>
    %div3A_8 = arith.divf %broadcast_in_dim3A, %div3A_7 : vector<256x1xf32>
    %sub3A = vector.broadcast %div3A_8 : vector<256x1xf32> to vector<256x768xf32>
    %sub3A_9 = arith.subf %get3A_5, %sub3A : vector<256x768xf32>
    %sub3A_10 = vector.broadcast %div3A_8 : vector<256x1xf32> to vector<256x768xf32>
    %sub3A_11 = arith.subf %get3A_5, %sub3A_10 : vector<256x768xf32>
    %mul3A = arith.mulf %sub3A_9, %sub3A_11 : vector<256x768xf32>
    %reduce_sum3A_12 = arith.constant dense<0.000000e+00> : vector<256xf32>
    %reduce_sum3A_13 = vector.multi_reduction <add>, %mul3A, %reduce_sum3A_12 [1] : vector<256x768xf32> to vector<256xf32>
    %broadcast_in_dim3A_14 = vector.shape_cast %reduce_sum3A_13 : vector<256xf32> to vector<256x1xf32>
    %div3A_15 = arith.constant 7.680000e+02 : f32
    %div3A_16 = vector.broadcast %div3A_15 : f32 to vector<256x1xf32>
    %div3A_17 = arith.divf %broadcast_in_dim3A_14, %div3A_16 : vector<256x1xf32>
    %sub3A_18 = vector.broadcast %div3A_8 : vector<256x1xf32> to vector<256x768xf32>
    %sub3A_19 = arith.subf %get3A_5, %sub3A_18 : vector<256x768xf32>
    %add3A = arith.constant 9.99999997E-7 : f32
    %add3A_20 = vector.broadcast %add3A : f32 to vector<256x1xf32>
    %add3A_21 = arith.addf %div3A_17, %add3A_20 : vector<256x1xf32>
    %rsqrt3A = math.rsqrt %add3A_21 : vector<256x1xf32>
    %mul3A_22 = vector.broadcast %rsqrt3A : vector<256x1xf32> to vector<256x768xf32>
    %mul3A_23 = arith.mulf %sub3A_19, %mul3A_22 : vector<256x768xf32>
    %get3A_24 = arith.constant 0 : index
    %get3A_25 = arith.constant 0 : index
    %get3A_26 = vector.load %arg2[%get3A_24, %get3A_25] : memref<1x768xf32, #tpu.memory_space<vmem>>, vector<1x768xf32>
    %mul3A_27 = vector.broadcast %get3A_26 : vector<1x768xf32> to vector<256x768xf32>
    %mul3A_28 = arith.mulf %mul3A_23, %mul3A_27 : vector<256x768xf32>
    %get3A_29 = arith.constant 0 : index
    %get3A_30 = arith.constant 0 : index
    %get3A_31 = vector.load %arg3[%get3A_29, %get3A_30] : memref<1x768xf32, #tpu.memory_space<vmem>>, vector<1x768xf32>
    %add3A_32 = vector.broadcast %get3A_31 : vector<1x768xf32> to vector<256x768xf32>
    %add3A_33 = arith.addf %mul3A_28, %add3A_32 : vector<256x768xf32>
    %max3A = arith.constant 0.000000e+00 : f32
    %max3A_34 = vector.broadcast %max3A : f32 to vector<256x768xf32>
    %max3A_35 = arith.maximumf %add3A_33, %max3A_34 : vector<256x768xf32>
    %slice3A = vector.extract_strided_slice %max3A_35 {offsets = [0, 0], sizes = [256, 384], strides = [1, 1]} : vector<256x768xf32> to vector<256x384xf32>
    %convert_element_type3A_36 = arith.truncf %slice3A : vector<256x384xf32> to vector<256x384xbf16>
    %bitcast_convert_type3A = tpu.bitcast %convert_element_type3A_36 : vector<256x384xbf16> -> vector<256x384xi16>
    %convert_element_type3A_37 = arith.extui %bitcast_convert_type3A : vector<256x384xi16> to vector<256x384xi32>
    %slice3A_38 = vector.extract_strided_slice %max3A_35 {offsets = [0, 384], sizes = [256, 384], strides = [1, 1]} : vector<256x768xf32> to vector<256x384xf32>
    %convert_element_type3A_39 = arith.truncf %slice3A_38 : vector<256x384xf32> to vector<256x384xbf16>
    %bitcast_convert_type3A_40 = tpu.bitcast %convert_element_type3A_39 : vector<256x384xbf16> -> vector<256x384xi16>
    %convert_element_type3A_41 = arith.extui %bitcast_convert_type3A_40 : vector<256x384xi16> to vector<256x384xi32>
    %shift_left3A = arith.constant 16 : i32
    %shift_left3A_42 = vector.broadcast %shift_left3A : i32 to vector<256x384xi32>
    %shift_left3A_43 = arith.shli %convert_element_type3A_41, %shift_left3A_42 : vector<256x384xi32>
    %or3A = arith.ori %convert_element_type3A_37, %shift_left3A_43 : vector<256x384xi32>
    %bitcast_convert_type3A_44 = tpu.bitcast %or3A : vector<256x384xi32> -> vector<256x384xf32>
    %swap3A = arith.constant 0 : index
    %swap3A_45 = arith.constant 0 : index
    %swap3A_46 = vector.load %arg6[%swap3A, %swap3A_45] : memref<256x384xf32, #tpu.memory_space<vmem>>, vector<256x384xf32>
    tpu.vector_store %arg6[%swap3A, %swap3A_45], %bitcast_convert_type3A_44 {strides = array<i32>} : memref<256x384xf32, #tpu.memory_space<vmem>>, vector<256x384xf32>,
    %get3A_47 = arith.constant 0 : index
    %get3A_48 = arith.constant 0 : index
    %get3A_49 = vector.load %arg4[%get3A_47, %get3A_48] : memref<768x8xf32, #tpu.memory_space<vmem>>, vector<768x8xf32>
    %dot_general3A = arith.constant dense<0.000000e+00> : vector<256x8xf32>
    %dot_general3A_50 = tpu.matmul %max3A_35, %get3A_49, %dot_general3A {dimension_numbers = #tpu.dot_dimension_numbers<[1], [0], [0], [1], [0, 0, 1, 1], [], []>, transpose_lhs_hint = false} : vector<256x768xf32>, vector<768x8xf32>, vector<256x8xf32> -> vector<256x8xf32>
    %get3A_51 = arith.constant 0 : index
    %get3A_52 = arith.constant 0 : index
    %get3A_53 = vector.load %arg5[%get3A_51, %get3A_52] : memref<1x8xf32, #tpu.memory_space<vmem>>, vector<1x8xf32>
    %add3A_54 = vector.broadcast %get3A_53 : vector<1x8xf32> to vector<256x8xf32>
    %add3A_55 = arith.addf %dot_general3A_50, %add3A_54 : vector<256x8xf32>
    %iota3A = tpu.iota {dimensions = array<i32: 1>} : vector<256x8xi32>
    %reduce_max3A = arith.constant dense<0xFF800000> : vector<256xf32>
    %reduce_max3A_56 = vector.multi_reduction <maximumf>, %add3A_55, %reduce_max3A [1] : vector<256x8xf32> to vector<256xf32>
    %broadcast_in_dim3A_57 = vector.shape_cast %reduce_max3A_56 : vector<256xf32> to vector<256x1xf32>
    %eq3A_58 = vector.broadcast %broadcast_in_dim3A_57 : vector<256x1xf32> to vector<256x8xf32>
    %eq3A_59 = arith.cmpf oeq, %add3A_55, %eq3A_58 : vector<256x8xf32>
    %jit3A = arith.constant 9 : i32
    %broadcast_in_dim3A_60 = vector.broadcast %jit3A : i32 to vector<256x8xi32>
    %select_n3A = arith.select %eq3A_59, %iota3A, %broadcast_in_dim3A_60 : vector<256x8xi1>, vector<256x8xi32>
    %reduce_min3A = arith.constant dense<2147483647> : vector<256xi32>
    %reduce_min3A_61 = vector.multi_reduction <minsi>, %select_n3A, %reduce_min3A [1] : vector<256x8xi32> to vector<256xi32>
    %broadcast_in_dim3A_62 = vector.shape_cast %reduce_min3A_61 : vector<256xi32> to vector<256x1xi32>
    %eq3A_63 = vector.broadcast %broadcast_in_dim3A_62 : vector<256x1xi32> to vector<256x8xi32>
    %eq3A_64 = arith.cmpi eq, %iota3A, %eq3A_63 : vector<256x8xi32>
    %jit3A_65 = arith.constant 0xFF800000 : f32
    %broadcast_in_dim3A_66 = vector.broadcast %jit3A_65 : f32 to vector<256x8xf32>
    %select_n3A_67 = arith.select %eq3A_64, %broadcast_in_dim3A_66, %add3A_55 : vector<256x8xi1>, vector<256x8xf32>
    %reduce_max3A_68 = arith.constant dense<0xFF800000> : vector<256xf32>
    %reduce_max3A_69 = vector.multi_reduction <maximumf>, %select_n3A_67, %reduce_max3A_68 [1] : vector<256x8xf32> to vector<256xf32>
    %broadcast_in_dim3A_70 = vector.shape_cast %reduce_max3A_69 : vector<256xf32> to vector<256x1xf32>
    %eq3A_71 = vector.broadcast %broadcast_in_dim3A_70 : vector<256x1xf32> to vector<256x8xf32>
    %eq3A_72 = arith.cmpf oeq, %select_n3A_67, %eq3A_71 : vector<256x8xf32>
    %jit3A_73 = arith.constant 9 : i32
    %broadcast_in_dim3A_74 = vector.broadcast %jit3A_73 : i32 to vector<256x8xi32>
    %select_n3A_75 = arith.select %eq3A_72, %iota3A, %broadcast_in_dim3A_74 : vector<256x8xi1>, vector<256x8xi32>
    %reduce_min3A_76 = arith.constant dense<2147483647> : vector<256xi32>
    %reduce_min3A_77 = vector.multi_reduction <minsi>, %select_n3A_75, %reduce_min3A_76 [1] : vector<256x8xi32> to vector<256xi32>
    %squeeze3A = vector.shape_cast %broadcast_in_dim3A_70 : vector<256x1xf32> to vector<256xf32>
    %squeeze3A_78 = vector.shape_cast %broadcast_in_dim3A_57 : vector<256x1xf32> to vector<256xf32>
    %sub3A_79 = arith.subf %squeeze3A, %squeeze3A_78 : vector<256xf32>
    %exp3A = math.exp %sub3A_79 : vector<256xf32>
    %add3A_80 = arith.constant 1.000000e+00 : f32
    %add3A_81 = vector.broadcast %add3A_80 : f32 to vector<256xf32>
    %add3A_82 = arith.addf %add3A_81, %exp3A : vector<256xf32>
    %div3A_83 = arith.constant 1.000000e+00 : f32
    %div3A_84 = vector.broadcast %div3A_83 : f32 to vector<256xf32>
    %div3A_85 = arith.divf %div3A_84, %add3A_82 : vector<256xf32>
    %add3A_86 = arith.constant 1.000000e+00 : f32
    %add3A_87 = vector.broadcast %add3A_86 : f32 to vector<256xf32>
    %add3A_88 = arith.addf %add3A_87, %exp3A : vector<256xf32>
    %div3A_89 = arith.divf %exp3A, %add3A_88 : vector<256xf32>
    %broadcast_in_dim3A_90 = vector.shape_cast %reduce_min3A_61 : vector<256xi32> to vector<256x1xi32>
    %eq3A_91 = vector.broadcast %broadcast_in_dim3A_90 : vector<256x1xi32> to vector<256x8xi32>
    %eq3A_92 = arith.cmpi eq, %iota3A, %eq3A_91 : vector<256x8xi32>
    %convert_element_type3A_93 = arith.extui %eq3A_92 : vector<256x8xi1> to vector<256x8xi32>
    %convert_element_type3A_94 = arith.sitofp %convert_element_type3A_93 : vector<256x8xi32> to vector<256x8xf32>
    %broadcast_in_dim3A_95 = vector.shape_cast %reduce_min3A_77 : vector<256xi32> to vector<256x1xi32>
    %eq3A_96 = vector.broadcast %broadcast_in_dim3A_95 : vector<256x1xi32> to vector<256x8xi32>
    %eq3A_97 = arith.cmpi eq, %iota3A, %eq3A_96 : vector<256x8xi32>
    %convert_element_type3A_98 = arith.extui %eq3A_97 : vector<256x8xi1> to vector<256x8xi32>
    %convert_element_type3A_99 = arith.sitofp %convert_element_type3A_98 : vector<256x8xi32> to vector<256x8xf32>
    %add3A_100 = arith.addf %convert_element_type3A_94, %convert_element_type3A_99 : vector<256x8xf32>
    %iota3A_101 = tpu.iota {dimensions = array<i32: 0>} : vector<256x256xi32>
    %iota3A_102 = tpu.iota {dimensions = array<i32: 1>} : vector<256x256xi32>
    %gt3A = arith.cmpi sgt, %iota3A_101, %iota3A_102 : vector<256x256xi32>
    %convert_element_type3A_103 = arith.extui %gt3A : vector<256x256xi1> to vector<256x256xi32>
    %convert_element_type3A_104 = arith.sitofp %convert_element_type3A_103 : vector<256x256xi32> to vector<256x256xf32>
    %dot_general3A_105 = arith.constant dense<0.000000e+00> : vector<256x8xf32>
    %dot_general3A_106 = tpu.matmul %convert_element_type3A_104, %add3A_100, %dot_general3A_105 {dimension_numbers = #tpu.dot_dimension_numbers<[1], [0], [0], [1], [0, 0, 1, 1], [], []>, transpose_lhs_hint = false} : vector<256x256xf32>, vector<256x8xf32>, vector<256x8xf32> -> vector<256x8xf32>
    %get3A_107 = arith.constant 0 : index
    %get3A_108 = arith.constant 0 : index
    %get3A_109 = vector.load %arg12[%get3A_107, %get3A_108] : memref<1x8xf32, #tpu.memory_space<vmem>>, vector<1x8xf32>
    %add3A_110 = vector.broadcast %get3A_109 : vector<1x8xf32> to vector<256x8xf32>
    %add3A_111 = arith.addf %dot_general3A_106, %add3A_110 : vector<256x8xf32>
    %mul3A_112 = arith.mulf %add3A_111, %convert_element_type3A_94 : vector<256x8xf32>
    %reduce_sum3A_113 = arith.constant dense<0.000000e+00> : vector<256xf32>
    %reduce_sum3A_114 = vector.multi_reduction <add>, %mul3A_112, %reduce_sum3A_113 [1] : vector<256x8xf32> to vector<256xf32>
    %convert_element_type3A_115 = arith.fptosi %reduce_sum3A_114 : vector<256xf32> to vector<256xi32>
    %mul3A_116 = arith.mulf %add3A_111, %convert_element_type3A_99 : vector<256x8xf32>
    %reduce_sum3A_117 = arith.constant dense<0.000000e+00> : vector<256xf32>
    %reduce_sum3A_118 = vector.multi_reduction <add>, %mul3A_116, %reduce_sum3A_117 [1] : vector<256x8xf32> to vector<256xf32>
    %convert_element_type3A_119 = arith.fptosi %reduce_sum3A_118 : vector<256xf32> to vector<256xi32>
    %get3A_120 = arith.constant 0 : index
    %get3A_121 = arith.constant 0 : index
    %get3A_122 = vector.load %arg12[%get3A_120, %get3A_121] : memref<1x8xf32, #tpu.memory_space<vmem>>, vector<1x8xf32>
    %reduce_sum3A_123 = arith.constant dense<0.000000e+00> : vector<8xf32>
    %reduce_sum3A_124 = vector.multi_reduction <add>, %add3A_100, %reduce_sum3A_123 [0] : vector<256x8xf32> to vector<8xf32>
    %broadcast_in_dim3A_125 = vector.shape_cast %reduce_sum3A_124 : vector<8xf32> to vector<1x8xf32>
    %add3A_126 = arith.addf %get3A_122, %broadcast_in_dim3A_125 : vector<1x8xf32>
    %swap3A_127 = arith.constant 0 : index
    %swap3A_128 = arith.constant 0 : index
    %swap3A_129 = vector.load %arg12[%swap3A_127, %swap3A_128] : memref<1x8xf32, #tpu.memory_space<vmem>>, vector<1x8xf32>
    tpu.vector_store %arg12[%swap3A_127, %swap3A_128], %add3A_126 {strides = array<i32>} : memref<1x8xf32, #tpu.memory_space<vmem>>, vector<1x8xf32>,
    %convert_element_type3A_130 = arith.fptosi %add3A_126 : vector<1x8xf32> to vector<1x8xi32>
    %swap3A_131 = arith.constant 0 : index
    %swap3A_132 = arith.constant 0 : index
    %swap3A_133 = vector.load %arg11[%swap3A_131, %swap3A_132] : memref<1x8xi32, #tpu.memory_space<vmem>>, vector<1x8xi32>
    tpu.vector_store %arg11[%swap3A_131, %swap3A_132], %convert_element_type3A_130 {strides = array<i32>} : memref<1x8xi32, #tpu.memory_space<vmem>>, vector<1x8xi32>,
    %lt3A = arith.constant 512 : i32
    %lt3A_134 = vector.broadcast %lt3A : i32 to vector<256xi32>
    %lt3A_135 = arith.cmpi slt, %convert_element_type3A_115, %lt3A_134 : vector<256xi32>
    %lt3A_136 = arith.constant 512 : i32
    %lt3A_137 = vector.broadcast %lt3A_136 : i32 to vector<256xi32>
    %lt3A_138 = arith.cmpi slt, %convert_element_type3A_119, %lt3A_137 : vector<256xi32>
    %mul3A_139 = arith.constant 512 : i32
    %mul3A_140 = vector.broadcast %mul3A_139 : i32 to vector<256xi32>
    %mul3A_141 = arith.muli %reduce_min3A_61, %mul3A_140 : vector<256xi32>
    %add3A_142 = arith.addi %mul3A_141, %convert_element_type3A_115 : vector<256xi32>
    %jit3A_143 = arith.constant 4096 : i32
    %broadcast_in_dim3A_144 = vector.broadcast %jit3A_143 : i32 to vector<256xi32>
    %select_n3A_145 = arith.select %lt3A_135, %add3A_142, %broadcast_in_dim3A_144 : vector<256xi1>, vector<256xi32>
    %mul3A_146 = arith.constant 512 : i32
    %mul3A_147 = vector.broadcast %mul3A_146 : i32 to vector<256xi32>
    %mul3A_148 = arith.muli %reduce_min3A_77, %mul3A_147 : vector<256xi32>
    %add3A_149 = arith.addi %mul3A_148, %convert_element_type3A_119 : vector<256xi32>
    %jit3A_150 = arith.constant 4096 : i32
    %broadcast_in_dim3A_151 = vector.broadcast %jit3A_150 : i32 to vector<256xi32>
    %select_n3A_152 = arith.select %lt3A_138, %add3A_149, %broadcast_in_dim3A_151 : vector<256xi1>, vector<256xi32>
    %jit3A_153 = arith.constant 0.000000e+00 : f32
    %broadcast_in_dim3A_154 = vector.broadcast %jit3A_153 : f32 to vector<256xf32>
    %select_n3A_155 = arith.select %lt3A_135, %div3A_85, %broadcast_in_dim3A_154 : vector<256xi1>, vector<256xf32>
    %jit3A_156 = arith.constant 0.000000e+00 : f32
    %broadcast_in_dim3A_157 = vector.broadcast %jit3A_156 : f32 to vector<256xf32>
    %select_n3A_158 = arith.select %lt3A_138, %div3A_89, %broadcast_in_dim3A_157 : vector<256xi1>, vector<256xf32>
    %swap3A_159 = arith.constant 0 : index
    %swap3A_160 = vector.load %arg7[%swap3A_159] : memref<256xi32, #tpu.memory_space<vmem>>, vector<256xi32>
    tpu.vector_store %arg7[%swap3A_159], %select_n3A_145 {strides = array<i32>} : memref<256xi32, #tpu.memory_space<vmem>>, vector<256xi32>,
    %swap3A_161 = arith.constant 0 : index
    %swap3A_162 = vector.load %arg8[%swap3A_161] : memref<256xi32, #tpu.memory_space<vmem>>, vector<256xi32>
    tpu.vector_store %arg8[%swap3A_161], %select_n3A_152 {strides = array<i32>} : memref<256xi32, #tpu.memory_space<vmem>>, vector<256xi32>,
    %reshape3A = vector.shape_cast %select_n3A_155 : vector<256xf32> to vector<256x1xf32>
    %broadcast_in_dim3A_163 = vector.shape_cast %reshape3A : vector<256x1xf32> to vector<256x1xf32>
    %broadcast_in_dim3A_164 = vector.broadcast %broadcast_in_dim3A_163 : vector<256x1xf32> to vector<256x128xf32>
    %swap3A_165 = arith.constant 0 : index
    %swap3A_166 = arith.constant 0 : index
    %swap3A_167 = vector.load %arg9[%swap3A_165, %swap3A_166] : memref<256x128xf32, #tpu.memory_space<vmem>>, vector<256x128xf32>
    tpu.vector_store %arg9[%swap3A_165, %swap3A_166], %broadcast_in_dim3A_164 {strides = array<i32>} : memref<256x128xf32, #tpu.memory_space<vmem>>, vector<256x128xf32>,
    %reshape3A_168 = vector.shape_cast %select_n3A_158 : vector<256xf32> to vector<256x1xf32>
    %broadcast_in_dim3A_169 = vector.shape_cast %reshape3A_168 : vector<256x1xf32> to vector<256x1xf32>
    %broadcast_in_dim3A_170 = vector.broadcast %broadcast_in_dim3A_169 : vector<256x1xf32> to vector<256x128xf32>
    %swap3A_171 = arith.constant 0 : index
    %swap3A_172 = arith.constant 0 : index
    %swap3A_173 = vector.load %arg10[%swap3A_171, %swap3A_172] : memref<256x128xf32, #tpu.memory_space<vmem>>, vector<256x128xf32>
    tpu.vector_store %arg10[%swap3A_171, %swap3A_172], %broadcast_in_dim3A_170 {strides = array<i32>} : memref<256x128xf32, #tpu.memory_space<vmem>>, vector<256x128xf32>,
    return
  }
  func.func @transform_0(%arg0: i32) -> (i32, i32, i32) {
    %c0_i32 = arith.constant 0 : i32
    %c0_i32_0 = arith.constant 0 : i32
    %c0_i32_1 = arith.constant 0 : i32
    return %c0_i32, %arg0, %c0_i32_0 : i32, i32, i32
  }
  func.func @transform_1(%arg0: i32) -> (i32, i32) {
    %c0_i32 = arith.constant 0 : i32
    %c0_i32_0 = arith.constant 0 : i32
    %c0_i32_1 = arith.constant 0 : i32
    return %c0_i32, %c0_i32_0 : i32, i32
  }
  func.func @transform_2(%arg0: i32) -> (i32, i32) {
    %c0_i32 = arith.constant 0 : i32
    %c0_i32_0 = arith.constant 0 : i32
    %c0_i32_1 = arith.constant 0 : i32
    return %c0_i32, %c0_i32_0 : i32, i32
  }
  func.func @transform_3(%arg0: i32) -> (i32, i32) {
    %c0_i32 = arith.constant 0 : i32
    %c0_i32_0 = arith.constant 0 : i32
    %c0_i32_1 = arith.constant 0 : i32
    return %c0_i32, %c0_i32_0 : i32, i32
  }
  func.func @transform_4(%arg0: i32) -> (i32, i32) {
    %c0_i32 = arith.constant 0 : i32
    %c0_i32_0 = arith.constant 0 : i32
    %c0_i32_1 = arith.constant 0 : i32
    return %c0_i32, %c0_i32_0 : i32, i32
  }
  func.func @transform_5(%arg0: i32) -> (i32, i32) {
    %c0_i32 = arith.constant 0 : i32
    %c0_i32_0 = arith.constant 0 : i32
    return %arg0, %c0_i32 : i32, i32
  }
  func.func @transform_6(%arg0: i32) -> i32 {
    %c0_i32 = arith.constant 0 : i32
    return %arg0 : i32
  }
  func.func @transform_7(%arg0: i32) -> i32 {
    %c0_i32 = arith.constant 0 : i32
    return %arg0 : i32
  }
  func.func @transform_8(%arg0: i32) -> (i32, i32) {
    %c0_i32 = arith.constant 0 : i32
    %c0_i32_0 = arith.constant 0 : i32
    return %arg0, %c0_i32 : i32, i32
  }
  func.func @transform_9(%arg0: i32) -> (i32, i32) {
    %c0_i32 = arith.constant 0 : i32
    %c0_i32_0 = arith.constant 0 : i32
    return %arg0, %c0_i32 : i32, i32
  }
  func.func @transform_10(%arg0: i32) -> (i32, i32) {
    %c0_i32 = arith.constant 0 : i32
    %c0_i32_0 = arith.constant 0 : i32
    %c0_i32_1 = arith.constant 0 : i32
    return %c0_i32, %c0_i32_0 : i32, i32
  }
}

module attributes {stable_mosaic.version = 14 : i64} {
  func.func @_mlp_body(%arg0: i32, %arg1: i32, %arg2: memref<8xi32, #tpu.memory_space<smem>>, %arg3: memref<512x384xf32, #tpu.memory_space<vmem>>, %arg4: memref<512x128xf32, #tpu.memory_space<vmem>>, %arg5: memref<1x768x768xf32, #tpu.memory_space<vmem>>, %arg6: memref<1x1x768xf32, #tpu.memory_space<vmem>>, %arg7: memref<1x1x768xf32, #tpu.memory_space<vmem>>, %arg8: memref<1x1x768xf32, #tpu.memory_space<vmem>>, %arg9: memref<1x768x768xf32, #tpu.memory_space<vmem>>, %arg10: memref<1x1x768xf32, #tpu.memory_space<vmem>>, %arg11: memref<512x384xf32, #tpu.memory_space<vmem>>) attributes {dimension_semantics = [#tpu.dimension_semantics<arbitrary>, #tpu.dimension_semantics<arbitrary>], iteration_bounds = array<i64: 8, 1>, scalar_prefetch = 1 : i64, scratch_operands = 0 : i64, tpu.core_type = #tpu.core_type<tc>, window_params = [{transform_indices = @transform_0, window_bounds = array<i64: 512, 384>}, {transform_indices = @transform_1, window_bounds = array<i64: 512, 128>}, {transform_indices = @transform_2, window_bounds = array<i64: 1, 768, 768>}, {transform_indices = @transform_3, window_bounds = array<i64: 1, 1, 768>}, {transform_indices = @transform_4, window_bounds = array<i64: 1, 1, 768>}, {transform_indices = @transform_5, window_bounds = array<i64: 1, 1, 768>}, {transform_indices = @transform_6, window_bounds = array<i64: 1, 768, 768>}, {transform_indices = @transform_7, window_bounds = array<i64: 1, 1, 768>}, {transform_indices = @transform_8, window_bounds = array<i64: 512, 384>}]} {
    %get3A = arith.constant 0 : index
    %get3A_0 = arith.constant 0 : index
    %get3A_1 = vector.load %arg3[%get3A, %get3A_0] : memref<512x384xf32, #tpu.memory_space<vmem>>, vector<512x384xf32>
    %bitcast_convert_type3A = tpu.bitcast %get3A_1 : vector<512x384xf32> -> vector<512x384xi32>
    %and3A = arith.constant 65535 : i32
    %and3A_2 = vector.broadcast %and3A : i32 to vector<512x384xi32>
    %and3A_3 = arith.andi %bitcast_convert_type3A, %and3A_2 : vector<512x384xi32>
    %convert_element_type3A = arith.trunci %and3A_3 : vector<512x384xi32> to vector<512x384xi16>
    %bitcast_convert_type3A_4 = tpu.bitcast %convert_element_type3A : vector<512x384xi16> -> vector<512x384xbf16>
    %convert_element_type3A_5 = arith.extf %bitcast_convert_type3A_4 : vector<512x384xbf16> to vector<512x384xf32>
    %shift_right_logical3A = arith.constant 16 : i32
    %shift_right_logical3A_6 = vector.broadcast %shift_right_logical3A : i32 to vector<512x384xi32>
    %shift_right_logical3A_7 = arith.shrui %bitcast_convert_type3A, %shift_right_logical3A_6 : vector<512x384xi32>
    %convert_element_type3A_8 = arith.trunci %shift_right_logical3A_7 : vector<512x384xi32> to vector<512x384xi16>
    %bitcast_convert_type3A_9 = tpu.bitcast %convert_element_type3A_8 : vector<512x384xi16> -> vector<512x384xbf16>
    %convert_element_type3A_10 = arith.extf %bitcast_convert_type3A_9 : vector<512x384xbf16> to vector<512x384xf32>
    %concatenate3A = tpu.concatenate %convert_element_type3A_5, %convert_element_type3A_10 in 1 : vector<512x384xf32>, vector<512x384xf32> -> vector<512x768xf32>
    %get3A_11 = arith.constant 0 : index
    %get3A_12 = arith.constant 0 : index
    %get3A_13 = arith.constant 0 : index
    %get3A_14 = vector.load %arg5[%get3A_11, %get3A_12, %get3A_13] : memref<1x768x768xf32, #tpu.memory_space<vmem>>, vector<1x768x768xf32>
    %get3A_15 = vector.shape_cast %get3A_14 : vector<1x768x768xf32> to vector<768x768xf32>
    %dot_general3A = arith.constant dense<0.000000e+00> : vector<512x768xf32>
    %dot_general3A_16 = tpu.matmul %concatenate3A, %get3A_15, %dot_general3A {dimension_numbers = #tpu.dot_dimension_numbers<[1], [0], [0], [1], [0, 0, 1, 1], [], []>, transpose_lhs_hint = false} : vector<512x768xf32>, vector<768x768xf32>, vector<512x768xf32> -> vector<512x768xf32>
    %get3A_17 = arith.constant 0 : index
    %get3A_18 = arith.constant 0 : index
    %get3A_19 = arith.constant 0 : index
    %get3A_20 = vector.load %arg6[%get3A_17, %get3A_18, %get3A_19] : memref<1x1x768xf32, #tpu.memory_space<vmem>>, vector<1x1x768xf32>
    %get3A_21 = vector.shape_cast %get3A_20 : vector<1x1x768xf32> to vector<1x768xf32>
    %add3A = vector.broadcast %get3A_21 : vector<1x768xf32> to vector<512x768xf32>
    %add3A_22 = arith.addf %dot_general3A_16, %add3A : vector<512x768xf32>
    %reduce_sum3A = arith.constant dense<0.000000e+00> : vector<512xf32>
    %reduce_sum3A_23 = vector.multi_reduction <add>, %add3A_22, %reduce_sum3A [1] : vector<512x768xf32> to vector<512xf32>
    %broadcast_in_dim3A = vector.shape_cast %reduce_sum3A_23 : vector<512xf32> to vector<512x1xf32>
    %div3A = arith.constant 7.680000e+02 : f32
    %div3A_24 = vector.broadcast %div3A : f32 to vector<512x1xf32>
    %div3A_25 = arith.divf %broadcast_in_dim3A, %div3A_24 : vector<512x1xf32>
    %sub3A = vector.broadcast %div3A_25 : vector<512x1xf32> to vector<512x768xf32>
    %sub3A_26 = arith.subf %add3A_22, %sub3A : vector<512x768xf32>
    %sub3A_27 = vector.broadcast %div3A_25 : vector<512x1xf32> to vector<512x768xf32>
    %sub3A_28 = arith.subf %add3A_22, %sub3A_27 : vector<512x768xf32>
    %mul3A = arith.mulf %sub3A_26, %sub3A_28 : vector<512x768xf32>
    %reduce_sum3A_29 = arith.constant dense<0.000000e+00> : vector<512xf32>
    %reduce_sum3A_30 = vector.multi_reduction <add>, %mul3A, %reduce_sum3A_29 [1] : vector<512x768xf32> to vector<512xf32>
    %broadcast_in_dim3A_31 = vector.shape_cast %reduce_sum3A_30 : vector<512xf32> to vector<512x1xf32>
    %div3A_32 = arith.constant 7.680000e+02 : f32
    %div3A_33 = vector.broadcast %div3A_32 : f32 to vector<512x1xf32>
    %div3A_34 = arith.divf %broadcast_in_dim3A_31, %div3A_33 : vector<512x1xf32>
    %sub3A_35 = vector.broadcast %div3A_25 : vector<512x1xf32> to vector<512x768xf32>
    %sub3A_36 = arith.subf %add3A_22, %sub3A_35 : vector<512x768xf32>
    %add3A_37 = arith.constant 9.99999997E-7 : f32
    %add3A_38 = vector.broadcast %add3A_37 : f32 to vector<512x1xf32>
    %add3A_39 = arith.addf %div3A_34, %add3A_38 : vector<512x1xf32>
    %rsqrt3A = math.rsqrt %add3A_39 : vector<512x1xf32>
    %mul3A_40 = vector.broadcast %rsqrt3A : vector<512x1xf32> to vector<512x768xf32>
    %mul3A_41 = arith.mulf %sub3A_36, %mul3A_40 : vector<512x768xf32>
    %get3A_42 = arith.constant 0 : index
    %get3A_43 = arith.constant 0 : index
    %get3A_44 = arith.constant 0 : index
    %get3A_45 = vector.load %arg7[%get3A_42, %get3A_43, %get3A_44] : memref<1x1x768xf32, #tpu.memory_space<vmem>>, vector<1x1x768xf32>
    %get3A_46 = vector.shape_cast %get3A_45 : vector<1x1x768xf32> to vector<1x768xf32>
    %mul3A_47 = vector.broadcast %get3A_46 : vector<1x768xf32> to vector<512x768xf32>
    %mul3A_48 = arith.mulf %mul3A_41, %mul3A_47 : vector<512x768xf32>
    %get3A_49 = arith.constant 0 : index
    %get3A_50 = arith.constant 0 : index
    %get3A_51 = arith.constant 0 : index
    %get3A_52 = vector.load %arg8[%get3A_49, %get3A_50, %get3A_51] : memref<1x1x768xf32, #tpu.memory_space<vmem>>, vector<1x1x768xf32>
    %get3A_53 = vector.shape_cast %get3A_52 : vector<1x1x768xf32> to vector<1x768xf32>
    %add3A_54 = vector.broadcast %get3A_53 : vector<1x768xf32> to vector<512x768xf32>
    %add3A_55 = arith.addf %mul3A_48, %add3A_54 : vector<512x768xf32>
    %max3A = arith.constant 0.000000e+00 : f32
    %max3A_56 = vector.broadcast %max3A : f32 to vector<512x768xf32>
    %max3A_57 = arith.maximumf %add3A_55, %max3A_56 : vector<512x768xf32>
    %get3A_58 = arith.constant 0 : index
    %get3A_59 = arith.constant 0 : index
    %get3A_60 = arith.constant 0 : index
    %get3A_61 = vector.load %arg9[%get3A_58, %get3A_59, %get3A_60] : memref<1x768x768xf32, #tpu.memory_space<vmem>>, vector<1x768x768xf32>
    %get3A_62 = vector.shape_cast %get3A_61 : vector<1x768x768xf32> to vector<768x768xf32>
    %dot_general3A_63 = arith.constant dense<0.000000e+00> : vector<512x768xf32>
    %dot_general3A_64 = tpu.matmul %max3A_57, %get3A_62, %dot_general3A_63 {dimension_numbers = #tpu.dot_dimension_numbers<[1], [0], [0], [1], [0, 0, 1, 1], [], []>, transpose_lhs_hint = false} : vector<512x768xf32>, vector<768x768xf32>, vector<512x768xf32> -> vector<512x768xf32>
    %get3A_65 = arith.constant 0 : index
    %get3A_66 = arith.constant 0 : index
    %get3A_67 = arith.constant 0 : index
    %get3A_68 = vector.load %arg10[%get3A_65, %get3A_66, %get3A_67] : memref<1x1x768xf32, #tpu.memory_space<vmem>>, vector<1x1x768xf32>
    %get3A_69 = vector.shape_cast %get3A_68 : vector<1x1x768xf32> to vector<1x768xf32>
    %add3A_70 = vector.broadcast %get3A_69 : vector<1x768xf32> to vector<512x768xf32>
    %add3A_71 = arith.addf %dot_general3A_64, %add3A_70 : vector<512x768xf32>
    %get3A_72 = arith.constant 0 : index
    %get3A_73 = arith.constant 0 : index
    %get3A_74 = vector.load %arg4[%get3A_72, %get3A_73] : memref<512x128xf32, #tpu.memory_space<vmem>>, vector<512x1xf32>
    %mul3A_75 = vector.broadcast %get3A_74 : vector<512x1xf32> to vector<512x768xf32>
    %mul3A_76 = arith.mulf %add3A_71, %mul3A_75 : vector<512x768xf32>
    %get3A_77 = arith.index_cast %arg0 : i32 to index
    %get3A_78 = memref.load %arg2[%get3A_77] : memref<8xi32, #tpu.memory_space<smem>>
    %min3A = arith.constant 512 : i32
    %min3A_79 = arith.minsi %get3A_78, %min3A : i32
    %iota3A = tpu.iota {dimensions = array<i32: 0>} : vector<512x1xi32>
    %mul3A_80 = arith.constant 512 : i32
    %mul3A_81 = arith.muli %arg1, %mul3A_80 : i32
    %add3A_82 = vector.broadcast %mul3A_81 : i32 to vector<512x1xi32>
    %add3A_83 = arith.addi %iota3A, %add3A_82 : vector<512x1xi32>
    %lt3A = vector.broadcast %min3A_79 : i32 to vector<512x1xi32>
    %lt3A_84 = arith.cmpi slt, %add3A_83, %lt3A : vector<512x1xi32>
    %jit3A = arith.constant 0.000000e+00 : f32
    %broadcast_in_dim3A_85 = vector.shape_cast %lt3A_84 : vector<512x1xi1> to vector<512x1xi1>
    %broadcast_in_dim3A_86 = vector.broadcast %broadcast_in_dim3A_85 : vector<512x1xi1> to vector<512x768xi1>
    %broadcast_in_dim3A_87 = vector.broadcast %jit3A : f32 to vector<512x768xf32>
    %select_n3A = arith.select %broadcast_in_dim3A_86, %mul3A_76, %broadcast_in_dim3A_87 : vector<512x768xi1>, vector<512x768xf32>
    %slice3A = vector.extract_strided_slice %select_n3A {offsets = [0, 0], sizes = [512, 384], strides = [1, 1]} : vector<512x768xf32> to vector<512x384xf32>
    %convert_element_type3A_88 = arith.truncf %slice3A : vector<512x384xf32> to vector<512x384xbf16>
    %bitcast_convert_type3A_89 = tpu.bitcast %convert_element_type3A_88 : vector<512x384xbf16> -> vector<512x384xi16>
    %convert_element_type3A_90 = arith.extui %bitcast_convert_type3A_89 : vector<512x384xi16> to vector<512x384xi32>
    %slice3A_91 = vector.extract_strided_slice %select_n3A {offsets = [0, 384], sizes = [512, 384], strides = [1, 1]} : vector<512x768xf32> to vector<512x384xf32>
    %convert_element_type3A_92 = arith.truncf %slice3A_91 : vector<512x384xf32> to vector<512x384xbf16>
    %bitcast_convert_type3A_93 = tpu.bitcast %convert_element_type3A_92 : vector<512x384xbf16> -> vector<512x384xi16>
    %convert_element_type3A_94 = arith.extui %bitcast_convert_type3A_93 : vector<512x384xi16> to vector<512x384xi32>
    %shift_left3A = arith.constant 16 : i32
    %shift_left3A_95 = vector.broadcast %shift_left3A : i32 to vector<512x384xi32>
    %shift_left3A_96 = arith.shli %convert_element_type3A_94, %shift_left3A_95 : vector<512x384xi32>
    %or3A = arith.ori %convert_element_type3A_90, %shift_left3A_96 : vector<512x384xi32>
    %bitcast_convert_type3A_97 = tpu.bitcast %or3A : vector<512x384xi32> -> vector<512x384xf32>
    %swap3A = arith.constant 0 : index
    %swap3A_98 = arith.constant 0 : index
    %swap3A_99 = vector.load %arg11[%swap3A, %swap3A_98] : memref<512x384xf32, #tpu.memory_space<vmem>>, vector<512x384xf32>
    tpu.vector_store %arg11[%swap3A, %swap3A_98], %bitcast_convert_type3A_97 {strides = array<i32>} : memref<512x384xf32, #tpu.memory_space<vmem>>, vector<512x384xf32>,
    return
  }
  func.func @transform_0(%arg0: i32, %arg1: i32, %arg2: memref<8xi32, #tpu.memory_space<smem>>) -> (i32, i32) {
    %mul3A = arith.constant 1 : i32
    %mul3A_0 = arith.muli %arg0, %mul3A : i32
    %add3A = arith.addi %mul3A_0, %arg1 : i32
    %c0_i32 = arith.constant 0 : i32
    %c0_i32_1 = arith.constant 0 : i32
    return %add3A, %c0_i32 : i32, i32
  }
  func.func @transform_1(%arg0: i32, %arg1: i32, %arg2: memref<8xi32, #tpu.memory_space<smem>>) -> (i32, i32) {
    %mul3A = arith.constant 1 : i32
    %mul3A_0 = arith.muli %arg0, %mul3A : i32
    %add3A = arith.addi %mul3A_0, %arg1 : i32
    %c0_i32 = arith.constant 0 : i32
    %c0_i32_1 = arith.constant 0 : i32
    return %add3A, %c0_i32 : i32, i32
  }
  func.func @transform_2(%arg0: i32, %arg1: i32, %arg2: memref<8xi32, #tpu.memory_space<smem>>) -> (i32, i32, i32) {
    %c0_i32 = arith.constant 0 : i32
    %c0_i32_0 = arith.constant 0 : i32
    %c0_i32_1 = arith.constant 0 : i32
    return %arg0, %c0_i32, %c0_i32_0 : i32, i32, i32
  }
  func.func @transform_3(%arg0: i32, %arg1: i32, %arg2: memref<8xi32, #tpu.memory_space<smem>>) -> (i32, i32, i32) {
    %c0_i32 = arith.constant 0 : i32
    %c0_i32_0 = arith.constant 0 : i32
    %c0_i32_1 = arith.constant 0 : i32
    return %arg0, %c0_i32, %c0_i32_0 : i32, i32, i32
  }
  func.func @transform_4(%arg0: i32, %arg1: i32, %arg2: memref<8xi32, #tpu.memory_space<smem>>) -> (i32, i32, i32) {
    %c0_i32 = arith.constant 0 : i32
    %c0_i32_0 = arith.constant 0 : i32
    %c0_i32_1 = arith.constant 0 : i32
    return %arg0, %c0_i32, %c0_i32_0 : i32, i32, i32
  }
  func.func @transform_5(%arg0: i32, %arg1: i32, %arg2: memref<8xi32, #tpu.memory_space<smem>>) -> (i32, i32, i32) {
    %c0_i32 = arith.constant 0 : i32
    %c0_i32_0 = arith.constant 0 : i32
    %c0_i32_1 = arith.constant 0 : i32
    return %arg0, %c0_i32, %c0_i32_0 : i32, i32, i32
  }
  func.func @transform_6(%arg0: i32, %arg1: i32, %arg2: memref<8xi32, #tpu.memory_space<smem>>) -> (i32, i32, i32) {
    %c0_i32 = arith.constant 0 : i32
    %c0_i32_0 = arith.constant 0 : i32
    %c0_i32_1 = arith.constant 0 : i32
    return %arg0, %c0_i32, %c0_i32_0 : i32, i32, i32
  }
  func.func @transform_7(%arg0: i32, %arg1: i32, %arg2: memref<8xi32, #tpu.memory_space<smem>>) -> (i32, i32, i32) {
    %c0_i32 = arith.constant 0 : i32
    %c0_i32_0 = arith.constant 0 : i32
    %c0_i32_1 = arith.constant 0 : i32
    return %arg0, %c0_i32, %c0_i32_0 : i32, i32, i32
  }
  func.func @transform_8(%arg0: i32, %arg1: i32, %arg2: memref<8xi32, #tpu.memory_space<smem>>) -> (i32, i32) {
    %mul3A = arith.constant 1 : i32
    %mul3A_0 = arith.muli %arg0, %mul3A : i32
    %add3A = arith.addi %mul3A_0, %arg1 : i32
    %c0_i32 = arith.constant 0 : i32
    %c0_i32_1 = arith.constant 0 : i32
    return %add3A, %c0_i32 : i32, i32
  }
}

</mosaic_0001>

<sc_bundles>
// kernel: kernel.10.cloned.1.call-start
scs
__scs_entry_jumppad:
0x0: {  	(pc) =	sbr.rel $0x88, $3  }
0x1: {  	(tag) =	ssettag $0x0;
	lr =	simm.s32 $0x1  }
0x2: {  	[smem:$0x3F96] =	sst lr;
	_ =	strace $0xD0000000  }
0x3: {  	_ = 	snop  }
0x4: {  	_ = 	snop  }
0x5: {  	_ = 	snop  }
0x6: {  	_ = 	snop  }
0x7: {  	_ = 	snop  }
__scs_overlays_trampoline_lowered:
0x8: {  	[smem:$0x3FA5] =	sst s0  }
0x9: {  	[smem:$0x3FA6] =	sst s1  }
0xa: {  	[smem:$0x3FA7] =	sst s2  }
0xb: {  	[smem:$0x3FA8] =	sst s3  }
0xc: {  	[smem:$0x3FA9] =	sst s4  }
0xd: {  	[smem:$0x3FAA] =	sst s5  }
0xe: {  	[smem:$0x3FAB] =	sst s6  }
0xf: {  	[smem:$0x3FAC] =	sst s7  }
0x10: {  	[smem:$0x3FAD] =	sst s8  }
0x11: {  	[smem:$0x3FAE] =	sst s9;
	s0 =	simm.s32 @!p0 $0x0  }
0x12: {  	s1 =	sld [smem:$0x3F94];
	s0 =	simm.s32 @p0 $0x1  }
0x13: {  	[smem:$0x3FAF] =	sst s0;
	s0 =	simm.s32 @!p1 $0x0  }
0x14: {  	s2 =	sld [smem:$0x3F93];
	s0 =	simm.s32 @p1 $0x1  }
0x15: {  	[smem:$0x3FB0] =	sst s0;
	s0 =	simm.s32 @!p2 $0x0  }
0x16: {  	s3 =	sld [smem:$0x3FDB];
	s0 =	simm.s32 @p2 $0x1  }
0x17: {  	s4 =	simm.s32 $0x1BF5;
	[smem:$0x3FB2] =	sst s0  }
0x18: {  	s0 =	sld [smem:$0x3F95];
	_ =	swait.ge [sflag:s4], $0x0  }
0x19: {  	s7 =	sld [smem:$0x3F96]  }
0x1a: {  	s8 =	sadd.s32 $0xFFFFE003, lr  }
0x1b: {  	s9 =	sadd.s32 $0xFFFFFEF7, lr;
	s5 =	simm.s32 $0xFFFFFFFF;
	p2 =	slt.u32 s8, $0xFFFFF086  }
0x1c: {  	p1 =	slt.u32 s9, $0xF7A;
	s5 =	simm.s32 @!p2 $0x0  }
0x1d: {  	s5 =	simm.s32 @p1 $0x1;
	p0 =	seq.s32 s7, s2  }
0x1e: {  	s7 =	smul.u32 @!p0 $0xF7A, s2;
	p2 =	seq.s32 @!p0 s5, $0x0  }
0x1f: {  	s9 =	smul.u32 $0xF7A, s1;
	s8 =	simm.s32 @!p0 $0x1BF5;
	p2 =	por !p2, p0  }
0x20: {  	[sflag:s8] =	ssyncset.s32 @!p0 $0xFFFFF086;
	s6 =	sadd.s32 @!p0 s3, s7;
	s7 =	simm.s32 @!p0 $0x108  }
0x21: {  	s3 =	sadd.s32 s3, s9;
	s6 =	sadd.s32 @!p0 $0x88, s6;
	s7 =	simm.s32 @p2 $0x1082  }
0x22: {  	[simem:s7], [sflag:s8] =	dma.local @!p0 [hbm:s6], $0xF7A  }
0x23: {  	s9 =	sor.u32 $0xD0000000, s2;
	s6 =	simm.s32 $0x108;
	_ =	swait.ge @!p0 [sflag:s8], $0x0  }
0x24: {  	s3 =	sadd.s32 $0x88, s3;
	s6 =	simm.s32 @!p1 $0x1082;
	[sflag:s4] =	ssyncset.s32 $0xFFFFF086  }
0x25: {  	[simem:s6], [sflag:s4] =	dma.local [hbm:s3], $0xF7A  }
0x26: {  	[smem:$0x3F96] =	sst s1;
	(tag) =	ssettag s2;
	_ =	strace s9  }
0x27: {  	s1 =	sld [smem:$0x3FA6]  }
0x28: {  	s2 =	sld [smem:$0x3FA7]  }
0x29: {  	s4 =	sld [smem:$0x3FA9]  }
0x2a: {  	p0 =	seq.s32 s5, $0x0;
	s5 =	sld [smem:$0x3FAA]  }
0x2b: {  	s6 =	sld [smem:$0x3FAB]  }
0x2c: {  	s7 =	sld [smem:$0x3FAC]  }
0x2d: {  	s3 =	simm.s32 $0x108;
	s8 =	sld [smem:$0x3FAD]  }
0x2e: {  	s3 =	simm.s32 @!p0 $0x1082;
	s9 =	sld [smem:$0x3FAE]  }
0x2f: {  	lr =	sadd.s32 s0, s3;
	s0 =	sld [smem:$0x3FA5]  }
0x30: {  	s3 =	sld [smem:$0x3FA8]  }
0x31: {  	[smem:$0x3FB1] =	sst s10  }
0x32: {  	s10 =	sld [smem:$0x3FAF];
	_ =	sdelay $0x3  }
0x33: {  	p0 =	seq.s32 s10, $0x1;
	s10 =	sld [smem:$0x3FB1];
	_ =	sdelay $0x3  }
0x34: {  	[smem:$0x3FB1] =	sst s10  }
0x35: {  	s10 =	sld [smem:$0x3FB0];
	_ =	sdelay $0x3  }
0x36: {  	p1 =	seq.s32 s10, $0x1;
	s10 =	sld [smem:$0x3FB1];
	_ =	sdelay $0x3  }
0x37: {  	[smem:$0x3FB1] =	sst s10  }
0x38: {  	s10 =	sld [smem:$0x3FB2]  }
0x39: {  	_ = 	snop;
	(pc) =	sbr.ind lr, $3  }
0x3a: {  	_ = 	snop  }
0x3b: {  	_ = 	snop  }
0x3c: {  	p2 =	seq.s32 s10, $0x1;
	s10 =	sld [smem:$0x3FB1]  }
0x3d: {  	_ =	shalt  }
0x3e: {  	_ =	shalt  }
0x3f: {  	_ =	shalt  }
0x40: {  	_ =	shalt  }
0x41: {  	_ =	shalt  }
0x42: {  	_ =	shalt  }
0x43: {  	_ =	shalt  }
0x44: {  	_ =	shalt  }
0x45: {  	_ =	shalt  }
0x46: {  	_ =	shalt  }
0x47: {  	_ =	shalt  }
0x48: {  	_ =	shalt  }
0x49: {  	_ =	shalt  }
0x4a: {  	_ =	shalt  }
0x4b: {  	_ =	shalt  }
0x4c: {  	_ =	shalt  }
0x4d: {  	_ =	shalt  }
0x4e: {  	_ =	shalt  }
0x4f: {  	_ =	shalt  }
0x50: {  	_ =	shalt  }
0x51: {  	_ =	shalt  }
0x52: {  	_ =	shalt  }
0x53: {  	_ =	shalt  }
0x54: {  	_ =	shalt  }
0x55: {  	_ =	shalt  }
0x56: {  	_ =	shalt  }
0x57: {  	_ =	shalt  }
0x58: {  	_ =	shalt  }
0x59: {  	_ =	shalt  }
0x5a: {  	_ =	shalt  }
0x5b: {  	_ =	shalt  }
0x5c: {  	_ =	shalt  }
0x5d: {  	_ =	shalt  }
0x5e: {  	_ =	shalt  }
0x5f: {  	_ =	shalt  }
0x60: {  	_ =	shalt  }
0x61: {  	_ =	shalt  }
0x62: {  	_ =	shalt  }
0x63: {  	_ =	shalt  }
0x64: {  	_ =	shalt  }
0x65: {  	_ =	shalt  }
0x66: {  	_ =	shalt  }
0x67: {  	_ =	shalt  }
0x68: {  	_ =	shalt  }
0x69: {  	_ =	shalt  }
0x6a: {  	_ =	shalt  }
0x6b: {  	_ =	shalt  }
0x6c: {  	_ =	shalt  }
0x6d: {  	_ =	shalt  }
0x6e: {  	_ =	shalt  }
0x6f: {  	_ =	shalt  }
0x70: {  	_ =	shalt  }
0x71: {  	_ =	shalt  }
0x72: {  	_ =	shalt  }
0x73: {  	_ =	shalt  }
0x74: {  	_ =	shalt  }
0x75: {  	_ =	shalt  }
0x76: {  	_ =	shalt  }
0x77: {  	_ =	shalt  }
0x78: {  	_ =	shalt  }
0x79: {  	_ =	shalt  }
0x7a: {  	_ =	shalt  }
0x7b: {  	_ =	shalt  }
0x7c: {  	_ =	shalt  }
0x7d: {  	_ =	shalt  }
0x7e: {  	_ =	shalt  }
0x7f: {  	_ =	shalt  }
0x80: {  	_ =	shalt  }
0x81: {  	_ =	shalt  }
0x82: {  	_ =	shalt  }
0x83: {  	_ =	shalt  }
0x84: {  	_ =	shalt  }
0x85: {  	_ =	shalt  }
0x86: {  	_ =	shalt  }
0x87: {  	_ =	shalt  }
.Lfunc_end0:
.L_simem_size_0:
called_computation.1_lowered:
.L_overlay_start_0:
0x88: {  	s2 =	sld [smem:$0x3FD9]  }
0x89: {  	s3 =	sld [smem:$0x3FFE];
	_ =	sdelay $0x1  }
0x8a: {  	s1 =	srdreg.scid  }
0x8b: {  	s0 =	sand.u32 $0x1, s1  }
0x8c: {  	s17 =	sshll.u32 s0, $0xA;
	s2 =	sadd.s32 s3, s2  }
0x8d: {  	s2 =	sadd.s32 s2, s17  }
0x8e: {  	[smem:$0x3FBD] =	sst s2  }
0x8f: {  	_ = 	snop  }
0x90: {  	s2 =	sld [smem:$0x3FD0];
	(tm) =	ssettm $0x1  }
0x91: {  	s18 =	sld [smem:$0x3FFB];
	_ =	sdelay $0x3  }
0x92: {  	_ =	strace s18  }
0x93: {  	s3 =	sld [smem:$0x3FFC];
	_ =	sdelay $0x3  }
0x94: {  	_ =	strace s3  }
0x95: {  	s3 =	sld [smem:$0x3FFD];
	_ =	sdelay $0x3  }
0x96: {  	_ =	strace s3  }
0x97: {  	_ =	strace $0x8FFFFFFF  }
0x98: {  	s19 =	sld [smem:$0x3FDB];
	_ =	sdelay $0x1  }
0x99: {  	s4 =	simm.s32 $_scs_section_size  }
0x9a: {  	s5 =	simm.s32 $_size__tile_overlayer_lowered;
	s6 =	simm.s32 $_tile_overlayer_lowered  }
0x9b: {  	s22 =	simm.s32 $0x1BFF;
	s21 =	sshll.u32 s6, $0x1;
	s3 =	sadd.s32 s4, s19  }
0x9c: {  	s7 =	simm.s32 $0x0;
	s20 =	sshll.u32 s5, $0x1;
	s5 =	sadd.s32 s21, s3  }
0x9d: {  	[timem:s7], [sflag:s22] =	dma.local [hbm:s5], s20  }
0x9e: {  	_ =	swait.ge [sflag:s22], s20  }
0x9f: {  	s4 =	ssub.s32 $0x0, s20;
	[sflag:s22] =	ssyncset.done $0x0  }
0xa0: {  	[sflag:s22] =	ssyncadd.s32 s4;
	_ =	sdelay $0x1  }
0xa1: {  	s23 =	simm.s32 $0x1B8B  }
0xa2: {  	_ =	swait.ge [sflag:s23], $0x1  }
0xa3: {  	[sflag:s23] =	ssyncset.done $0x0  }
0xa4: {  	s25 =	simm.s32 $0x1B8E;
	s24 =	sld [smem:$0x3FFE];
	[sflag:s23] =	ssyncadd.s32 $0xFFFFFFFF  }
0xa5: {  	s26 =	simm.s32 $execute0_lowered;
	[smem:$0x3FD2] =	sst s25  }
0xa6: {  	s5 =	sshll.u32 s26, $0x1;
	_ =	strace $0x80000049;
	[dreg:$0x1] =	wrdreg $0xFFFFFFFF  }
0xa7: {  	s28 =	simm.s32 $_size_execute0_lowered;
	s3 =	sadd.s32 s3, s5;
	[dreg:$0x0] =	wrdreg $0x0  }
0xa8: {  	s5 =	sshll.u32 s28, $0x1;
	[dreg:$0x2] =	wrdreg s3  }
0xa9: {  	[dreg:$0x3] =	wrdreg s5  }
0xaa: {  	[dreg:$0x4] =	wrdreg $0xC0  }
0xab: {  	_ =	task [dreg:s7], $0x5FFFF  }
0xac: {  	[dreg:$0x1] =	wrdreg $0xFFFFFFFF  }
0xad: {  	[dreg:$0x0] =	wrdreg $0x60  }
0xae: {  	[dreg:$0x2] =	wrdreg s2  }
0xaf: {  	[dreg:$0x3] =	wrdreg s24  }
0xb0: {  	[dreg:$0x4] =	wrdreg $0x9  }
0xb1: {  	_ =	task.clear_ibuf [dreg:s7], $0x5FFFF;
	_ =	strace $0x90000049  }
0xb2: {  	s29 =	simm.s32 $0x9;
	_ =	strace $0x8000004B  }
0xb3: {  	_ =	swait.ge [sflag:s29], $0x1  }
0xb4: {  	[sflag:s29] =	ssyncadd.s32 $0xFFFFFFFF  }
0xb5: {  	_ =	strace $0x9000004B  }
0xb6: {  	_ =	sfence  }
0xb7: {  	s30 =	sld [smem:$0x0];
	_ =	sdelay $0x2  }
0xb8: {  	s31 =	sshll.u32 s1, $0xD;
	s1 =	sshrl.u32 s1, $0x2  }
0xb9: {  	s3 =	sand.u32 $0x4000, s31;
	s1 =	sadd.s32 s1, s30  }
0xba: {  	s0 =	sor.u32 s3, s0;
	s1 =	sshll.u32 s1, $0x11  }
0xbb: {  	s0 =	sor.u32 s1, s0  }
0xbc: {  	s0 =	sadd.s32 $0x8F2B, s0  }
0xbd: {  	[sflag:s0] =	ssyncadd.remote.s32 $0x1  }
0xbe: {  	_ =	sfence.sel $0xFFFF  }
0xbf: {  	[dreg:$0x0] =	wrdreg $0xFFFFFFFF;
	(pc) =	sbr.abs _section_cstart, $3  }
0xc0: {  	[dreg:$0x1] =	wrdreg $0xFFFFFFFF  }
0xc1: {  	_ =	task.clear_ibuf [dreg:s7], $0x2FFFF;
	_ =	strace $0x9FFFFFFF  }
0xc2: {  	(tm) =	ssettm $0x7FFFFFFF  }
0xc3: {  	_ =	shalt  }
tec
execute0_lowered:
.L_overlay_start_1:
0x0: {  	(tag) =	ssettag $0x1  }
0x1: {  	s1 =	rddreg [dreg:$0x0]  }
0x2: {  	s2 =	srdreg.scid;
	s0 =	stileid.u32  }
0x3: {  	s4 =	rddreg [dreg:$0x1];
	s16 =	simm.s32 $0x10080;
	s18 =	simm.s32 $0xC000  }
0x4: {  	s20 =	simm.s32 $0x800;
	s3 =	sand.u32 $0x1, s2;
	s2 =	simm.s32 $0x0  }
0x5: {  	s21 =	simm.s32 $0xC00;
	s10 =	sadd.s32 $0x13800, s4;
	[smem:$0x7FF] =	sst s2  }
0x6: {  	s22 =	simm.s32 $0x1400;
	_ =	strace $0x8000004A;
	[dreg:$0x3] =	wrdreg s10  }
0x7: {  	s23 =	simm.s32 $0x1800;
	s24 =	simm.s32 $0x2000;
	[dreg:$0x6] =	wrdreg s16  }
0x8: {  	s25 =	simm.s32 $0x2400;
	s26 =	simm.s32 $0x2C00;
	[dreg:$0x7] =	wrdreg s18  }
0x9: {  	s28 =	simm.s32 $0xA800;
	s29 =	simm.s32 $0xB000;
	[dreg:$0x9] =	wrdreg s20  }
0xa: {  	s30 =	simm.s32 $0xB400;
	s31 =	simm.s32 $0xBC00;
	[dreg:$0xa] =	wrdreg s21  }
0xb: {  	s5 =	sshll.u32 s0, $0x1;
	s12 =	sshll.u32 s0, $0x8;
	[dreg:$0xb] =	wrdreg s22  }
0xc: {  	s5 =	sor.u32 s3, s5;
	s7 =	ssub.s32 $0x2, s3;
	[dreg:$0xc] =	wrdreg s23  }
0xd: {  	s3 =	sadd.s32 $0x13A00, s4;
	s14 =	sand.u32 $0xE00, s12;
	[dreg:$0xd] =	wrdreg s24  }
0xe: {  	s6 =	sshll.u32 s5, $0xB;
	s8 =	sshrl.u32 s7, $0x1;
	[dreg:$0xe] =	wrdreg s25  }
0xf: {  	s9 =	smul.u32 $0x1800, s5;
	s11 =	sshll.u32 s5, $0x7;
	[dreg:$0xf] =	wrdreg s26  }
0x10: {  	s16 =	simm.s32 $0x6800;
	s18 =	simm.s32 $0x7400;
	s20 =	simm.s32 $0x8000  }
0x11: {  	v11 =	vlaneseq.u32;
	s21 =	simm.s32 $0x8400;
	s22 =	simm.s32 $0x8C00;
	s23 =	simm.s32 $0x9000  }
0x12: {  	vm0 =	vmmov $0x1;
	v63 =	vimm.s32 $0x0;
	v0 =	vmov s5;
	s24 =	simm.s32 $0x9800;
	s25 =	simm.s32 $0x9C00;
	s15 =	ssub.s32 s11, s14  }
0x13: {  	vm1 =	vmmov $0x3;
	s26 =	simm.s32 $0xA400;
	s6 =	sadd.s32 s6, s4;
	s7 =	ssub.s32 s7, s8;
	v0 =	vor.u32 $0x1000, v0;
	v55 =	vor.u32 s15, v11  }
0x14: {  	vm2 =	vmmov $0x7;
	s4 =	sadd.s32 $0x13B00, s4;
	s8 =	simm.s32 $0x3800;
	s17 =	sor.u32 $0x10, s15;
	v42 =	vbroadcast v0, $0x0;
	v0 =	vsel vm0, $0xFFFFFFFF, v63;
	[tilespmem:$0x1FF70] =	vst v55  }
0x15: {  	vm3 =	vmmov $0xf;
	vm4 =	vmmov $0x1f;
	s1 =	sadd.s32 s1, s9;
	s13 =	sadd.s32 $0x54400, s6;
	s10 =	sor.u32 $0x20, s15;
	v56 =	vor.u32 s17, v11;
	[tilespmem:$0x1FFF0] =	vst v0  }
0x16: {  	vm5 =	vmmov $0x3f;
	vm6 =	vmmov $0x7f;
	s6 =	sshrl.u32 s14, $0x2;
	s19 =	sor.u32 $0x30, s15;
	s11 =	sor.u32 $0x40, s15;
	v57 =	vor.u32 s10, v11;
	[tilespmem:$0x1FF80] =	vst v56  }
0x17: {  	vm7 =	vmmov $0xff;
	vm8 =	vmmov $0x1ff;
	s12 =	sor.u32 $0x50, s15;
	s14 =	sor.u32 $0x70, s15;
	[dreg:$0x4] =	wrdreg s1;
	v58 =	vor.u32 s19, v11;
	[tilespmem:$0x1FF90] =	vst v57  }
0x18: {  	vm9 =	vmmov $0x3ff;
	vm10 =	vmmov $0x7ff;
	s5 =	smax.u32 s7, $0x1;
	s9 =	simm.s32 $0x3C00;
	[dreg:$0x5] =	wrdreg s13;
	v59 =	vor.u32 s11, v11;
	[tilespmem:$0x1FFA0] =	vst v58  }
0x19: {  	vm11 =	vmmov $0xfff;
	vm12 =	vmmov $0x1fff;
	[dreg:$0x8] =	wrdreg s6;
	s13 =	sor.u32 $0x60, s15;
	s6 =	simm.s32 $0x2;
	v60 =	vor.u32 s12, v11;
	[tilespmem:$0x1FFB0] =	vst v59  }
0x1a: {  	vm13 =	vmmov $0x3fff;
	vm14 =	vmmov $0x7fff;
	s10 =	simm.s32 $0x4400;
	v62 =	vor.u32 s14, v11;
	s11 =	simm.s32 $0x4800;
	s12 =	simm.s32 $0x5000;
	[tilespmem:$0x1FFC0] =	vst v60  }
0x1b: {  	vm15 =	vmmov $0xffff;
	v10 =	vshrl.u32 v11, $0x3;
	s14 =	simm.s32 $0x5C00;
	s15 =	simm.s32 $0x6000;
	s17 =	simm.s32 $0x6C00;
	v61 =	vor.u32 s13, v11;
	[tilespmem:$0x1FFE0] =	vst v62  }
0x1c: {  	v9 =	vand.u32 $0x7, v11;
	v10 =	vmul.u32 $0x8, v10;
	s19 =	simm.s32 $0x7800;
	s1 =	simm.s32 $0x1;
	s13 =	simm.s32 $0x5400;
	v11 =	vor.u32 $0x8, v11;
	[tilespmem:$0x1FFD0] =	vst v61  }
.LBB2_1:
0x1d: {  	s0 =	rddreg [dreg:$0x3]  }
0x1e: {  	s7 =	rddreg [dreg:$0x6]  }
0x1f: {  	[tilespmem:s7], [sflag:$0x2] =	stream.linear.gather [hbm4b:s0+s2], $0x800, $0x38;
	[tilespmem:$0x10880] =	vst v63  }
0x20: {  	_ =	swait.ge [sflag:s6], $0x800  }
0x21: {  	[sflag:s6] =	ssyncset.done $0x0  }
0x22: {  	s7 =	rddreg [dreg:$0x4];
	[sflag:s6] =	ssyncadd.s32 $0xFFFFF800  }
0x23: {  	[tilespmem:s2], [sflag:$0x2] =	stream.linear.gather [hbm4b:s7+s2], $0xC000, $0x38;
	[tilespmem:$0x10880] =	vst v63  }
0x24: {  	_ =	swait.ge [sflag:s6], $0xC000  }
0x25: {  	s0 =	rddreg [dreg:$0x5];
	[sflag:s6] =	ssyncset.done $0x0  }
0x26: {  	s7 =	rddreg [dreg:$0x7];
	[sflag:s6] =	ssyncadd.s32 $0xFFFF4000  }
0x27: {  	[tilespmem:s7], [sflag:$0x2] =	stream.linear.gather [hbm4b:s0+s2], $0x4000, $0x38;
	[tilespmem:$0x10880] =	vst v63  }
0x28: {  	_ =	swait.ge [sflag:s6], $0x4000  }
0x29: {  	[sflag:s6] =	ssyncset.done $0x0  }
0x2a: {  	s7 =	rddreg [dreg:$0x8];
	[sflag:s6] =	ssyncadd.s32 $0xFFFFC000  }
0x2b: {  	v0 =	vld [tilespmem:s7+$0x10080]  }
0x2c: {  	v13 =	vld [tilespmem:$0xC000]  }
0x2d: {  	v14 =	vld [tilespmem:$0xC080]  }
0x2e: {  	v15 =	vld [tilespmem:$0xC100]  }
0x2f: {  	v16 =	vld [tilespmem:$0xC180]  }
0x30: {  	v17 =	vld [tilespmem:$0xC200]  }
0x31: {  	v18 =	vld [tilespmem:$0xC280]  }
0x32: {  	v19 =	vld [tilespmem:$0xC300]  }
0x33: {  	v20 =	vld [tilespmem:$0xC380]  }
0x34: {  	v21 =	vld [tilespmem:$0xC400]  }
0x35: {  	v22 =	vld [tilespmem:$0xC480]  }
0x36: {  	v23 =	vld [tilespmem:$0xC500]  }
0x37: {  	v24 =	vld [tilespmem:$0xC580]  }
0x38: {  	v25 =	vld [tilespmem:$0xC600]  }
0x39: {  	v26 =	vld [tilespmem:$0xC680]  }
0x3a: {  	v7 =	vld [tilespmem:$0xC700]  }
0x3b: {  	v12 =	vld [tilespmem:$0xC780]  }
0x3c: {  	v29 =	vld [tilespmem:$0xC800]  }
0x3d: {  	v30 =	vld [tilespmem:$0xC880]  }
0x3e: {  	v31 =	vld [tilespmem:$0xC900]  }
0x3f: {  	v32 =	vld [tilespmem:$0xC980]  }
0x40: {  	v33 =	vld [tilespmem:$0xCA00]  }
0x41: {  	v34 =	vld [tilespmem:$0xCA80]  }
0x42: {  	v35 =	vld [tilespmem:$0xCB00]  }
0x43: {  	v36 =	vld [tilespmem:$0xCB80]  }
0x44: {  	v37 =	vld [tilespmem:$0xCC00]  }
0x45: {  	v38 =	vld [tilespmem:$0xCC80]  }
0x46: {  	v39 =	vld [tilespmem:$0xCD00]  }
0x47: {  	v40 =	vld [tilespmem:$0xCD80]  }
0x48: {  	v41 =	vld [tilespmem:$0xCE00]  }
0x49: {  	v27 =	vld [tilespmem:$0xCE80]  }
0x4a: {  	v28 =	vld [tilespmem:$0xCF00]  }
0x4b: {  	v43 =	vld [tilespmem:$0xCF80]  }
0x4c: {  	v45 =	vld [tilespmem:$0xD000]  }
0x4d: {  	v46 =	vld [tilespmem:$0xD080]  }
0x4e: {  	v47 =	vld [tilespmem:$0xD100]  }
0x4f: {  	v48 =	vld [tilespmem:$0xD180]  }
0x50: {  	v49 =	vld [tilespmem:$0xD200]  }
0x51: {  	v50 =	vld [tilespmem:$0xD280]  }
0x52: {  	v51 =	vld [tilespmem:$0xD300]  }
0x53: {  	v52 =	vld [tilespmem:$0xD380]  }
0x54: {  	v53 =	vld [tilespmem:$0xD400]  }
0x55: {  	v54 =	vld [tilespmem:$0xD480]  }
0x56: {  	v55 =	vld [tilespmem:$0xD500]  }
0x57: {  	v56 =	vld [tilespmem:$0xD580]  }
0x58: {  	v44 =	vld [tilespmem:$0xD600]  }
0x59: {  	v57 =	vld [tilespmem:$0xD680]  }
0x5a: {  	v58 =	vld [tilespmem:$0xD700]  }
0x5b: {  	v59 =	vld [tilespmem:$0xD780]  }
0x5c: {  	v61 =	vld [tilespmem:$0xD800]  }
0x5d: {  	v62 =	vld [tilespmem:$0xD880]  }
0x5e: {  	[tilespmem:$0x1FE60] =	vst v57;
	v57 =	vld [tilespmem:$0xE500]  }
0x5f: {  	v63 =	vld [tilespmem:$0xD900]  }
0x60: {  	v1 =	vld [tilespmem:$0xD980]  }
0x61: {  	v2 =	vld [tilespmem:$0xDA00]  }
0x62: {  	v3 =	vld [tilespmem:$0xDA80]  }
0x63: {  	[tilespmem:$0x1FF00] =	vst v57;
	v57 =	vld [tilespmem:$0xE580]  }
0x64: {  	v4 =	vld [tilespmem:$0xDB00]  }
0x65: {  	v5 =	vld [tilespmem:$0xDB80]  }
0x66: {  	v60 =	vld [tilespmem:$0xDD00]  }
0x67: {  	v6 =	vld [tilespmem:$0xDD80]  }
0x68: {  	[tilespmem:$0x1FF10] =	vst v57;
	v57 =	vld [tilespmem:$0xE600]  }
0x69: {  	v8 =	vld [tilespmem:$0xE380];
	[tilespmem:$0x1FF60] =	vst v0  }
0x6a: {  	[tilespmem:$0x1FE00] =	vst v7;
	v7 =	vld [tilespmem:$0xDC00]  }
0x6b: {  	[tilespmem:$0x1FE20] =	vst v27;
	v27 =	vld [tilespmem:$0xDC80]  }
0x6c: {  	[tilespmem:$0x1FE10] =	vst v12;
	v12 =	vld [tilespmem:$0xDE00]  }
0x6d: {  	[tilespmem:$0x1FF20] =	vst v57;
	v57 =	vld [tilespmem:$0xE680]  }
0x6e: {  	[tilespmem:$0x1FE30] =	vst v28;
	v28 =	vld [tilespmem:$0xDE80]  }
0x6f: {  	[tilespmem:$0x1FE40] =	vst v43;
	v43 =	vld [tilespmem:$0xDF00]  }
0x70: {  	[tilespmem:$0x1FE50] =	vst v44;
	v44 =	vld [tilespmem:$0xDF80]  }
0x71: {  	[tilespmem:$0x1FE70] =	vst v58;
	v0 =	vld [tilespmem:$0xE000]  }
0x72: {  	[tilespmem:$0x1FF30] =	vst v57;
	v57 =	vld [tilespmem:$0xE700]  }
0x73: {  	[tilespmem:$0x1FE90] =	vst v60;
	v60 =	vld [tilespmem:$0xE080]  }
0x74: {  	[tilespmem:$0x1FE80] =	vst v59;
	v59 =	vld [tilespmem:$0xE100]  }
0x75: {  	[tilespmem:$0x1FEA0] =	vst v6;
	v58 =	vld [tilespmem:$0xE200]  }
0x76: {  	[tilespmem:$0x1FEB0] =	vst v12;
	v12 =	vld [tilespmem:$0xE480]  }
0x77: {  	[tilespmem:$0x1FF40] =	vst v57;
	v57 =	vld [tilespmem:$0xE780]  }
0x78: {  	v6 =	vld [tilespmem:$0xE300];
	[tilespmem:$0x1FEC0] =	vst v28  }
0x79: {  	[tilespmem:$0x1FEF0] =	vst v44;
	v44 =	vld [tilespmem:$0xE180]  }
0x7a: {  	[tilespmem:$0x1FED0] =	vst v43;
	v43 =	vld [tilespmem:$0xE280]  }
0x7b: {  	v28 =	vld [tilespmem:$0xE400];
	[tilespmem:$0x1FEE0] =	vst v12  }
0x7c: {  	v12 =	vld [tilespmem:$0xE800];
	[tilespmem:$0x1FF50] =	vst v57  }
0x7d: {  	v57 =	vld [tilespmem:$0xE880];
	[tilespmem:$0x1FDF0] =	vst v0  }
0x7e: {  	v0 =	vld [tilespmem:$0x1FFF0];
	_ =	sdelay $0x4  }
0x7f: {  	vm0 =	vnez.u8 v0;
	v0 =	vld [tilespmem:$0x1FDF0]  }
0x80: {  	v13 =	vsel vm0, v13, v14;
	v14 =	vld [tilespmem:$0xE900]  }
0x81: {  	v46 =	vsel vm0, v45, v46;
	v45 =	vld [tilespmem:$0x1FEC0]  }
0x82: {  	v13 =	vsel vm1, v13, v15;
	v15 =	vld [tilespmem:$0xE980]  }
0x83: {  	v13 =	vsel vm2, v13, v16;
	v16 =	vld [tilespmem:$0xEA00]  }
0x84: {  	v13 =	vsel vm3, v13, v17;
	v17 =	vld [tilespmem:$0xEA80]  }
0x85: {  	v13 =	vsel vm4, v13, v18;
	v18 =	vld [tilespmem:$0xEB00]  }
0x86: {  	v0 =	vsel vm0, v0, v60;
	v60 =	vld [tilespmem:$0x1FE60]  }
0x87: {  	v13 =	vsel vm5, v13, v19;
	v19 =	vsel vm0, v29, v30;
	v29 =	vld [tilespmem:$0xEB80]  }
0x88: {  	v30 =	vld [tilespmem:$0xEE00]  }
0x89: {  	v0 =	vsel vm1, v0, v59;
	v59 =	vld [tilespmem:$0xF980]  }
0x8a: {  	v13 =	vsel vm6, v13, v20;
	v20 =	vld [tilespmem:$0xEC00]  }
0x8b: {  	v19 =	vsel vm1, v19, v31;
	v31 =	vld [tilespmem:$0xEF80]  }
0x8c: {  	v0 =	vsel vm2, v0, v44;
	v44 =	vld [tilespmem:$0x1FEB0]  }
0x8d: {  	v13 =	vsel vm7, v13, v21;
	v21 =	vld [tilespmem:$0xEC80]  }
0x8e: {  	v19 =	vsel vm2, v19, v32;
	v32 =	vld [tilespmem:$0xF000]  }
0x8f: {  	v0 =	vsel vm3, v0, v58;
	v58 =	vld [tilespmem:$0x1FF30]  }
0x90: {  	v13 =	vsel vm8, v13, v22;
	v22 =	vld [tilespmem:$0xED00]  }
0x91: {  	v0 =	vsel vm4, v0, v43;
	v43 =	vld [tilespmem:$0xF580]  }
0x92: {  	v19 =	vsel vm3, v19, v33;
	v13 =	vsel vm9, v13, v23;
	v23 =	vld [tilespmem:$0xED80]  }
0x93: {  	v19 =	vsel vm4, v19, v34;
	v34 =	vld [tilespmem:$0xF080]  }
0x94: {  	v0 =	vsel vm5, v0, v6;
	v19 =	vsel vm5, v19, v35;
	v35 =	vld [tilespmem:$0xF100]  }
0x95: {  	v0 =	vsel vm6, v0, v8;
	v8 =	vld [tilespmem:$0xF600]  }
0x96: {  	v13 =	vsel vm10, v13, v24;
	v24 =	vsel vm1, v46, v47;
	v46 =	vld [tilespmem:$0xF680]  }
0x97: {  	v47 =	vld [tilespmem:$0x1FED0]  }
0x98: {  	v13 =	vsel vm11, v13, v25;
	v25 =	vld [tilespmem:$0xEE80]  }
0x99: {  	v24 =	vsel vm2, v24, v48;
	v48 =	vld [tilespmem:$0x1FE00]  }
0x9a: {  	v19 =	vsel vm6, v19, v36;
	v36 =	vld [tilespmem:$0xF500]  }
0x9b: {  	v0 =	vsel vm7, v0, v28;
	v28 =	vld [tilespmem:$0xFC80]  }
0x9c: {  	v13 =	vsel vm12, v13, v26;
	v26 =	vld [tilespmem:$0xEF00]  }
0x9d: {  	v24 =	vsel vm3, v24, v49;
	v49 =	vld [tilespmem:$0x1FE10]  }
0x9e: {  	v19 =	vsel vm7, v19, v37;
	v37 =	vld [tilespmem:$0xFF00]  }
0x9f: {  	v24 =	vsel vm4, v24, v50;
	v50 =	vld [tilespmem:$0x1FEF0]  }
0xa0: {  	v24 =	vsel vm5, v24, v51;
	v51 =	vsel vm0, v61, v62;
	v61 =	vld [tilespmem:$0x1FE70]  }
0xa1: {  	v62 =	vld [tilespmem:$0x1FE80]  }
0xa2: {  	v19 =	vsel vm8, v19, v38;
	v24 =	vsel vm6, v24, v52;
	v52 =	vld [tilespmem:$0x1FE20]  }
0xa3: {  	v19 =	vsel vm9, v19, v39;
	v33 =	vsel vm1, v51, v63;
	v63 =	vld [tilespmem:$0x1FE90]  }
0xa4: {  	v19 =	vsel vm10, v19, v40;
	v40 =	vld [tilespmem:$0x1FEA0]  }
0xa5: {  	v51 =	vld [tilespmem:$0x1FF00]  }
0xa6: {  	v1 =	vsel vm2, v33, v1;
	v33 =	vld [tilespmem:$0xF180]  }
0xa7: {  	v24 =	vsel vm7, v24, v53;
	v53 =	vld [tilespmem:$0x1FE30]  }
0xa8: {  	v13 =	vsel vm13, v13, v48;
	v48 =	vld [tilespmem:$0x1FEE0]  }
0xa9: {  	v19 =	vsel vm11, v19, v41;
	v41 =	vsel vm0, v12, v57;
	v57 =	vld [tilespmem:$0xF900]  }
0xaa: {  	v1 =	vsel vm3, v1, v2;
	v2 =	vld [tilespmem:$0xF200]  }
0xab: {  	v24 =	vsel vm8, v24, v54;
	v54 =	vld [tilespmem:$0x1FE40]  }
0xac: {  	v13 =	vsel vm14, v13, v49;
	v49 =	vld [tilespmem:$0xF700]  }
0xad: {  	v6 =	vsel vm1, v41, v14;
	v41 =	vld [tilespmem:$0xFF80]  }
0xae: {  	v1 =	vsel vm4, v1, v3;
	v3 =	vld [tilespmem:$0xF280]  }
0xaf: {  	v24 =	vsel vm9, v24, v55;
	v55 =	vld [tilespmem:$0xF880]  }
0xb0: {  	v1 =	vsel vm5, v1, v4;
	v4 =	vld [tilespmem:$0xF300]  }
0xb1: {  	v24 =	vsel vm10, v24, v56;
	v56 =	vld [tilespmem:$0x1FE50]  }
0xb2: {  	v1 =	vsel vm6, v1, v5;
	v5 =	vld [tilespmem:$0xF380]  }
0xb3: {  	v6 =	vsel vm2, v6, v15;
	v19 =	vsel vm12, v19, v52;
	v52 =	vld [tilespmem:$0xF800]  }
0xb4: {  	v6 =	vsel vm3, v6, v16;
	v1 =	vsel vm7, v1, v7;
	v7 =	vld [tilespmem:$0xF400]  }
0xb5: {  	v6 =	vsel vm4, v6, v17;
	v19 =	vsel vm13, v19, v53;
	v53 =	vld [tilespmem:$0x1FF10]  }
0xb6: {  	v6 =	vsel vm5, v6, v18;
	v1 =	vsel vm8, v1, v27;
	v27 =	vld [tilespmem:$0xF480]  }
0xb7: {  	v0 =	vsel vm8, v0, v48;
	v19 =	vsel vm14, v19, v54;
	v6 =	vsel vm6, v6, v29;
	v29 =	vld [tilespmem:$0xFD00]  }
0xb8: {  	v0 =	vsel vm9, v0, v51;
	v54 =	vsel vm0, v32, v34;
	v32 =	vld [tilespmem:$0xFD80];
	v1 =	vsel vm9, v1, v63  }
0xb9: {  	v17 =	vsel vm1, v54, v35;
	v6 =	vsel vm7, v6, v20;
	v63 =	vld [tilespmem:$0xFA80];
	v24 =	vsel vm11, v24, v56  }
0xba: {  	v1 =	vsel vm10, v1, v40;
	v56 =	vld [tilespmem:$0x1FF20];
	v17 =	vsel vm2, v17, v33;
	v6 =	vsel vm8, v6, v21  }
0xbb: {  	v33 =	vld [tilespmem:$0x1FF70];
	v24 =	vsel vm12, v24, v60;
	v1 =	vsel vm11, v1, v44;
	v2 =	vsel vm3, v17, v2  }
0xbc: {  	v60 =	vld [tilespmem:$0x1FF40];
	v6 =	vsel vm9, v6, v22;
	v21 =	vsel vm0, v52, v55;
	v24 =	vsel vm13, v24, v61  }
0xbd: {  	v22 =	vld [tilespmem:$0xFB00];
	v1 =	vsel vm12, v1, v45;
	v0 =	vsel vm10, v0, v53;
	v2 =	vsel vm4, v2, v3  }
0xbe: {  	v61 =	vld [tilespmem:$0xFA00];
	v6 =	vsel vm10, v6, v23;
	v24 =	vsel vm14, v24, v62;
	v1 =	vsel vm13, v1, v47  }
0xbf: {  	v62 =	vld [tilespmem:$0x1FF50];
	v2 =	vsel vm5, v2, v4;
	v6 =	vsel vm11, v6, v30;
	v4 =	vsel vm1, v21, v57  }
0xc0: {  	v30 =	vld [tilespmem:$0x1FF60];
	v1 =	vsel vm14, v1, v50;
	v2 =	vsel vm6, v2, v5;
	v6 =	vsel vm12, v6, v25  }
0xc1: {  	v23 =	vld [tilespmem:$0xFB80];
	v4 =	vsel vm2, v4, v59;
	v0 =	vsel vm11, v0, v56;
	v2 =	vsel vm7, v2, v7  }
0xc2: {  	v25 =	vld [tilespmem:$0xFC00];
	v6 =	vsel vm13, v6, v26;
	v0 =	vsel vm12, v0, v58;
	v2 =	vsel vm8, v2, v27  }
0xc3: {  	v35 =	vld [tilespmem:$0x1FF80];
	v6 =	vsel vm14, v6, v31;
	v0 =	vsel vm13, v0, v60;
	v4 =	vsel vm3, v4, v61  }
0xc4: {  	v34 =	vld [tilespmem:$0xFE00];
	v2 =	vsel vm9, v2, v36;
	v0 =	vsel vm14, v0, v62;
	v3 =	vsel vm4, v4, v63  }
0xc5: {  	v40 =	vld [tilespmem:$0x1FF90];
	v2 =	vsel vm10, v2, v43;
	vm0 =	vlt.s32 v30, $0x200;
	v3 =	vsel vm5, v3, v22  }
0xc6: {  	v31 =	vld [tilespmem:$0xF780];
	v2 =	vsel vm11, v2, v8;
	v8 =	vnsel vm0, $0x200, v30;
	v3 =	vsel vm6, v3, v23  }
0xc7: {  	v36 =	vld [tilespmem:$0xFE80];
	v2 =	vsel vm12, v2, v46;
	vm0 =	vlt.s32 v33, v8;
	v3 =	vsel vm7, v3, v25  }
0xc8: {  	v46 =	vld [tilespmem:$0x1FFA0];
	v13 =	vsel vm0, v13, v42;
	vm0 =	vlt.s32 v35, v8;
	v2 =	vsel vm13, v2, v49  }
0xc9: {  	v48 =	vld [tilespmem:$0x1FFB0];
	v3 =	vsel vm8, v3, v28;
	v38 =	vshrl.u32 v13, $0x3;
	v39 =	vsel vm0, v19, v42  }
0xca: {  	v49 =	vld [tilespmem:$0x1FFC0];
	vm0 =	vlt.s32 v40, v8;
	v3 =	vsel vm9, v3, v29;
	v15 =	vmul.u32 $0x18, v38  }
0xcb: {  	v53 =	vld [tilespmem:$0x1FFD0];
	v2 =	vsel vm14, v2, v31;
	v43 =	vand.u32 $0x7, v13;
	v3 =	vsel vm10, v3, v32  }
0xcc: {  	v54 =	vld [tilespmem:$0x1FFE0];
	[tilespmem:$0x10000] =	vst v13;
	v45 =	vsel vm0, v24, v42;
	v3 =	vsel vm11, v3, v34;
	v44 =	vor.u32 v43, v15  }
0xcd: {  	[tilespmem:$0x10010] =	vst v39;
	vm0 =	vlt.s32 v46, v8;
	v3 =	vsel vm12, v3, v36;
	v47 =	vperm.xlane v44, v9  }
0xce: {  	[tilespmem:$0x10020] =	vst v45;
	v1 =	vsel vm0, v1, v42;
	vm0 =	vlt.s32 v48, v8;
	v55 =	vperm.xlane v44, v11  }
0xcf: {  	[tilespmem:$0x10030] =	vst v1;
	v0 =	vsel vm0, v0, v42;
	vm0 =	vlt.s32 v49, v8;
	v50 =	vadd.s32 v10, v47  }
0xd0: {  	v3 =	vsel vm13, v3, v37;
	[tilespmem:$0x10040] =	vst v0;
	v52 =	vsel vm0, v6, v42;
	vm0 =	vlt.s32 v53, v8  }
0xd1: {  	v51 =	vsel vm14, v3, v41;
	[tilespmem:$0x10050] =	vst v52;
	v2 =	vsel vm0, v2, v42;
	vm0 =	vlt.s32 v54, v8  }
0xd2: {  	v0 =	vsel vm0, v51, v42;
	[tilespmem:$0x10060] =	vst v2  }
0xd3: {  	v56 =	vadd.s32 v10, v55;
	[tilespmem:$0x10070] =	vst v0  }
0xd4: {  	[hbm4b:s3+s2] =	stream.indirect_vreg.scatter [tilespmem:s2], [sflag:$0x1], $0x80, v50, vm15, $0xb8;
	[tilespmem:$0x10880] =	vst v63  }
0xd5: {  	s0 =	rddreg [dreg:$0x9]  }
0xd6: {  	[hbm4b:s4+s2] =	stream.indirect_vreg.scatter [tilespmem:s0], [sflag:$0x1], $0x80, v50, vm7, $0xb8;
	[tilespmem:$0x10880] =	vst v63  }
0xd7: {  	s7 =	rddreg [dreg:$0xa]  }
0xd8: {  	[hbm4b:s3+s2] =	stream.indirect_vreg.scatter [tilespmem:s7], [sflag:$0x1], $0x80, v56, vm15, $0xb8;
	[tilespmem:$0x10880] =	vst v63  }
0xd9: {  	s0 =	rddreg [dreg:$0xb]  }
0xda: {  	[hbm4b:s4+s2] =	stream.indirect_vreg.scatter [tilespmem:s0], [sflag:$0x1], $0x80, v56, vm7, $0xb8;
	[tilespmem:$0x10880] =	vst v63  }
0xdb: {  	v0 =	vld [tilespmem:$0x10010];
	_ =	sdelay $0x4  }
0xdc: {  	v57 =	vshrl.u32 v0, $0x3  }
0xdd: {  	v1 =	vmul.u32 $0x18, v57  }
0xde: {  	v0 =	vand.u32 $0x7, v0  }
0xdf: {  	v0 =	vor.u32 v0, v1  }
0xe0: {  	v1 =	vperm.xlane v0, v9;
	_ =	sdelay $0x1  }
0xe1: {  	v1 =	vadd.s32 v10, v1;
	_ =	sdelay $0x1  }
0xe2: {  	v0 =	vperm.xlane v0, v11;
	_ =	sdelay $0x1  }
0xe3: {  	s0 =	rddreg [dreg:$0xc];
	v0 =	vadd.s32 v10, v0  }
0xe4: {  	[hbm4b:s3+s2] =	stream.indirect_vreg.scatter [tilespmem:s0], [sflag:$0x1], $0x80, v1, vm15, $0xb8;
	[tilespmem:$0x10880] =	vst v63  }
0xe5: {  	s7 =	rddreg [dreg:$0xd]  }
0xe6: {  	[hbm4b:s4+s2] =	stream.indirect_vreg.scatter [tilespmem:s7], [sflag:$0x1], $0x80, v1, vm7, $0xb8;
	[tilespmem:$0x10880] =	vst v63  }
0xe7: {  	s0 =	rddreg [dreg:$0xe]  }
0xe8: {  	[hbm4b:s3+s2] =	stream.indirect_vreg.scatter [tilespmem:s0], [sflag:$0x1], $0x80, v0, vm15, $0xb8;
	[tilespmem:$0x10880] =	vst v63  }
0xe9: {  	s7 =	rddreg [dreg:$0xf]  }
0xea: {  	[hbm4b:s4+s2] =	stream.indirect_vreg.scatter [tilespmem:s7], [sflag:$0x1], $0x80, v0, vm7, $0xb8;
	[tilespmem:$0x10880] =	vst v63  }
0xeb: {  	v0 =	vld [tilespmem:$0x10020];
	_ =	sdelay $0x4  }
0xec: {  	v58 =	vshrl.u32 v0, $0x3  }
0xed: {  	v1 =	vmul.u32 $0x18, v58  }
0xee: {  	v0 =	vand.u32 $0x7, v0  }
0xef: {  	v0 =	vor.u32 v0, v1  }
0xf0: {  	v1 =	vperm.xlane v0, v9;
	_ =	sdelay $0x1  }
0xf1: {  	v1 =	vadd.s32 v10, v1;
	_ =	sdelay $0x1  }
0xf2: {  	v0 =	vperm.xlane v0, v11;
	_ =	sdelay $0x1  }
0xf3: {  	s7 =	simm.s32 $0x3000;
	v0 =	vadd.s32 v10, v0  }
0xf4: {  	[hbm4b:s3+s2] =	stream.indirect_vreg.scatter [tilespmem:s7], [sflag:$0x1], $0x80, v1, vm15, $0xb8;
	[tilespmem:$0x10880] =	vst v63  }
0xf5: {  	_ = 	snop  }
0xf6: {  	[hbm4b:s4+s2] =	stream.indirect_vreg.scatter [tilespmem:s8], [sflag:$0x1], $0x80, v1, vm7, $0xb8;
	[tilespmem:$0x10880] =	vst v63  }
0xf7: {  	_ = 	snop  }
0xf8: {  	[hbm4b:s3+s2] =	stream.indirect_vreg.scatter [tilespmem:s9], [sflag:$0x1], $0x80, v0, vm15, $0xb8;
	[tilespmem:$0x10880] =	vst v63  }
0xf9: {  	_ = 	snop  }
0xfa: {  	[hbm4b:s4+s2] =	stream.indirect_vreg.scatter [tilespmem:s10], [sflag:$0x1], $0x80, v0, vm7, $0xb8;
	[tilespmem:$0x10880] =	vst v63  }
0xfb: {  	v0 =	vld [tilespmem:$0x10030];
	_ =	sdelay $0x4  }
0xfc: {  	v59 =	vshrl.u32 v0, $0x3  }
0xfd: {  	v1 =	vmul.u32 $0x18, v59  }
0xfe: {  	v0 =	vand.u32 $0x7, v0  }
0xff: {  	v0 =	vor.u32 v0, v1  }
0x100: {  	v1 =	vperm.xlane v0, v9;
	_ =	sdelay $0x1  }
0x101: {  	v1 =	vadd.s32 v10, v1;
	_ =	sdelay $0x1  }
0x102: {  	v0 =	vperm.xlane v0, v11;
	_ =	sdelay $0x1  }
0x103: {  	v0 =	vadd.s32 v10, v0  }
0x104: {  	[hbm4b:s3+s2] =	stream.indirect_vreg.scatter [tilespmem:s11], [sflag:$0x1], $0x80, v1, vm15, $0xb8;
	[tilespmem:$0x10880] =	vst v63  }
0x105: {  	_ = 	snop  }
0x106: {  	[hbm4b:s4+s2] =	stream.indirect_vreg.scatter [tilespmem:s12], [sflag:$0x1], $0x80, v1, vm7, $0xb8;
	[tilespmem:$0x10880] =	vst v63  }
0x107: {  	_ = 	snop  }
0x108: {  	[hbm4b:s3+s2] =	stream.indirect_vreg.scatter [tilespmem:s13], [sflag:$0x1], $0x80, v0, vm15, $0xb8;
	[tilespmem:$0x10880] =	vst v63  }
0x109: {  	_ = 	snop  }
0x10a: {  	[hbm4b:s4+s2] =	stream.indirect_vreg.scatter [tilespmem:s14], [sflag:$0x1], $0x80, v0, vm7, $0xb8;
	[tilespmem:$0x10880] =	vst v63  }
0x10b: {  	v0 =	vld [tilespmem:$0x10040];
	_ =	sdelay $0x4  }
0x10c: {  	v60 =	vshrl.u32 v0, $0x3  }
0x10d: {  	v1 =	vmul.u32 $0x18, v60  }
0x10e: {  	v0 =	vand.u32 $0x7, v0  }
0x10f: {  	v0 =	vor.u32 v0, v1  }
0x110: {  	v1 =	vperm.xlane v0, v9;
	_ =	sdelay $0x1  }
0x111: {  	v1 =	vadd.s32 v10, v1;
	_ =	sdelay $0x1  }
0x112: {  	v0 =	vperm.xlane v0, v11;
	_ =	sdelay $0x1  }
0x113: {  	v0 =	vadd.s32 v10, v0  }
0x114: {  	[hbm4b:s3+s2] =	stream.indirect_vreg.scatter [tilespmem:s15], [sflag:$0x1], $0x80, v1, vm15, $0xb8;
	[tilespmem:$0x10880] =	vst v63  }
0x115: {  	_ = 	snop  }
0x116: {  	[hbm4b:s4+s2] =	stream.indirect_vreg.scatter [tilespmem:s16], [sflag:$0x1], $0x80, v1, vm7, $0xb8;
	[tilespmem:$0x10880] =	vst v63  }
0x117: {  	_ = 	snop  }
0x118: {  	[hbm4b:s3+s2] =	stream.indirect_vreg.scatter [tilespmem:s17], [sflag:$0x1], $0x80, v0, vm15, $0xb8;
	[tilespmem:$0x10880] =	vst v63  }
0x119: {  	_ = 	snop  }
0x11a: {  	[hbm4b:s4+s2] =	stream.indirect_vreg.scatter [tilespmem:s18], [sflag:$0x1], $0x80, v0, vm7, $0xb8;
	[tilespmem:$0x10880] =	vst v63  }
0x11b: {  	v0 =	vld [tilespmem:$0x10050];
	_ =	sdelay $0x4  }
0x11c: {  	v61 =	vshrl.u32 v0, $0x3  }
0x11d: {  	v1 =	vmul.u32 $0x18, v61  }
0x11e: {  	v0 =	vand.u32 $0x7, v0  }
0x11f: {  	v0 =	vor.u32 v0, v1  }
0x120: {  	v1 =	vperm.xlane v0, v9;
	_ =	sdelay $0x1  }
0x121: {  	v1 =	vadd.s32 v10, v1;
	_ =	sdelay $0x1  }
0x122: {  	v0 =	vperm.xlane v0, v11;
	_ =	sdelay $0x1  }
0x123: {  	v0 =	vadd.s32 v10, v0  }
0x124: {  	[hbm4b:s3+s2] =	stream.indirect_vreg.scatter [tilespmem:s19], [sflag:$0x1], $0x80, v1, vm15, $0xb8;
	[tilespmem:$0x10880] =	vst v63  }
0x125: {  	_ = 	snop  }
0x126: {  	[hbm4b:s4+s2] =	stream.indirect_vreg.scatter [tilespmem:s20], [sflag:$0x1], $0x80, v1, vm7, $0xb8;
	[tilespmem:$0x10880] =	vst v63  }
0x127: {  	_ = 	snop  }
0x128: {  	[hbm4b:s3+s2] =	stream.indirect_vreg.scatter [tilespmem:s21], [sflag:$0x1], $0x80, v0, vm15, $0xb8;
	[tilespmem:$0x10880] =	vst v63  }
0x129: {  	_ = 	snop  }
0x12a: {  	[hbm4b:s4+s2] =	stream.indirect_vreg.scatter [tilespmem:s22], [sflag:$0x1], $0x80, v0, vm7, $0xb8;
	[tilespmem:$0x10880] =	vst v63  }
0x12b: {  	v0 =	vld [tilespmem:$0x10060];
	_ =	sdelay $0x4  }
0x12c: {  	v62 =	vshrl.u32 v0, $0x3  }
0x12d: {  	v1 =	vmul.u32 $0x18, v62  }
0x12e: {  	v0 =	vand.u32 $0x7, v0  }
0x12f: {  	v0 =	vor.u32 v0, v1  }
0x130: {  	v1 =	vperm.xlane v0, v9;
	_ =	sdelay $0x1  }
0x131: {  	v1 =	vadd.s32 v10, v1;
	_ =	sdelay $0x1  }
0x132: {  	v0 =	vperm.xlane v0, v11;
	_ =	sdelay $0x1  }
0x133: {  	v0 =	vadd.s32 v10, v0  }
0x134: {  	[hbm4b:s3+s2] =	stream.indirect_vreg.scatter [tilespmem:s23], [sflag:$0x1], $0x80, v1, vm15, $0xb8;
	[tilespmem:$0x10880] =	vst v63  }
0x135: {  	_ = 	snop  }
0x136: {  	[hbm4b:s4+s2] =	stream.indirect_vreg.scatter [tilespmem:s24], [sflag:$0x1], $0x80, v1, vm7, $0xb8;
	[tilespmem:$0x10880] =	vst v63  }
0x137: {  	_ = 	snop  }
0x138: {  	[hbm4b:s3+s2] =	stream.indirect_vreg.scatter [tilespmem:s25], [sflag:$0x1], $0x80, v0, vm15, $0xb8;
	[tilespmem:$0x10880] =	vst v63  }
0x139: {  	_ = 	snop  }
0x13a: {  	[hbm4b:s4+s2] =	stream.indirect_vreg.scatter [tilespmem:s26], [sflag:$0x1], $0x80, v0, vm7, $0xb8;
	[tilespmem:$0x10880] =	vst v63  }
0x13b: {  	v0 =	vld [tilespmem:$0x10070];
	_ =	sdelay $0x4  }
0x13c: {  	v63 =	vshrl.u32 v0, $0x3  }
0x13d: {  	v1 =	vmul.u32 $0x18, v63  }
0x13e: {  	v0 =	vand.u32 $0x7, v0  }
0x13f: {  	v0 =	vor.u32 v0, v1  }
0x140: {  	v1 =	vperm.xlane v0, v9;
	_ =	sdelay $0x1  }
0x141: {  	v1 =	vadd.s32 v10, v1;
	_ =	sdelay $0x1  }
0x142: {  	v0 =	vperm.xlane v0, v11;
	_ =	sdelay $0x1  }
0x143: {  	v0 =	vadd.s32 v10, v0  }
0x144: {  	[hbm4b:s3+s2] =	stream.indirect_vreg.scatter [tilespmem:s28], [sflag:$0x1], $0x80, v1, vm15, $0xb8;
	[tilespmem:$0x10880] =	vst v63  }
0x145: {  	_ = 	snop  }
0x146: {  	[hbm4b:s4+s2] =	stream.indirect_vreg.scatter [tilespmem:s29], [sflag:$0x1], $0x80, v1, vm7, $0xb8;
	[tilespmem:$0x10880] =	vst v63  }
0x147: {  	p0 =	sne.s32 s5, $0x1  }
0x148: {  	[hbm4b:s3+s2] =	stream.indirect_vreg.scatter [tilespmem:s30], [sflag:$0x1], $0x80, v0, vm15, $0xb8;
	[tilespmem:$0x10880] =	vst v63  }
.Ltmp0:
0x149: {  	_ = 	snop;
	(pc) =	sbr.rel @p0 .LBB2_1-.Ltmp0, $4  }
0x14a: {  	[hbm4b:s4+s2] =	stream.indirect_vreg.scatter [tilespmem:s31], [sflag:$0x1], $0x80, v0, vm7, $0xb8;
	[tilespmem:$0x10880] =	vst v63  }
0x14b: {  	_ =	swait.ge [sflag:s1], $0xC000  }
0x14c: {  	[sflag:s1] =	ssyncset.done $0x0  }
0x14d: {  	s5 =	sadd.s32 $0xFFFFFFFF, s5;
	[sflag:s1] =	ssyncadd.s32 $0xFFFF4000  }
0x14e: {  	_ =	sfence.sel $0x180000  }
0x14f: {  	[bflag:$0x0] =	sbarrier.arrive $0xFFFF  }
0x150: {  	_ =	strace $0x9000004A  }
0x151: {  	s0 =	stileid.u32;
	[bflag:$0x2] =	sbarrier.arrive $0xFFFF  }
0x152: {  	p0 =	sne.s32 s0, $0x0;
	s0 =	rddreg [dreg:$0x2]  }
0x153: {  	s0 =	sadd.s32 @!p0 $0x100000, s0  }
0x154: {  	[sflag:s0] =	ssyncadd.tile.s32 @!p0 $0x1;
	_ =	shalt  }
.Lfunc_end2:
_tile_overlayer_lowered:
.L_overlay_start_2:
0x155: {  	(tag) =	ssettag $0x2  }
0x156: {  	s0 =	rddreg [dreg:$0x0];
	s2 =	stileid.u32  }
0x157: {  	s1 =	rddreg [dreg:$0x1];
	p0 =	sne.s32 s2, $0x0  }
0x158: {  	s3 =	rddreg [dreg:$0x2];
	[bflag:$0x3] =	sbarrier.arrive $0xFFFF;
	s2 =	simm.s32 @!p0 $0x1C02  }
0x159: {  	[timem:s3], [sflag:s2] =	dma.local @!p0 [hbm:s0], s1  }
0x15a: {  	s0 =	simm.s32 @!p0 $0x2  }
0x15b: {  	_ =	swait.ge @!p0 [sflag:s0], s1  }
0x15c: {  	s1 =	ssub.s32 @!p0 $0x0, s1;
	[sflag:s0] =	ssyncset.done @!p0 $0x0  }
0x15d: {  	[sflag:s0] =	ssyncadd.s32 @!p0 s1  }
0x15e: {  	[bflag:$0x3] =	sbarrier.arrive $0xFFFF  }
0x15f: {  	_ =	shalt  }

// kernel: kernel.7.cloned.1.call-start
scs
__scs_entry_jumppad:
0x0: {  	(pc) =	sbr.rel $0x88, $3  }
0x1: {  	(tag) =	ssettag $0x0;
	lr =	simm.s32 $0x1  }
0x2: {  	[smem:$0x3F96] =	sst lr;
	_ =	strace $0xD0000000  }
0x3: {  	_ = 	snop  }
0x4: {  	_ = 	snop  }
0x5: {  	_ = 	snop  }
0x6: {  	_ = 	snop  }
0x7: {  	_ = 	snop  }
__scs_overlays_trampoline_lowered:
0x8: {  	[smem:$0x3FA5] =	sst s0  }
0x9: {  	[smem:$0x3FA6] =	sst s1  }
0xa: {  	[smem:$0x3FA7] =	sst s2  }
0xb: {  	[smem:$0x3FA8] =	sst s3  }
0xc: {  	[smem:$0x3FA9] =	sst s4  }
0xd: {  	[smem:$0x3FAA] =	sst s5  }
0xe: {  	[smem:$0x3FAB] =	sst s6  }
0xf: {  	[smem:$0x3FAC] =	sst s7  }
0x10: {  	[smem:$0x3FAD] =	sst s8  }
0x11: {  	[smem:$0x3FAE] =	sst s9;
	s0 =	simm.s32 @!p0 $0x0  }
0x12: {  	s1 =	sld [smem:$0x3F94];
	s0 =	simm.s32 @p0 $0x1  }
0x13: {  	[smem:$0x3FAF] =	sst s0;
	s0 =	simm.s32 @!p1 $0x0  }
0x14: {  	s2 =	sld [smem:$0x3F93];
	s0 =	simm.s32 @p1 $0x1  }
0x15: {  	[smem:$0x3FB0] =	sst s0;
	s0 =	simm.s32 @!p2 $0x0  }
0x16: {  	s3 =	sld [smem:$0x3FDB];
	s0 =	simm.s32 @p2 $0x1  }
0x17: {  	s4 =	simm.s32 $0x1BF5;
	[smem:$0x3FB2] =	sst s0  }
0x18: {  	s0 =	sld [smem:$0x3F95];
	_ =	swait.ge [sflag:s4], $0x0  }
0x19: {  	s7 =	sld [smem:$0x3F96]  }
0x1a: {  	s8 =	sadd.s32 $0xFFFFE003, lr  }
0x1b: {  	s9 =	sadd.s32 $0xFFFFFEF7, lr;
	s5 =	simm.s32 $0xFFFFFFFF;
	p2 =	slt.u32 s8, $0xFFFFF086  }
0x1c: {  	p1 =	slt.u32 s9, $0xF7A;
	s5 =	simm.s32 @!p2 $0x0  }
0x1d: {  	s5 =	simm.s32 @p1 $0x1;
	p0 =	seq.s32 s7, s2  }
0x1e: {  	s7 =	smul.u32 @!p0 $0xF7A, s2;
	p2 =	seq.s32 @!p0 s5, $0x0  }
0x1f: {  	s9 =	smul.u32 $0xF7A, s1;
	s8 =	simm.s32 @!p0 $0x1BF5;
	p2 =	por !p2, p0  }
0x20: {  	[sflag:s8] =	ssyncset.s32 @!p0 $0xFFFFF086;
	s6 =	sadd.s32 @!p0 s3, s7;
	s7 =	simm.s32 @!p0 $0x108  }
0x21: {  	s3 =	sadd.s32 s3, s9;
	s6 =	sadd.s32 @!p0 $0x88, s6;
	s7 =	simm.s32 @p2 $0x1082  }
0x22: {  	[simem:s7], [sflag:s8] =	dma.local @!p0 [hbm:s6], $0xF7A  }
0x23: {  	s9 =	sor.u32 $0xD0000000, s2;
	s6 =	simm.s32 $0x108;
	_ =	swait.ge @!p0 [sflag:s8], $0x0  }
0x24: {  	s3 =	sadd.s32 $0x88, s3;
	s6 =	simm.s32 @!p1 $0x1082;
	[sflag:s4] =	ssyncset.s32 $0xFFFFF086  }
0x25: {  	[simem:s6], [sflag:s4] =	dma.local [hbm:s3], $0xF7A  }
0x26: {  	[smem:$0x3F96] =	sst s1;
	(tag) =	ssettag s2;
	_ =	strace s9  }
0x27: {  	s1 =	sld [smem:$0x3FA6]  }
0x28: {  	s2 =	sld [smem:$0x3FA7]  }
0x29: {  	s4 =	sld [smem:$0x3FA9]  }
0x2a: {  	p0 =	seq.s32 s5, $0x0;
	s5 =	sld [smem:$0x3FAA]  }
0x2b: {  	s6 =	sld [smem:$0x3FAB]  }
0x2c: {  	s7 =	sld [smem:$0x3FAC]  }
0x2d: {  	s3 =	simm.s32 $0x108;
	s8 =	sld [smem:$0x3FAD]  }
0x2e: {  	s3 =	simm.s32 @!p0 $0x1082;
	s9 =	sld [smem:$0x3FAE]  }
0x2f: {  	lr =	sadd.s32 s0, s3;
	s0 =	sld [smem:$0x3FA5]  }
0x30: {  	s3 =	sld [smem:$0x3FA8]  }
0x31: {  	[smem:$0x3FB1] =	sst s10  }
0x32: {  	s10 =	sld [smem:$0x3FAF];
	_ =	sdelay $0x3  }
0x33: {  	p0 =	seq.s32 s10, $0x1;
	s10 =	sld [smem:$0x3FB1];
	_ =	sdelay $0x3  }
0x34: {  	[smem:$0x3FB1] =	sst s10  }
0x35: {  	s10 =	sld [smem:$0x3FB0];
	_ =	sdelay $0x3  }
0x36: {  	p1 =	seq.s32 s10, $0x1;
	s10 =	sld [smem:$0x3FB1];
	_ =	sdelay $0x3  }
0x37: {  	[smem:$0x3FB1] =	sst s10  }
0x38: {  	s10 =	sld [smem:$0x3FB2]  }
0x39: {  	_ = 	snop;
	(pc) =	sbr.ind lr, $3  }
0x3a: {  	_ = 	snop  }
0x3b: {  	_ = 	snop  }
0x3c: {  	p2 =	seq.s32 s10, $0x1;
	s10 =	sld [smem:$0x3FB1]  }
0x3d: {  	_ =	shalt  }
0x3e: {  	_ =	shalt  }
0x3f: {  	_ =	shalt  }
0x40: {  	_ =	shalt  }
0x41: {  	_ =	shalt  }
0x42: {  	_ =	shalt  }
0x43: {  	_ =	shalt  }
0x44: {  	_ =	shalt  }
0x45: {  	_ =	shalt  }
0x46: {  	_ =	shalt  }
0x47: {  	_ =	shalt  }
0x48: {  	_ =	shalt  }
0x49: {  	_ =	shalt  }
0x4a: {  	_ =	shalt  }
0x4b: {  	_ =	shalt  }
0x4c: {  	_ =	shalt  }
0x4d: {  	_ =	shalt  }
0x4e: {  	_ =	shalt  }
0x4f: {  	_ =	shalt  }
0x50: {  	_ =	shalt  }
0x51: {  	_ =	shalt  }
0x52: {  	_ =	shalt  }
0x53: {  	_ =	shalt  }
0x54: {  	_ =	shalt  }
0x55: {  	_ =	shalt  }
0x56: {  	_ =	shalt  }
0x57: {  	_ =	shalt  }
0x58: {  	_ =	shalt  }
0x59: {  	_ =	shalt  }
0x5a: {  	_ =	shalt  }
0x5b: {  	_ =	shalt  }
0x5c: {  	_ =	shalt  }
0x5d: {  	_ =	shalt  }
0x5e: {  	_ =	shalt  }
0x5f: {  	_ =	shalt  }
0x60: {  	_ =	shalt  }
0x61: {  	_ =	shalt  }
0x62: {  	_ =	shalt  }
0x63: {  	_ =	shalt  }
0x64: {  	_ =	shalt  }
0x65: {  	_ =	shalt  }
0x66: {  	_ =	shalt  }
0x67: {  	_ =	shalt  }
0x68: {  	_ =	shalt  }
0x69: {  	_ =	shalt  }
0x6a: {  	_ =	shalt  }
0x6b: {  	_ =	shalt  }
0x6c: {  	_ =	shalt  }
0x6d: {  	_ =	shalt  }
0x6e: {  	_ =	shalt  }
0x6f: {  	_ =	shalt  }
0x70: {  	_ =	shalt  }
0x71: {  	_ =	shalt  }
0x72: {  	_ =	shalt  }
0x73: {  	_ =	shalt  }
0x74: {  	_ =	shalt  }
0x75: {  	_ =	shalt  }
0x76: {  	_ =	shalt  }
0x77: {  	_ =	shalt  }
0x78: {  	_ =	shalt  }
0x79: {  	_ =	shalt  }
0x7a: {  	_ =	shalt  }
0x7b: {  	_ =	shalt  }
0x7c: {  	_ =	shalt  }
0x7d: {  	_ =	shalt  }
0x7e: {  	_ =	shalt  }
0x7f: {  	_ =	shalt  }
0x80: {  	_ =	shalt  }
0x81: {  	_ =	shalt  }
0x82: {  	_ =	shalt  }
0x83: {  	_ =	shalt  }
0x84: {  	_ =	shalt  }
0x85: {  	_ =	shalt  }
0x86: {  	_ =	shalt  }
0x87: {  	_ =	shalt  }
.Lfunc_end0:
.L_simem_size_0:
called_computation_lowered:
.L_overlay_start_0:
0x88: {  	s2 =	sld [smem:$0x3FD9]  }
0x89: {  	s3 =	sld [smem:$0x3FFE];
	_ =	sdelay $0x1  }
0x8a: {  	s1 =	srdreg.scid  }
0x8b: {  	s0 =	sand.u32 $0x1, s1  }
0x8c: {  	s17 =	sshll.u32 s0, $0xA;
	s2 =	sadd.s32 s3, s2  }
0x8d: {  	s2 =	sadd.s32 s2, s17  }
0x8e: {  	[smem:$0x3FBD] =	sst s2  }
0x8f: {  	_ = 	snop  }
0x90: {  	s2 =	sld [smem:$0x3FD0];
	(tm) =	ssettm $0x1  }
0x91: {  	s18 =	sld [smem:$0x3FFB];
	_ =	sdelay $0x3  }
0x92: {  	_ =	strace s18  }
0x93: {  	s3 =	sld [smem:$0x3FFC];
	_ =	sdelay $0x3  }
0x94: {  	_ =	strace s3  }
0x95: {  	s3 =	sld [smem:$0x3FFD];
	_ =	sdelay $0x3  }
0x96: {  	_ =	strace s3  }
0x97: {  	_ =	strace $0x8FFFFFFF  }
0x98: {  	s19 =	sld [smem:$0x3FDB];
	_ =	sdelay $0x1  }
0x99: {  	s4 =	simm.s32 $_scs_section_size  }
0x9a: {  	s5 =	simm.s32 $_size__tile_overlayer_lowered;
	s6 =	simm.s32 $_tile_overlayer_lowered  }
0x9b: {  	s22 =	simm.s32 $0x1BFF;
	s21 =	sshll.u32 s6, $0x1;
	s3 =	sadd.s32 s4, s19  }
0x9c: {  	s7 =	simm.s32 $0x0;
	s20 =	sshll.u32 s5, $0x1;
	s5 =	sadd.s32 s21, s3  }
0x9d: {  	[timem:s7], [sflag:s22] =	dma.local [hbm:s5], s20  }
0x9e: {  	_ =	swait.ge [sflag:s22], s20  }
0x9f: {  	s4 =	ssub.s32 $0x0, s20;
	[sflag:s22] =	ssyncset.done $0x0  }
0xa0: {  	[sflag:s22] =	ssyncadd.s32 s4;
	_ =	sdelay $0x1  }
0xa1: {  	s23 =	simm.s32 $0x1B8B  }
0xa2: {  	_ =	swait.ge [sflag:s23], $0x1  }
0xa3: {  	[sflag:s23] =	ssyncset.done $0x0  }
0xa4: {  	s25 =	simm.s32 $0x1B8E;
	s24 =	sld [smem:$0x3FFE];
	[sflag:s23] =	ssyncadd.s32 $0xFFFFFFFF  }
0xa5: {  	s26 =	simm.s32 $execute0_lowered;
	[smem:$0x3FD2] =	sst s25  }
0xa6: {  	s5 =	sshll.u32 s26, $0x1;
	_ =	strace $0x80000046;
	[dreg:$0x1] =	wrdreg $0xFFFFFFFF  }
0xa7: {  	s28 =	simm.s32 $_size_execute0_lowered;
	s3 =	sadd.s32 s3, s5;
	[dreg:$0x0] =	wrdreg $0x0  }
0xa8: {  	s5 =	sshll.u32 s28, $0x1;
	[dreg:$0x2] =	wrdreg s3  }
0xa9: {  	[dreg:$0x3] =	wrdreg s5  }
0xaa: {  	[dreg:$0x4] =	wrdreg $0xC0  }
0xab: {  	_ =	task [dreg:s7], $0x5FFFF  }
0xac: {  	[dreg:$0x1] =	wrdreg $0xFFFFFFFF  }
0xad: {  	[dreg:$0x0] =	wrdreg $0x60  }
0xae: {  	[dreg:$0x2] =	wrdreg s2  }
0xaf: {  	[dreg:$0x3] =	wrdreg s24  }
0xb0: {  	[dreg:$0x4] =	wrdreg $0x9  }
0xb1: {  	_ =	task.clear_ibuf [dreg:s7], $0x5FFFF;
	_ =	strace $0x90000046  }
0xb2: {  	s29 =	simm.s32 $0x9;
	_ =	strace $0x80000048  }
0xb3: {  	_ =	swait.ge [sflag:s29], $0x1  }
0xb4: {  	[sflag:s29] =	ssyncadd.s32 $0xFFFFFFFF  }
0xb5: {  	_ =	strace $0x90000048  }
0xb6: {  	_ =	sfence  }
0xb7: {  	s30 =	sld [smem:$0x0];
	_ =	sdelay $0x2  }
0xb8: {  	s31 =	sshll.u32 s1, $0xD;
	s1 =	sshrl.u32 s1, $0x2  }
0xb9: {  	s3 =	sand.u32 $0x4000, s31;
	s1 =	sadd.s32 s1, s30  }
0xba: {  	s0 =	sor.u32 s3, s0;
	s1 =	sshll.u32 s1, $0x11  }
0xbb: {  	s0 =	sor.u32 s1, s0  }
0xbc: {  	s0 =	sadd.s32 $0x8F2B, s0  }
0xbd: {  	[sflag:s0] =	ssyncadd.remote.s32 $0x1  }
0xbe: {  	_ =	sfence.sel $0xFFFF  }
0xbf: {  	[dreg:$0x0] =	wrdreg $0xFFFFFFFF;
	(pc) =	sbr.abs _section_cstart, $3  }
0xc0: {  	[dreg:$0x1] =	wrdreg $0xFFFFFFFF  }
0xc1: {  	_ =	task.clear_ibuf [dreg:s7], $0x2FFFF;
	_ =	strace $0x9FFFFFFF  }
0xc2: {  	(tm) =	ssettm $0x7FFFFFFF  }
0xc3: {  	_ =	shalt  }
tec
execute0_lowered:
.L_overlay_start_1:
0x0: {  	(tag) =	ssettag $0x1  }
0x1: {  	s0 =	rddreg [dreg:$0x0]  }
0x2: {  	s1 =	srdreg.scid;
	s13 =	stileid.u32  }
0x3: {  	s6 =	rddreg [dreg:$0x1];
	s2 =	simm.s32 $0x0;
	s15 =	simm.s32 $0x2  }
0x4: {  	s20 =	simm.s32 $0x8000;
	s18 =	simm.s32 $0xC000;
	s19 =	simm.s32 $0xC080  }
0x5: {  	s21 =	simm.s32 $0xC00;
	s28 =	simm.s32 $0x3000;
	s29 =	simm.s32 $0x3800  }
0x6: {  	s30 =	simm.s32 $0x3C00;
	s31 =	simm.s32 $0x4400;
	s16 =	simm.s32 $0x0  }
0x7: {  	s1 =	sand.u32 $0x1, s1;
	s3 =	sshll.u32 s13, $0x1;
	[smem:$0x7FF] =	sst s2  }
0x8: {  	s5 =	sadd.s32 $0x54400, s6;
	s24 =	sshll.u32 s13, $0x7;
	s7 =	sor.u32 s1, s3  }
0x9: {  	_ =	strace $0x80000047;
	s10 =	ssub.s32 $0x2, s1;
	s1 =	sshll.u32 s1, $0x6  }
0xa: {  	s3 =	sshll.u32 s7, $0x3;
	s4 =	sshll.u32 s7, $0xA;
	s11 =	smul.u32 $0xC00, s7  }
0xb: {  	s12 =	sshrl.u32 s10, $0x1;
	v0 =	vmov s7;
	s7 =	simm.s32 $0x5C00;
	s8 =	sadd.s32 s3, s6  }
0xc: {  	s9 =	sadd.s32 s4, s6;
	s3 =	sadd.s32 $0x13C00, s6;
	s4 =	sadd.s32 $0x44200, s6  }
0xd: {  	s10 =	ssub.s32 s10, s12;
	s12 =	sadd.s32 $0x13D00, s6;
	s0 =	sadd.s32 s0, s11  }
0xe: {  	s6 =	simm.s32 $0x5400;
	s22 =	sadd.s32 $0x3800, s9;
	[dreg:$0x3] =	wrdreg s0  }
0xf: {  	s23 =	sadd.s32 $0xB800, s9;
	s25 =	sadd.s32 $0x13A00, s8;
	[dreg:$0x4] =	wrdreg s22  }
0x10: {  	s8 =	sadd.s32 $0x13800, s8;
	s11 =	sor.u32 s1, s24;
	[dreg:$0x5] =	wrdreg s23  }
0x11: {  	s26 =	smax.u32 s10, $0x1;
	s24 =	simm.s32 $0x2000;
	[dreg:$0x6] =	wrdreg s25  }
0x12: {  	s1 =	simm.s32 $0x4800;
	s9 =	simm.s32 $0xA000;
	[dreg:$0x7] =	wrdreg s8  }
0x13: {  	v3 =	vlaneseq.u32;
	vm0 =	vmmov $0xffff;
	vm1 =	vmmov $0xff;
	s10 =	simm.s32 $0x1;
	[dreg:$0x8] =	wrdreg s26;
	s14 =	sor.u32 $0x800, s11  }
0x14: {  	v2 =	vshrl.u32 v3, $0x3;
	v1 =	vand.u32 $0x7, v3;
	v0 =	vor.u32 $0x1000, v0;
	s22 =	simm.s32 $0x1400;
	s23 =	simm.s32 $0x1800;
	s25 =	simm.s32 $0x2400  }
0x15: {  	v3 =	vor.u32 $0x8, v3;
	v2 =	vmul.u32 $0x8, v2;
	v0 =	vbroadcast v0, $0x0;
	s26 =	simm.s32 $0x2C00;
	s0 =	simm.s32 $0x5000;
	s8 =	simm.s32 $0x40  }
.LBB2_1:
0x16: {  	s13 =	rddreg [dreg:$0x3]  }
0x17: {  	[tilespmem:s2], [sflag:$0x2] =	stream.linear.gather [hbm4b:s13+s2], $0x6000, $0x38;
	[tilespmem:$0xC100] =	vst v63  }
0x18: {  	_ =	swait.ge [sflag:s15], $0x6000  }
0x19: {  	[sflag:s15] =	ssyncset.done $0x0  }
0x1a: {  	s17 =	simm.s32 $0x6000;
	s13 =	rddreg [dreg:$0x4];
	[sflag:s15] =	ssyncadd.s32 $0xFFFFA000  }
0x1b: {  	[tilespmem:s17], [sflag:$0x2] =	stream.linear.gather [hbm4b:s13+s2], $0x2000, $0x38;
	[tilespmem:$0xC100] =	vst v63  }
0x1c: {  	_ =	swait.ge [sflag:s15], $0x2000  }
0x1d: {  	[sflag:s15] =	ssyncset.done $0x0  }
0x1e: {  	s17 =	rddreg [dreg:$0x5];
	[sflag:s15] =	ssyncadd.s32 $0xFFFFE000  }
0x1f: {  	[tilespmem:s20], [sflag:$0x2] =	stream.linear.gather [hbm4b:s17+s2], $0x2000, $0x38;
	[tilespmem:$0xC100] =	vst v63  }
0x20: {  	_ =	swait.ge [sflag:s15], $0x2000  }
0x21: {  	[sflag:s15] =	ssyncset.done $0x0  }
0x22: {  	s20 =	rddreg [dreg:$0x6];
	[sflag:s15] =	ssyncadd.s32 $0xFFFFE000  }
0x23: {  	[tilespmem:s18], [sflag:$0x2] =	stream.linear.gather [hbm4b:s20+s2], $0x40, $0x38;
	[tilespmem:$0xC100] =	vst v63  }
0x24: {  	_ =	swait.ge [sflag:s15], $0x40  }
0x25: {  	[sflag:s15] =	ssyncset.done $0x0  }
0x26: {  	s17 =	rddreg [dreg:$0x7];
	[sflag:s15] =	ssyncadd.s32 $0xFFFFFFC0  }
0x27: {  	[tilespmem:s19], [sflag:$0x2] =	stream.linear.gather [hbm4b:s17+s2], $0x40, $0x38;
	[tilespmem:$0xC100] =	vst v63  }
0x28: {  	_ =	swait.ge [sflag:s15], $0x40  }
0x29: {  	[sflag:s15] =	ssyncset.done $0x0  }
0x2a: {  	[sflag:s15] =	ssyncadd.s32 $0xFFFFFFC0  }
0x2b: {  	v4 =	vld [tilespmem:$0xC000]  }
0x2c: {  	v5 =	vld [tilespmem:$0xC080]  }
0x2d: {  	v6 =	vld [tilespmem:$0xC010]  }
0x2e: {  	v7 =	vld [tilespmem:$0xC090]  }
0x2f: {  	v8 =	vld [tilespmem:$0xC020]  }
0x30: {  	v9 =	vld [tilespmem:$0xC0A0];
	vm2 =	veq.s32 v4, $0x1000  }
0x31: {  	v10 =	vld [tilespmem:$0xC030];
	v4 =	vsel vm2, v0, v4;
	vm2 =	veq.s32 v5, $0x1000  }
0x32: {  	[tilespmem:$0xC000] =	vst v4;
	v4 =	vsel vm2, v0, v5;
	vm2 =	veq.s32 v6, $0x1000;
	v5 =	vld [tilespmem:$0xC0B0]  }
0x33: {  	[tilespmem:$0xC080] =	vst v4;
	v4 =	vsel vm2, v0, v6;
	vm2 =	veq.s32 v7, $0x1000  }
0x34: {  	[tilespmem:$0xC010] =	vst v4;
	v4 =	vsel vm2, v0, v7;
	vm2 =	veq.s32 v8, $0x1000  }
0x35: {  	[tilespmem:$0xC090] =	vst v4;
	v4 =	vsel vm2, v0, v8;
	vm2 =	veq.s32 v9, $0x1000  }
0x36: {  	[tilespmem:$0xC020] =	vst v4;
	v4 =	vsel vm2, v0, v9;
	vm2 =	veq.s32 v10, $0x1000  }
0x37: {  	[tilespmem:$0xC0A0] =	vst v4;
	v4 =	vsel vm2, v0, v10;
	vm2 =	veq.s32 v5, $0x1000  }
0x38: {  	s20 =	sadd.s32 $0x0, s11;
	[tilespmem:$0xC030] =	vst v4;
	v4 =	vsel vm2, v0, v5  }
0x39: {  	s17 =	simm.s32 $0xA040;
	[tilespmem:$0xC0B0] =	vst v4;
	v4 =	vmov s20  }
0x3a: {  	[tilespmem:s17+$0x30] =	vst v4  }
0x3b: {  	[tilespmem:s17+$0xFFFFFFC0] =	vst v4  }
0x3c: {  	[tilespmem:s17+$0xFFFFFFD0] =	vst v4  }
0x3d: {  	[tilespmem:s17+$0xFFFFFFE0] =	vst v4  }
0x3e: {  	[tilespmem:s17+$0xFFFFFFF0] =	vst v4  }
0x3f: {  	[tilespmem:s17+$0x0] =	vst v4  }
0x40: {  	s13 =	simm.s32 $0x2;
	s20 =	sadd.s32 $0x1, s11;
	[tilespmem:s17+$0x10] =	vst v4  }
.LBB2_2:
0x41: {  	p0 =	sne.s32 s13, $0x3F;
	[tilespmem:s17+$0x20] =	vst v4;
	v4 =	vmov s20;
	s17 =	sadd.s32 $0x80, s17  }
0x42: {  	[tilespmem:s17+$0x30] =	vst v4  }
0x43: {  	[tilespmem:s17+$0xFFFFFFC0] =	vst v4  }
.Ltmp0:
0x44: {  	[tilespmem:s17+$0xFFFFFFD0] =	vst v4;
	(pc) =	sbr.rel @p0 .LBB2_2-.Ltmp0, $4  }
0x45: {  	[tilespmem:s17+$0xFFFFFFE0] =	vst v4  }
0x46: {  	[tilespmem:s17+$0xFFFFFFF0] =	vst v4  }
0x47: {  	[tilespmem:s17+$0x0] =	vst v4  }
0x48: {  	s20 =	sadd.s32 s13, s11;
	s13 =	sadd.s32 $0x1, s13;
	[tilespmem:s17+$0x10] =	vst v4  }
0x49: {  	v5 =	vmov s20;
	[tilespmem:s17+$0x20] =	vst v4;
	s13 =	sadd.s32 $0x80, s17  }
0x4a: {  	[tilespmem:s13+$0x30] =	vst v5  }
0x4b: {  	[tilespmem:s13+$0xFFFFFFC0] =	vst v5  }
0x4c: {  	[tilespmem:s13+$0xFFFFFFD0] =	vst v5  }
0x4d: {  	[tilespmem:s13+$0xFFFFFFE0] =	vst v5  }
0x4e: {  	[tilespmem:s13+$0xFFFFFFF0] =	vst v5  }
0x4f: {  	[tilespmem:s13+$0x0] =	vst v5  }
0x50: {  	[tilespmem:s13+$0x10] =	vst v5  }
0x51: {  	[tilespmem:s13+$0x20] =	vst v5  }
0x52: {  	v4 =	vld [tilespmem:$0xC000];
	_ =	sdelay $0x4  }
0x53: {  	v5 =	vshrl.u32 v4, $0x3  }
0x54: {  	v5 =	vmul.u32 $0x18, v5  }
0x55: {  	v4 =	vand.u32 $0x7, v4  }
0x56: {  	v4 =	vor.u32 v4, v5  }
0x57: {  	v5 =	vperm.xlane v4, v1;
	_ =	sdelay $0x1  }
0x58: {  	v5 =	vadd.s32 v2, v5;
	_ =	sdelay $0x1  }
0x59: {  	v4 =	vperm.xlane v4, v3;
	_ =	sdelay $0x1  }
0x5a: {  	s13 =	simm.s32 $0x0;
	v4 =	vadd.s32 v2, v4  }
0x5b: {  	[hbm4b:s3+s13] =	stream.indirect_vreg.scatter [tilespmem:s13], [sflag:$0x1], $0x80, v5, vm0, $0xb8;
	[tilespmem:$0xC100] =	vst v63  }
0x5c: {  	s20 =	simm.s32 $0x800  }
0x5d: {  	[hbm4b:s12+s13] =	stream.indirect_vreg.scatter [tilespmem:s20], [sflag:$0x1], $0x80, v5, vm1, $0xb8;
	[tilespmem:$0xC100] =	vst v63  }
0x5e: {  	_ = 	snop  }
0x5f: {  	[hbm4b:s3+s13] =	stream.indirect_vreg.scatter [tilespmem:s21], [sflag:$0x1], $0x80, v4, vm0, $0xb8;
	[tilespmem:$0xC100] =	vst v63  }
0x60: {  	_ = 	snop  }
0x61: {  	[hbm4b:s12+s13] =	stream.indirect_vreg.scatter [tilespmem:s22], [sflag:$0x1], $0x80, v4, vm1, $0xb8;
	[tilespmem:$0xC100] =	vst v63  }
0x62: {  	v4 =	vld [tilespmem:$0xC010];
	_ =	sdelay $0x4  }
0x63: {  	v5 =	vshrl.u32 v4, $0x3  }
0x64: {  	v5 =	vmul.u32 $0x18, v5  }
0x65: {  	v4 =	vand.u32 $0x7, v4  }
0x66: {  	v4 =	vor.u32 v4, v5  }
0x67: {  	v5 =	vperm.xlane v4, v1;
	_ =	sdelay $0x1  }
0x68: {  	v5 =	vadd.s32 v2, v5;
	_ =	sdelay $0x1  }
0x69: {  	v4 =	vperm.xlane v4, v3;
	_ =	sdelay $0x1  }
0x6a: {  	v4 =	vadd.s32 v2, v4  }
0x6b: {  	[hbm4b:s3+s13] =	stream.indirect_vreg.scatter [tilespmem:s23], [sflag:$0x1], $0x80, v5, vm0, $0xb8;
	[tilespmem:$0xC100] =	vst v63  }
0x6c: {  	_ = 	snop  }
0x6d: {  	[hbm4b:s12+s13] =	stream.indirect_vreg.scatter [tilespmem:s24], [sflag:$0x1], $0x80, v5, vm1, $0xb8;
	[tilespmem:$0xC100] =	vst v63  }
0x6e: {  	_ = 	snop  }
0x6f: {  	[hbm4b:s3+s13] =	stream.indirect_vreg.scatter [tilespmem:s25], [sflag:$0x1], $0x80, v4, vm0, $0xb8;
	[tilespmem:$0xC100] =	vst v63  }
0x70: {  	_ = 	snop  }
0x71: {  	[hbm4b:s12+s13] =	stream.indirect_vreg.scatter [tilespmem:s26], [sflag:$0x1], $0x80, v4, vm1, $0xb8;
	[tilespmem:$0xC100] =	vst v63  }
0x72: {  	v4 =	vld [tilespmem:$0xC020];
	_ =	sdelay $0x4  }
0x73: {  	v5 =	vshrl.u32 v4, $0x3  }
0x74: {  	v5 =	vmul.u32 $0x18, v5  }
0x75: {  	v4 =	vand.u32 $0x7, v4  }
0x76: {  	v4 =	vor.u32 v4, v5  }
0x77: {  	v5 =	vperm.xlane v4, v1;
	_ =	sdelay $0x1  }
0x78: {  	v5 =	vadd.s32 v2, v5;
	_ =	sdelay $0x1  }
0x79: {  	v4 =	vperm.xlane v4, v3;
	_ =	sdelay $0x1  }
0x7a: {  	v4 =	vadd.s32 v2, v4  }
0x7b: {  	[hbm4b:s3+s13] =	stream.indirect_vreg.scatter [tilespmem:s28], [sflag:$0x1], $0x80, v5, vm0, $0xb8;
	[tilespmem:$0xC100] =	vst v63  }
0x7c: {  	_ = 	snop  }
0x7d: {  	[hbm4b:s12+s13] =	stream.indirect_vreg.scatter [tilespmem:s29], [sflag:$0x1], $0x80, v5, vm1, $0xb8;
	[tilespmem:$0xC100] =	vst v63  }
0x7e: {  	_ = 	snop  }
0x7f: {  	[hbm4b:s3+s13] =	stream.indirect_vreg.scatter [tilespmem:s30], [sflag:$0x1], $0x80, v4, vm0, $0xb8;
	[tilespmem:$0xC100] =	vst v63  }
0x80: {  	_ = 	snop  }
0x81: {  	[hbm4b:s12+s13] =	stream.indirect_vreg.scatter [tilespmem:s31], [sflag:$0x1], $0x80, v4, vm1, $0xb8;
	[tilespmem:$0xC100] =	vst v63  }
0x82: {  	v4 =	vld [tilespmem:$0xC030];
	_ =	sdelay $0x4  }
0x83: {  	v5 =	vshrl.u32 v4, $0x3  }
0x84: {  	v5 =	vmul.u32 $0x18, v5  }
0x85: {  	v4 =	vand.u32 $0x7, v4  }
0x86: {  	v4 =	vor.u32 v4, v5  }
0x87: {  	v5 =	vperm.xlane v4, v1;
	_ =	sdelay $0x1  }
0x88: {  	v5 =	vadd.s32 v2, v5;
	_ =	sdelay $0x1  }
0x89: {  	v4 =	vperm.xlane v4, v3;
	_ =	sdelay $0x1  }
0x8a: {  	v4 =	vadd.s32 v2, v4  }
0x8b: {  	[hbm4b:s3+s13] =	stream.indirect_vreg.scatter [tilespmem:s1], [sflag:$0x1], $0x80, v5, vm0, $0xb8;
	[tilespmem:$0xC100] =	vst v63  }
0x8c: {  	_ = 	snop  }
0x8d: {  	[hbm4b:s12+s13] =	stream.indirect_vreg.scatter [tilespmem:s0], [sflag:$0x1], $0x80, v5, vm1, $0xb8;
	[tilespmem:$0xC100] =	vst v63  }
0x8e: {  	_ = 	snop  }
0x8f: {  	[hbm4b:s3+s13] =	stream.indirect_vreg.scatter [tilespmem:s6], [sflag:$0x1], $0x80, v4, vm0, $0xb8;
	[tilespmem:$0xC100] =	vst v63  }
0x90: {  	_ = 	snop  }
0x91: {  	[hbm4b:s12+s13] =	stream.indirect_vreg.scatter [tilespmem:s7], [sflag:$0x1], $0x80, v4, vm1, $0xb8;
	[tilespmem:$0xC100] =	vst v63  }
0x92: {  	s17 =	simm.s32 $0x6000  }
0x93: {  	[hbm4b:s4+s8] =	stream.indirect.scatter [tilespmem:s17], [sflag:$0x1], $0x80, s18, s8, $0xb8;
	[tilespmem:$0xC100] =	vst v63  }
0x94: {  	_ = 	snop  }
0x95: {  	[hbm4b:s5+s8] =	stream.indirect.scatter [tilespmem:s9], [sflag:$0x1], $0x80, s18, s8, $0xb8;
	[tilespmem:$0xC100] =	vst v63  }
0x96: {  	_ =	swait.ge [sflag:s10], $0x6000  }
0x97: {  	[sflag:s10] =	ssyncset.done $0x0  }
0x98: {  	[sflag:s10] =	ssyncadd.s32 $0xFFFFA000  }
0x99: {  	_ =	swait.ge [sflag:s10], $0x2000  }
0x9a: {  	[sflag:s10] =	ssyncset.done $0x0  }
0x9b: {  	[sflag:s10] =	ssyncadd.s32 $0xFFFFE000  }
0x9c: {  	_ =	swait.ge [sflag:s10], $0x2000  }
0x9d: {  	s20 =	sadd.s32 $0x0, s14;
	[sflag:s10] =	ssyncset.done $0x0  }
0x9e: {  	v4 =	vmov s20;
	s17 =	simm.s32 $0xA040;
	[sflag:s10] =	ssyncadd.s32 $0xFFFFE000  }
0x9f: {  	[tilespmem:s17+$0x30] =	vst v4  }
0xa0: {  	[tilespmem:s17+$0xFFFFFFC0] =	vst v4  }
0xa1: {  	[tilespmem:s17+$0xFFFFFFD0] =	vst v4  }
0xa2: {  	[tilespmem:s17+$0xFFFFFFE0] =	vst v4  }
0xa3: {  	[tilespmem:s17+$0xFFFFFFF0] =	vst v4  }
0xa4: {  	[tilespmem:s17+$0x0] =	vst v4  }
0xa5: {  	s20 =	sadd.s32 $0x1, s14;
	s13 =	simm.s32 $0x2;
	[tilespmem:s17+$0x10] =	vst v4  }
.LBB2_4:
0xa6: {  	p0 =	sne.s32 s13, $0x3F;
	[tilespmem:s17+$0x20] =	vst v4;
	v4 =	vmov s20;
	s17 =	sadd.s32 $0x80, s17  }
0xa7: {  	[tilespmem:s17+$0x30] =	vst v4  }
0xa8: {  	[tilespmem:s17+$0xFFFFFFC0] =	vst v4  }
.Ltmp1:
0xa9: {  	[tilespmem:s17+$0xFFFFFFD0] =	vst v4;
	(pc) =	sbr.rel @p0 .LBB2_4-.Ltmp1, $4  }
0xaa: {  	[tilespmem:s17+$0xFFFFFFE0] =	vst v4  }
0xab: {  	[tilespmem:s17+$0xFFFFFFF0] =	vst v4  }
0xac: {  	[tilespmem:s17+$0x0] =	vst v4  }
0xad: {  	s20 =	sadd.s32 s13, s14;
	s13 =	sadd.s32 $0x1, s13;
	[tilespmem:s17+$0x10] =	vst v4  }
0xae: {  	v5 =	vmov s20;
	[tilespmem:s17+$0x20] =	vst v4;
	s13 =	sadd.s32 $0x80, s17  }
0xaf: {  	[tilespmem:s13+$0x30] =	vst v5  }
0xb0: {  	[tilespmem:s13+$0xFFFFFFC0] =	vst v5  }
0xb1: {  	[tilespmem:s13+$0xFFFFFFD0] =	vst v5  }
0xb2: {  	[tilespmem:s13+$0xFFFFFFE0] =	vst v5  }
0xb3: {  	[tilespmem:s13+$0xFFFFFFF0] =	vst v5  }
0xb4: {  	[tilespmem:s13+$0x0] =	vst v5  }
0xb5: {  	[tilespmem:s13+$0x10] =	vst v5  }
0xb6: {  	[tilespmem:s13+$0x20] =	vst v5  }
0xb7: {  	v4 =	vld [tilespmem:$0xC080];
	_ =	sdelay $0x4  }
0xb8: {  	v5 =	vshrl.u32 v4, $0x3  }
0xb9: {  	v5 =	vmul.u32 $0x18, v5  }
0xba: {  	v4 =	vand.u32 $0x7, v4  }
0xbb: {  	v4 =	vor.u32 v4, v5  }
0xbc: {  	v5 =	vperm.xlane v4, v1;
	_ =	sdelay $0x1  }
0xbd: {  	v5 =	vadd.s32 v2, v5;
	_ =	sdelay $0x1  }
0xbe: {  	v4 =	vperm.xlane v4, v3;
	_ =	sdelay $0x1  }
0xbf: {  	v4 =	vadd.s32 v2, v4  }
0xc0: {  	[hbm4b:s3+s2] =	stream.indirect_vreg.scatter [tilespmem:s2], [sflag:$0x1], $0x80, v5, vm0, $0xb8;
	[tilespmem:$0xC100] =	vst v63  }
0xc1: {  	s20 =	simm.s32 $0x800  }
0xc2: {  	[hbm4b:s12+s2] =	stream.indirect_vreg.scatter [tilespmem:s20], [sflag:$0x1], $0x80, v5, vm1, $0xb8;
	[tilespmem:$0xC100] =	vst v63  }
0xc3: {  	_ = 	snop  }
0xc4: {  	[hbm4b:s3+s2] =	stream.indirect_vreg.scatter [tilespmem:s21], [sflag:$0x1], $0x80, v4, vm0, $0xb8;
	[tilespmem:$0xC100] =	vst v63  }
0xc5: {  	_ = 	snop  }
0xc6: {  	[hbm4b:s12+s2] =	stream.indirect_vreg.scatter [tilespmem:s22], [sflag:$0x1], $0x80, v4, vm1, $0xb8;
	[tilespmem:$0xC100] =	vst v63  }
0xc7: {  	v4 =	vld [tilespmem:$0xC090];
	_ =	sdelay $0x4  }
0xc8: {  	v5 =	vshrl.u32 v4, $0x3  }
0xc9: {  	v5 =	vmul.u32 $0x18, v5  }
0xca: {  	v4 =	vand.u32 $0x7, v4  }
0xcb: {  	v4 =	vor.u32 v4, v5  }
0xcc: {  	v5 =	vperm.xlane v4, v1;
	_ =	sdelay $0x1  }
0xcd: {  	v5 =	vadd.s32 v2, v5;
	_ =	sdelay $0x1  }
0xce: {  	v4 =	vperm.xlane v4, v3;
	_ =	sdelay $0x1  }
0xcf: {  	v4 =	vadd.s32 v2, v4  }
0xd0: {  	[hbm4b:s3+s2] =	stream.indirect_vreg.scatter [tilespmem:s23], [sflag:$0x1], $0x80, v5, vm0, $0xb8;
	[tilespmem:$0xC100] =	vst v63  }
0xd1: {  	_ = 	snop  }
0xd2: {  	[hbm4b:s12+s2] =	stream.indirect_vreg.scatter [tilespmem:s24], [sflag:$0x1], $0x80, v5, vm1, $0xb8;
	[tilespmem:$0xC100] =	vst v63  }
0xd3: {  	_ = 	snop  }
0xd4: {  	[hbm4b:s3+s2] =	stream.indirect_vreg.scatter [tilespmem:s25], [sflag:$0x1], $0x80, v4, vm0, $0xb8;
	[tilespmem:$0xC100] =	vst v63  }
0xd5: {  	_ = 	snop  }
0xd6: {  	[hbm4b:s12+s2] =	stream.indirect_vreg.scatter [tilespmem:s26], [sflag:$0x1], $0x80, v4, vm1, $0xb8;
	[tilespmem:$0xC100] =	vst v63  }
0xd7: {  	v4 =	vld [tilespmem:$0xC0A0];
	_ =	sdelay $0x4  }
0xd8: {  	v5 =	vshrl.u32 v4, $0x3  }
0xd9: {  	v5 =	vmul.u32 $0x18, v5  }
0xda: {  	v4 =	vand.u32 $0x7, v4  }
0xdb: {  	v4 =	vor.u32 v4, v5  }
0xdc: {  	v5 =	vperm.xlane v4, v1;
	_ =	sdelay $0x1  }
0xdd: {  	v5 =	vadd.s32 v2, v5;
	_ =	sdelay $0x1  }
0xde: {  	v4 =	vperm.xlane v4, v3;
	_ =	sdelay $0x1  }
0xdf: {  	v4 =	vadd.s32 v2, v4  }
0xe0: {  	[hbm4b:s3+s2] =	stream.indirect_vreg.scatter [tilespmem:s28], [sflag:$0x1], $0x80, v5, vm0, $0xb8;
	[tilespmem:$0xC100] =	vst v63  }
0xe1: {  	_ = 	snop  }
0xe2: {  	[hbm4b:s12+s2] =	stream.indirect_vreg.scatter [tilespmem:s29], [sflag:$0x1], $0x80, v5, vm1, $0xb8;
	[tilespmem:$0xC100] =	vst v63  }
0xe3: {  	_ = 	snop  }
0xe4: {  	[hbm4b:s3+s2] =	stream.indirect_vreg.scatter [tilespmem:s30], [sflag:$0x1], $0x80, v4, vm0, $0xb8;
	[tilespmem:$0xC100] =	vst v63  }
0xe5: {  	_ = 	snop  }
0xe6: {  	[hbm4b:s12+s2] =	stream.indirect_vreg.scatter [tilespmem:s31], [sflag:$0x1], $0x80, v4, vm1, $0xb8;
	[tilespmem:$0xC100] =	vst v63  }
0xe7: {  	v4 =	vld [tilespmem:$0xC0B0];
	_ =	sdelay $0x4  }
0xe8: {  	v5 =	vshrl.u32 v4, $0x3  }
0xe9: {  	v5 =	vmul.u32 $0x18, v5  }
0xea: {  	v4 =	vand.u32 $0x7, v4  }
0xeb: {  	v4 =	vor.u32 v4, v5  }
0xec: {  	v5 =	vperm.xlane v4, v1;
	_ =	sdelay $0x1  }
0xed: {  	v5 =	vadd.s32 v2, v5;
	_ =	sdelay $0x1  }
0xee: {  	v4 =	vperm.xlane v4, v3;
	_ =	sdelay $0x1  }
0xef: {  	v4 =	vadd.s32 v2, v4  }
0xf0: {  	[hbm4b:s3+s2] =	stream.indirect_vreg.scatter [tilespmem:s1], [sflag:$0x1], $0x80, v5, vm0, $0xb8;
	[tilespmem:$0xC100] =	vst v63  }
0xf1: {  	_ = 	snop  }
0xf2: {  	[hbm4b:s12+s2] =	stream.indirect_vreg.scatter [tilespmem:s0], [sflag:$0x1], $0x80, v5, vm1, $0xb8;
	[tilespmem:$0xC100] =	vst v63  }
0xf3: {  	_ = 	snop  }
0xf4: {  	[hbm4b:s3+s2] =	stream.indirect_vreg.scatter [tilespmem:s6], [sflag:$0x1], $0x80, v4, vm0, $0xb8;
	[tilespmem:$0xC100] =	vst v63  }
0xf5: {  	_ = 	snop  }
0xf6: {  	[hbm4b:s12+s2] =	stream.indirect_vreg.scatter [tilespmem:s7], [sflag:$0x1], $0x80, v4, vm1, $0xb8;
	[tilespmem:$0xC100] =	vst v63  }
0xf7: {  	s20 =	simm.s32 $0x8000  }
0xf8: {  	[hbm4b:s4+s8] =	stream.indirect.scatter [tilespmem:s20], [sflag:$0x1], $0x80, s19, s8, $0xb8;
	[tilespmem:$0xC100] =	vst v63  }
0xf9: {  	_ = 	snop  }
0xfa: {  	[hbm4b:s5+s8] =	stream.indirect.scatter [tilespmem:s9], [sflag:$0x1], $0x80, s19, s8, $0xb8;
	[tilespmem:$0xC100] =	vst v63  }
0xfb: {  	_ =	swait.ge [sflag:s10], $0x6000  }
0xfc: {  	[sflag:s10] =	ssyncset.done $0x0  }
0xfd: {  	[sflag:s10] =	ssyncadd.s32 $0xFFFFA000  }
0xfe: {  	_ =	swait.ge [sflag:s10], $0x2000  }
0xff: {  	[sflag:s10] =	ssyncset.done $0x0  }
0x100: {  	[sflag:s10] =	ssyncadd.s32 $0xFFFFE000  }
0x101: {  	_ =	swait.ge [sflag:s10], $0x2000  }
0x102: {  	s16 =	sadd.s32 $0x1, s16;
	s17 =	rddreg [dreg:$0x8]  }
0x103: {  	p0 =	sne.s32 s16, s17  }
.Ltmp2:
0x104: {  	_ = 	snop;
	(pc) =	sbr.rel @p0 .LBB2_1-.Ltmp2, $3  }
0x105: {  	_ =	sdelay $0x1  }
0x106: {  	[sflag:s10] =	ssyncset.done $0x0  }
0x107: {  	[sflag:s10] =	ssyncadd.s32 $0xFFFFE000  }
0x108: {  	_ =	sfence.sel $0x180000  }
0x109: {  	[bflag:$0x0] =	sbarrier.arrive $0xFFFF  }
0x10a: {  	_ =	strace $0x90000047  }
0x10b: {  	s0 =	stileid.u32;
	[bflag:$0x2] =	sbarrier.arrive $0xFFFF  }
0x10c: {  	p0 =	sne.s32 s0, $0x0;
	s0 =	rddreg [dreg:$0x2]  }
0x10d: {  	s0 =	sadd.s32 @!p0 $0x100000, s0  }
0x10e: {  	[sflag:s0] =	ssyncadd.tile.s32 @!p0 $0x1;
	_ =	shalt  }
.Lfunc_end2:
_tile_overlayer_lowered:
.L_overlay_start_2:
0x10f: {  	(tag) =	ssettag $0x2  }
0x110: {  	s0 =	rddreg [dreg:$0x0];
	s2 =	stileid.u32  }
0x111: {  	s1 =	rddreg [dreg:$0x1];
	p0 =	sne.s32 s2, $0x0  }
0x112: {  	s3 =	rddreg [dreg:$0x2];
	[bflag:$0x3] =	sbarrier.arrive $0xFFFF;
	s2 =	simm.s32 @!p0 $0x1C02  }
0x113: {  	[timem:s3], [sflag:s2] =	dma.local @!p0 [hbm:s0], s1  }
0x114: {  	s0 =	simm.s32 @!p0 $0x2  }
0x115: {  	_ =	swait.ge @!p0 [sflag:s0], s1  }
0x116: {  	s1 =	ssub.s32 @!p0 $0x0, s1;
	[sflag:s0] =	ssyncset.done @!p0 $0x0  }
0x117: {  	[sflag:s0] =	ssyncadd.s32 @!p0 s1  }
0x118: {  	[bflag:$0x3] =	sbarrier.arrive $0xFFFF  }
0x119: {  	_ =	shalt  }

</sc_bundles>
